<compile_context>
chip_gen: v7x
topology: tpu7x:2x2x1
jax: 0.10.2.dev20260603
libtpu: 0.0.44.dev20260713+nightly
codegen_flags: <defaults>
</compile_context>

<pallas_src>
import functools

import jax
import jax.numpy as jnp
from jax import lax
from jax.experimental import pallas as pl
from jax.experimental.pallas import tpu as pltpu
from jax.experimental.pallas import tpu_sc as plsc

MAX_LEN = 200
EMB_DIM = 128
BATCH = 4096
HIDDEN = 32
PK = EMB_DIM // 2
K = 4
BK = BATCH // K
NTOK_K = BK * MAX_LEN
NQ = NTOK_K // 2

_info = plsc.get_sparse_core_info()
_NC, _NS = _info.num_cores, _info.num_subcores
NW = _NC * _NS
HW = NW // 2
ROWS_PER_W = NTOK_K // NW
CH = 128
NCHUNK = ROWS_PER_W // CH


def _make_sc_gather():
    mesh = plsc.VectorSubcoreMesh(core_axis_name="c", subcore_axis_name="s")

    @functools.partial(
        pl.kernel,
        mesh=mesh,
        out_type=jax.ShapeDtypeStruct((NQ, EMB_DIM), jnp.int32),
        scratch_types=[
            pltpu.VMEM((ROWS_PER_W,), jnp.int32),
            pltpu.VMEM((CH, PK), jnp.int32),
            pltpu.VMEM((CH, PK), jnp.int32),
            pltpu.SemaphoreType.DMA,
            pltpu.SemaphoreType.DMA,
            pltpu.SemaphoreType.DMA,
            pltpu.SemaphoreType.DMA,
        ],
        compiler_params=pltpu.CompilerParams(use_tc_tiling_on_sc=False),
    )
    def gather_k(idx_hbm, table_hbm, out_hbm, idx_v, rows0, rows1, g0, g1, o0, o1):
        wid = lax.axis_index("s") * _NC + lax.axis_index("c")
        base = wid * ROWS_PER_W
        qbase = (wid % HW) * ROWS_PER_W
        lane0 = (wid // HW) * PK
        pltpu.sync_copy(idx_hbm.at[pl.ds(base, ROWS_PER_W)], idx_v)

        def g_start(c, buf, sem):
            pltpu.async_copy(table_hbm.at[idx_v.at[pl.ds(c * CH, CH)]], buf, sem)

        def g_wait(buf, sem):
            pltpu.make_async_copy(
                table_hbm.at[idx_v.at[pl.ds(0, CH)]], buf, sem
            ).wait()

        def o_start(c, buf, sem):
            pltpu.async_copy(
                buf,
                out_hbm.at[pl.ds(qbase + c * CH, CH), pl.ds(lane0, PK)],
                sem,
            )

        def o_wait(buf, sem):
            pltpu.make_async_copy(
                buf, out_hbm.at[pl.ds(qbase, CH), pl.ds(lane0, PK)], sem
            ).wait()

        g_start(0, rows0, g0)
        g_start(1, rows1, g1)

        def body(p, carry):
            c = 2 * p
            g_wait(rows0, g0)
            o_start(c, rows0, o0)
            g_wait(rows1, g1)
            o_start(c + 1, rows1, o1)

            @pl.when(p + 1 < NCHUNK // 2)
            def _():
                o_wait(rows0, o0)
                g_start(c + 2, rows0, g0)
                o_wait(rows1, o1)
                g_start(c + 3, rows1, g1)

            return carry

        lax.fori_loop(0, NCHUNK // 2, body, 0)
        o_wait(rows0, o0)
        o_wait(rows1, o1)

    return gather_k


_sc_gather = _make_sc_gather()

VOCAB_BLK = 4000


def _pack_body(e_ref, t_ref):
    eb = e_ref[...].astype(jnp.bfloat16)
    lo = lax.bitcast_convert_type(eb[:, :PK], jnp.uint16).astype(jnp.uint32)
    hi = lax.bitcast_convert_type(eb[:, PK:], jnp.uint16).astype(jnp.uint32)
    t_ref[...] = lax.bitcast_convert_type(lo | (hi << 16), jnp.int32)


def _pack(emb):
    v = emb.shape[0]
    return pl.pallas_call(
        _pack_body,
        grid=(v // VOCAB_BLK,),
        in_specs=[pl.BlockSpec((VOCAB_BLK, EMB_DIM), lambda i: (i, 0))],
        out_specs=pl.BlockSpec((VOCAB_BLK, PK), lambda i: (i, 0)),
        out_shape=jax.ShapeDtypeStruct((v, PK), jnp.int32),
    )(emb)

BB = 512
BBH = BB // 2
TT = 25
NT = MAX_LEN // TT


def _mlp_body(s_ref, w_ref, b1_ref, w2_ref, b2_ref, out_ref, acc0_ref, acc1_ref):
    tc = pl.program_id(1)
    p0 = None
    p1 = None
    for tt in range(TT):
        z = pltpu.bitcast(s_ref[tt], jnp.bfloat16)
        z0 = z[:, :PK]
        z1 = z[:, PK:]
        d0 = jnp.dot(z0, w_ref[tt], preferred_element_type=jnp.float32)
        d1 = jnp.dot(z1, w_ref[tt], preferred_element_type=jnp.float32)
        p0 = d0 if p0 is None else p0 + d0
        p1 = d1 if p1 is None else p1 + d1

    @pl.when(tc == 0)
    def _():
        acc0_ref[...] = jnp.zeros_like(acc0_ref)
        acc1_ref[...] = jnp.zeros_like(acc1_ref)

    acc0_ref[...] += p0
    acc1_ref[...] += p1

    @pl.when(tc == NT - 1)
    def _():
        r = lax.broadcasted_iota(jnp.int32, (BB, BB), 1)
        b = lax.broadcasted_iota(jnp.int32, (BB, BB), 0)
        even = (b % 2) == 0
        se0 = (even & (r == b)).astype(jnp.float32)
        se1 = (even & (r == b + 1)).astype(jnp.float32)
        so0 = (~even & (r == b - 1)).astype(jnp.float32)
        so1 = (~even & (r == b)).astype(jnp.float32)
        a0 = acc0_ref[...]
        a1 = acc1_ref[...]
        h = jnp.dot(se0, a0[:, :HIDDEN], preferred_element_type=jnp.float32)
        h += jnp.dot(se1, a0[:, HIDDEN:], preferred_element_type=jnp.float32)
        h += jnp.dot(so0, a1[:, :HIDDEN], preferred_element_type=jnp.float32)
        h += jnp.dot(so1, a1[:, HIDDEN:], preferred_element_type=jnp.float32)
        h = jnp.maximum(h + b1_ref[...], 0.0)
        o = jnp.sum(h * w2_ref[...], axis=1, keepdims=True) + b2_ref[...]
        out_ref[...] = jax.nn.sigmoid(o)


def _mlp(staged3, W_all, b1r, W2r, b2r):
    return pl.pallas_call(
        _mlp_body,
        grid=(BK // BB, NT),
        in_specs=[
            pl.BlockSpec((TT, BBH, EMB_DIM), lambda i, t: (t, i, 0)),
            pl.BlockSpec((TT, PK, 2 * HIDDEN), lambda i, t: (t, 0, 0)),
            pl.BlockSpec((1, HIDDEN), lambda i, t: (0, 0)),
            pl.BlockSpec((1, HIDDEN), lambda i, t: (0, 0)),
            pl.BlockSpec((1, 1), lambda i, t: (0, 0)),
        ],
        out_specs=pl.BlockSpec((BB, 1), lambda i, t: (i, 0)),
        out_shape=jax.ShapeDtypeStruct((BK, 1), jnp.float32),
        scratch_shapes=[
            pltpu.VMEM((BB, 2 * HIDDEN), jnp.float32),
            pltpu.VMEM((BB, 2 * HIDDEN), jnp.float32),
        ],
    )(staged3, W_all, b1r, W2r, b2r)


def kernel(x, emb, W1, b1, W2, b2):
    xT = x.astype(jnp.int32).T
    table = _pack(emb)
    W1r = W1.reshape(MAX_LEN, 2, PK, HIDDEN)
    W_all = jnp.concatenate([W1r[:, 0], W1r[:, 1]], axis=-1).astype(jnp.bfloat16)
    b1r = b1.reshape(1, HIDDEN)
    W2r = W2.reshape(1, HIDDEN)
    b2r = b2.reshape(1, 1)
    outs = []
    bk2 = BK // 2
    for k in range(K):
        xk = xT[:, k * BK:(k + 1) * BK]
        idx_k = jnp.concatenate(
            [xk[:, :bk2].reshape(-1), xk[:, bk2:].reshape(-1)]
        )
        staged = _sc_gather(idx_k, table)
        staged3 = staged.reshape(MAX_LEN, bk2, EMB_DIM)
        op = _mlp(staged3, W_all, b1r, W2r, b2r)
        outs.append(op.reshape(bk2, 2).T.reshape(BK, 1))
    return jnp.concatenate(outs, axis=0)

# --- scband reference (transcript-rebuilt; emitter-appended) ---
"""Pipeline reference for scband-seq-net-18966575579725 (READ-ONLY COPY).

The authoritative reference and input builder live on the scoring server;
editing this copy changes nothing except your own understanding.
"""

import jax, jax.numpy as jnp
import numpy as np

MAX_TOKENS = 100000
MAX_LEN = 200
EMB_DIM = 128
BATCH = 4096

def setup_inputs(seed: int = 0) -> dict:
    key = jax.random.key(seed)
    k_x, k_emb, k_w1, k_b1, k_w2, k_b2 = jax.random.split(key, 6)
    x = jax.random.randint(k_x, (BATCH, MAX_LEN), 0, MAX_TOKENS, dtype=jnp.int64 if jax.config.jax_enable_x64 else jnp.int32)
    emb = jax.random.normal(k_emb, (MAX_TOKENS, EMB_DIM), dtype=jnp.float32)
    fan_in1 = MAX_LEN * EMB_DIM
    lim1 = 1.0 / np.sqrt(fan_in1)
    W1 = jax.random.uniform(k_w1, (fan_in1, 32), minval=-lim1, maxval=lim1, dtype=jnp.float32)
    b1 = jax.random.uniform(k_b1, (32,), minval=-lim1, maxval=lim1, dtype=jnp.float32)
    lim2 = 1.0 / np.sqrt(32)
    W2 = jax.random.uniform(k_w2, (32, 1), minval=-lim2, maxval=lim2, dtype=jnp.float32)
    b2 = jax.random.uniform(k_b2, (1,), minval=-lim2, maxval=lim2, dtype=jnp.float32)
    return {"x": x, "emb": emb, "W1": W1, "b1": b1, "W2": W2, "b2": b2}

def reference(x, emb, W1, b1, W2, b2):
    x = x.reshape(-1, MAX_LEN)
    e = jnp.take(emb, x, axis=0)            # [B, max_len, emb_dim] gather
    flat = e.reshape(e.shape[0], -1)        # [B, max_len*emb_dim]
    h = jax.nn.relu(flat @ W1 + b1)         # [B, 32]
    out = jax.nn.sigmoid(h @ W2 + b2)       # [B, 1]
    return out

if __name__ == "__main__":
    import jax
    _d = setup_inputs()
    print(jax.jit(kernel)(*tuple(_d.values())))

</pallas_src>

<mosaic_0001>
#map = affine_map<(d0, d1) -> (0)>
#map1 = affine_map<(d0, d1) -> (0, 0)>
module attributes {stable_mosaic.version = 14 : i64} {
  func.func @gather_k(%arg0: i32, %arg1: i32, %arg2: memref<204800xi32, #tpu.memory_space<hbm>>, %arg3: memref<100000x64xi32, #tpu.memory_space<hbm>>, %arg4: memref<102400x128xi32, #tpu.memory_space<hbm>>, %arg5: memref<6400xi32, #tpu.memory_space<vmem>>, %arg6: memref<128x64xi32, #tpu.memory_space<vmem>>, %arg7: memref<128x64xi32, #tpu.memory_space<vmem>>, %arg8: memref<!tpu.dma_semaphore, #tpu.memory_space<semaphore_mem>>, %arg9: memref<!tpu.dma_semaphore, #tpu.memory_space<semaphore_mem>>, %arg10: memref<!tpu.dma_semaphore, #tpu.memory_space<semaphore_mem>>, %arg11: memref<!tpu.dma_semaphore, #tpu.memory_space<semaphore_mem>>) attributes {dimension_semantics = [#tpu.dimension_semantics<core_parallel>, #tpu.dimension_semantics<subcore_parallel>], iteration_bounds = array<i64: 2, 16>, scalar_prefetch = 0 : i64, scratch_operands = 7 : i64, tpu.core_type = #tpu.core_type<sc_vector_subcore>, window_params = [{transform_indices = #map}, {transform_indices = #map1}, {transform_indices = #map1}]} {
    %mul3A = arith.constant 2 : i32
    %mul3A_0 = arith.muli %arg1, %mul3A : i32
    %add3A = arith.addi %mul3A_0, %arg0 : i32
    %mul3A_1 = arith.constant 6400 : i32
    %mul3A_2 = arith.muli %add3A, %mul3A_1 : i32
    %jit3A = arith.constant 16 : i32
    %eq3A = arith.constant 0 : i32
    %eq3A_3 = arith.cmpi eq, %jit3A, %eq3A : i32
    %jit3A_4 = arith.constant 1 : i32
    %select_n3A = arith.select %eq3A_3, %jit3A_4, %jit3A : i32
    %rem3A = arith.remsi %add3A, %select_n3A : i32
    %ne3A = arith.constant 0 : i32
    %ne3A_5 = arith.cmpi ne, %rem3A, %ne3A : i32
    %lt3A = arith.constant 0 : i32
    %lt3A_6 = arith.cmpi slt, %rem3A, %lt3A : i32
    %lt3A_7 = arith.constant 0 : i32
    %lt3A_8 = arith.cmpi slt, %select_n3A, %lt3A_7 : i32
    %ne3A_9 = arith.xori %lt3A_6, %lt3A_8 : i1
    %and3A = arith.andi %ne3A_9, %ne3A_5 : i1
    %add3A_10 = arith.addi %rem3A, %select_n3A : i32
    %select_n3A_11 = arith.select %and3A, %add3A_10, %rem3A : i32
    %mul3A_12 = arith.constant 6400 : i32
    %mul3A_13 = arith.muli %select_n3A_11, %mul3A_12 : i32
    %jit3A_14 = arith.constant 16 : i32
    %div3A = arith.divsi %add3A, %jit3A_14 : i32
    %sign3A = arith.constant 0 : i32
    %sign3A_15 = arith.cmpi sgt, %add3A, %sign3A : i32
    %sign3A_16 = arith.extui %sign3A_15 : i1 to i32
    %sign3A_17 = arith.constant 0 : i32
    %sign3A_18 = arith.cmpi slt, %add3A, %sign3A_17 : i32
    %sign3A_19 = arith.extui %sign3A_18 : i1 to i32
    %sign3A_20 = arith.subi %sign3A_16, %sign3A_19 : i32
    %sign3A_21 = arith.constant 0 : i32
    %sign3A_22 = arith.cmpi sgt, %jit3A_14, %sign3A_21 : i32
    %sign3A_23 = arith.extui %sign3A_22 : i1 to i32
    %sign3A_24 = arith.constant 0 : i32
    %sign3A_25 = arith.cmpi slt, %jit3A_14, %sign3A_24 : i32
    %sign3A_26 = arith.extui %sign3A_25 : i1 to i32
    %sign3A_27 = arith.subi %sign3A_23, %sign3A_26 : i32
    %ne3A_28 = arith.cmpi ne, %sign3A_20, %sign3A_27 : i32
    %rem3A_29 = arith.remsi %add3A, %jit3A_14 : i32
    %ne3A_30 = arith.constant 0 : i32
    %ne3A_31 = arith.cmpi ne, %rem3A_29, %ne3A_30 : i32
    %and3A_32 = arith.andi %ne3A_28, %ne3A_31 : i1
    %sub3A = arith.constant 1 : i32
    %sub3A_33 = arith.subi %div3A, %sub3A : i32
    %select_n3A_34 = arith.select %and3A_32, %sub3A_33, %div3A : i32
    %mul3A_35 = arith.constant 64 : i32
    %mul3A_36 = arith.muli %select_n3A_34, %mul3A_35 : i32
    "tpu.region"() ({
      %run_scoped3A = tpu.sem_alloc : memref<!tpu.dma_semaphore, #tpu.memory_space<semaphore_mem>>
      %dma_start3A_54 = tpu.memref_slice %arg2[%mul3A_2] : memref<204800xi32, #tpu.memory_space<hbm>> -> memref<6400xi32, #tpu.memory_space<hbm>>
      %dma_start3A_55 = tpu.memref_slice %arg2[%mul3A_2] : memref<204800xi32, #tpu.memory_space<hbm>> -> memref<6400xi32, #tpu.memory_space<hbm>>
      tpu.enqueue_dma source(%dma_start3A_55 : memref<6400xi32, #tpu.memory_space<hbm>>) target(%arg5 : memref<6400xi32, #tpu.memory_space<vmem>>) target_semaphore(%run_scoped3A : memref<!tpu.dma_semaphore, #tpu.memory_space<semaphore_mem>>)
      %dma_wait3A_56 = tpu.memref_slice %arg2[%mul3A_2] : memref<204800xi32, #tpu.memory_space<hbm>> -> memref<6400xi32, #tpu.memory_space<hbm>>
      %dma_wait3A_57 = tpu.memref_slice %arg2[%mul3A_2] : memref<204800xi32, #tpu.memory_space<hbm>> -> memref<6400xi32, #tpu.memory_space<hbm>>
      tpu.wait_dma2 semaphore(%run_scoped3A : memref<!tpu.dma_semaphore, #tpu.memory_space<semaphore_mem>>) src(%dma_wait3A_57 : memref<6400xi32, #tpu.memory_space<hbm>>) dst(%arg5 : memref<6400xi32, #tpu.memory_space<vmem>>)
      tpu.yield
    }) : () -> ()
    %dma_start3A = arith.constant 0 : i32
    %dma_start3A_37 = tpu.memref_slice %arg5[%dma_start3A] : memref<6400xi32, #tpu.memory_space<vmem>> -> memref<128xi32, #tpu.memory_space<vmem>>
    %dma_start3A_38 = arith.constant 0 : i32
    %dma_start3A_39 = arith.constant 0 : i32
    %dma_start3A_40 = tpu.memref_slice %arg3[%dma_start3A_38, %dma_start3A_39] : memref<100000x64xi32, #tpu.memory_space<hbm>> -> memref<100000x64xi32, #tpu.memory_space<hbm>>
    tpu.enqueue_indirect_dma source(%dma_start3A_40 : memref<100000x64xi32, #tpu.memory_space<hbm>>) target(%arg6 : memref<128x64xi32, #tpu.memory_space<vmem>>) offsets(%dma_start3A_37 : memref<128xi32, #tpu.memory_space<vmem>>) semaphore(%arg8 : memref<!tpu.dma_semaphore, #tpu.memory_space<semaphore_mem>>)
    %dma_start3A_41 = arith.constant 128 : i32
    %dma_start3A_42 = tpu.memref_slice %arg5[%dma_start3A_41] : memref<6400xi32, #tpu.memory_space<vmem>> -> memref<128xi32, #tpu.memory_space<vmem>>
    %dma_start3A_43 = arith.constant 0 : i32
    %dma_start3A_44 = arith.constant 0 : i32
    %dma_start3A_45 = tpu.memref_slice %arg3[%dma_start3A_43, %dma_start3A_44] : memref<100000x64xi32, #tpu.memory_space<hbm>> -> memref<100000x64xi32, #tpu.memory_space<hbm>>
    tpu.enqueue_indirect_dma source(%dma_start3A_45 : memref<100000x64xi32, #tpu.memory_space<hbm>>) target(%arg7 : memref<128x64xi32, #tpu.memory_space<vmem>>) offsets(%dma_start3A_42 : memref<128xi32, #tpu.memory_space<vmem>>) semaphore(%arg9 : memref<!tpu.dma_semaphore, #tpu.memory_space<semaphore_mem>>)
    %scan3A = arith.constant 0 : i32
    %scan3A_46 = arith.constant 0 : i32
    %scan3A_47 = arith.constant 25 : i32
    %scan3A_48 = arith.addi %scan3A_46, %scan3A_47 : i32
    %scan3A_49 = arith.constant 1 : i32
    scf.for %scan3A_54 = %scan3A_46 to %scan3A_48 step %scan3A_49  : i32 {
      %mul3A_55 = arith.constant 2 : i32
      %mul3A_56 = arith.muli %mul3A_55, %scan3A_54 : i32
      %dma_wait3A_57 = arith.constant 0 : i32
      %dma_wait3A_58 = tpu.memref_slice %arg5[%dma_wait3A_57] : memref<6400xi32, #tpu.memory_space<vmem>> -> memref<128xi32, #tpu.memory_space<vmem>>
      %dma_wait3A_59 = arith.constant 0 : i32
      %dma_wait3A_60 = arith.constant 0 : i32
      %dma_wait3A_61 = tpu.memref_slice %arg3[%dma_wait3A_59, %dma_wait3A_60] : memref<100000x64xi32, #tpu.memory_space<hbm>> -> memref<100000x64xi32, #tpu.memory_space<hbm>>
      tpu.wait_indirect_dma semaphore(%arg8 : memref<!tpu.dma_semaphore, #tpu.memory_space<semaphore_mem>>) src(%dma_wait3A_61 : memref<100000x64xi32, #tpu.memory_space<hbm>>) dst(%arg6 : memref<128x64xi32, #tpu.memory_space<vmem>>)
      %mul3A_62 = arith.constant 128 : i32
      %mul3A_63 = arith.muli %mul3A_56, %mul3A_62 : i32
      %add3A_64 = arith.addi %mul3A_13, %mul3A_63 : i32
      %dma_start3A_65 = tpu.memref_slice %arg4[%add3A_64, %mul3A_36] : memref<102400x128xi32, #tpu.memory_space<hbm>> -> memref<128x64xi32, #tpu.memory_space<hbm>>
      %dma_start3A_66 = tpu.memref_slice %arg4[%add3A_64, %mul3A_36] : memref<102400x128xi32, #tpu.memory_space<hbm>> -> memref<128x64xi32, #tpu.memory_space<hbm>>
      tpu.enqueue_dma source(%arg6 : memref<128x64xi32, #tpu.memory_space<vmem>>) target(%dma_start3A_66 : memref<128x64xi32, #tpu.memory_space<hbm>>) target_semaphore(%arg10 : memref<!tpu.dma_semaphore, #tpu.memory_space<semaphore_mem>>)
      %dma_wait3A_67 = arith.constant 0 : i32
      %dma_wait3A_68 = tpu.memref_slice %arg5[%dma_wait3A_67] : memref<6400xi32, #tpu.memory_space<vmem>> -> memref<128xi32, #tpu.memory_space<vmem>>
      %dma_wait3A_69 = arith.constant 0 : i32
      %dma_wait3A_70 = arith.constant 0 : i32
      %dma_wait3A_71 = tpu.memref_slice %arg3[%dma_wait3A_69, %dma_wait3A_70] : memref<100000x64xi32, #tpu.memory_space<hbm>> -> memref<100000x64xi32, #tpu.memory_space<hbm>>
      tpu.wait_indirect_dma semaphore(%arg9 : memref<!tpu.dma_semaphore, #tpu.memory_space<semaphore_mem>>) src(%dma_wait3A_71 : memref<100000x64xi32, #tpu.memory_space<hbm>>) dst(%arg7 : memref<128x64xi32, #tpu.memory_space<vmem>>)
      %add3A_72 = arith.constant 1 : i32
      %add3A_73 = arith.addi %mul3A_56, %add3A_72 : i32
      %mul3A_74 = arith.constant 128 : i32
      %mul3A_75 = arith.muli %add3A_73, %mul3A_74 : i32
      %add3A_76 = arith.addi %mul3A_13, %mul3A_75 : i32
      %dma_start3A_77 = tpu.memref_slice %arg4[%add3A_76, %mul3A_36] : memref<102400x128xi32, #tpu.memory_space<hbm>> -> memref<128x64xi32, #tpu.memory_space<hbm>>
      %dma_start3A_78 = tpu.memref_slice %arg4[%add3A_76, %mul3A_36] : memref<102400x128xi32, #tpu.memory_space<hbm>> -> memref<128x64xi32, #tpu.memory_space<hbm>>
      tpu.enqueue_dma source(%arg7 : memref<128x64xi32, #tpu.memory_space<vmem>>) target(%dma_start3A_78 : memref<128x64xi32, #tpu.memory_space<hbm>>) target_semaphore(%arg11 : memref<!tpu.dma_semaphore, #tpu.memory_space<semaphore_mem>>)
      %add3A_79 = arith.constant 1 : i32
      %add3A_80 = arith.addi %scan3A_54, %add3A_79 : i32
      %lt3A_81 = arith.constant 25 : i32
      %lt3A_82 = arith.cmpi slt, %add3A_80, %lt3A_81 : i32
      %convert_element_type3A = arith.extui %lt3A_82 : i1 to i32
      %cond3A = arith.constant 0 : i32
      %cond3A_83 = arith.cmpi ne, %convert_element_type3A, %cond3A : i32
      scf.if %cond3A_83 {
        %dma_wait3A_84 = tpu.memref_slice %arg4[%mul3A_13, %mul3A_36] : memref<102400x128xi32, #tpu.memory_space<hbm>> -> memref<128x64xi32, #tpu.memory_space<hbm>>
        %dma_wait3A_85 = tpu.memref_slice %arg4[%mul3A_13, %mul3A_36] : memref<102400x128xi32, #tpu.memory_space<hbm>> -> memref<128x64xi32, #tpu.memory_space<hbm>>
        tpu.wait_dma2 semaphore(%arg10 : memref<!tpu.dma_semaphore, #tpu.memory_space<semaphore_mem>>) src(%arg6 : memref<128x64xi32, #tpu.memory_space<vmem>>) dst(%dma_wait3A_85 : memref<128x64xi32, #tpu.memory_space<hbm>>)
        %add3A_86 = arith.constant 2 : i32
        %add3A_87 = arith.addi %mul3A_56, %add3A_86 : i32
        %mul3A_88 = arith.constant 128 : i32
        %mul3A_89 = arith.muli %add3A_87, %mul3A_88 : i32
        %dma_start3A_90 = tpu.memref_slice %arg5[%mul3A_89] : memref<6400xi32, #tpu.memory_space<vmem>> -> memref<128xi32, #tpu.memory_space<vmem>>
        %dma_start3A_91 = arith.constant 0 : i32
        %dma_start3A_92 = arith.constant 0 : i32
        %dma_start3A_93 = tpu.memref_slice %arg3[%dma_start3A_91, %dma_start3A_92] : memref<100000x64xi32, #tpu.memory_space<hbm>> -> memref<100000x64xi32, #tpu.memory_space<hbm>>
        tpu.enqueue_indirect_dma source(%dma_start3A_93 : memref<100000x64xi32, #tpu.memory_space<hbm>>) target(%arg6 : memref<128x64xi32, #tpu.memory_space<vmem>>) offsets(%dma_start3A_90 : memref<128xi32, #tpu.memory_space<vmem>>) semaphore(%arg8 : memref<!tpu.dma_semaphore, #tpu.memory_space<semaphore_mem>>)
        %dma_wait3A_94 = tpu.memref_slice %arg4[%mul3A_13, %mul3A_36] : memref<102400x128xi32, #tpu.memory_space<hbm>> -> memref<128x64xi32, #tpu.memory_space<hbm>>
        %dma_wait3A_95 = tpu.memref_slice %arg4[%mul3A_13, %mul3A_36] : memref<102400x128xi32, #tpu.memory_space<hbm>> -> memref<128x64xi32, #tpu.memory_space<hbm>>
        tpu.wait_dma2 semaphore(%arg11 : memref<!tpu.dma_semaphore, #tpu.memory_space<semaphore_mem>>) src(%arg7 : memref<128x64xi32, #tpu.memory_space<vmem>>) dst(%dma_wait3A_95 : memref<128x64xi32, #tpu.memory_space<hbm>>)
        %add3A_96 = arith.constant 3 : i32
        %add3A_97 = arith.addi %mul3A_56, %add3A_96 : i32
        %mul3A_98 = arith.constant 128 : i32
        %mul3A_99 = arith.muli %add3A_97, %mul3A_98 : i32
        %dma_start3A_100 = tpu.memref_slice %arg5[%mul3A_99] : memref<6400xi32, #tpu.memory_space<vmem>> -> memref<128xi32, #tpu.memory_space<vmem>>
        %dma_start3A_101 = arith.constant 0 : i32
        %dma_start3A_102 = arith.constant 0 : i32
        %dma_start3A_103 = tpu.memref_slice %arg3[%dma_start3A_101, %dma_start3A_102] : memref<100000x64xi32, #tpu.memory_space<hbm>> -> memref<100000x64xi32, #tpu.memory_space<hbm>>
        tpu.enqueue_indirect_dma source(%dma_start3A_103 : memref<100000x64xi32, #tpu.memory_space<hbm>>) target(%arg7 : memref<128x64xi32, #tpu.memory_space<vmem>>) offsets(%dma_start3A_100 : memref<128xi32, #tpu.memory_space<vmem>>) semaphore(%arg9 : memref<!tpu.dma_semaphore, #tpu.memory_space<semaphore_mem>>)
      } else {
      }
    }
    %scan3A_50 = arith.constant 25 : i32
    %dma_wait3A = tpu.memref_slice %arg4[%mul3A_13, %mul3A_36] : memref<102400x128xi32, #tpu.memory_space<hbm>> -> memref<128x64xi32, #tpu.memory_space<hbm>>
    %dma_wait3A_51 = tpu.memref_slice %arg4[%mul3A_13, %mul3A_36] : memref<102400x128xi32, #tpu.memory_space<hbm>> -> memref<128x64xi32, #tpu.memory_space<hbm>>
    tpu.wait_dma2 semaphore(%arg10 : memref<!tpu.dma_semaphore, #tpu.memory_space<semaphore_mem>>) src(%arg6 : memref<128x64xi32, #tpu.memory_space<vmem>>) dst(%dma_wait3A_51 : memref<128x64xi32, #tpu.memory_space<hbm>>)
    %dma_wait3A_52 = tpu.memref_slice %arg4[%mul3A_13, %mul3A_36] : memref<102400x128xi32, #tpu.memory_space<hbm>> -> memref<128x64xi32, #tpu.memory_space<hbm>>
    %dma_wait3A_53 = tpu.memref_slice %arg4[%mul3A_13, %mul3A_36] : memref<102400x128xi32, #tpu.memory_space<hbm>> -> memref<128x64xi32, #tpu.memory_space<hbm>>
    tpu.wait_dma2 semaphore(%arg11 : memref<!tpu.dma_semaphore, #tpu.memory_space<semaphore_mem>>) src(%arg7 : memref<128x64xi32, #tpu.memory_space<vmem>>) dst(%dma_wait3A_53 : memref<128x64xi32, #tpu.memory_space<hbm>>)
    return
  }
}

#map = affine_map<(d0, d1) -> (0)>
#map1 = affine_map<(d0, d1) -> (0, 0)>
module attributes {stable_mosaic.version = 14 : i64} {
  func.func @gather_k(%arg0: i32, %arg1: i32, %arg2: memref<204800xi32, #tpu.memory_space<hbm>>, %arg3: memref<100000x64xi32, #tpu.memory_space<hbm>>, %arg4: memref<102400x128xi32, #tpu.memory_space<hbm>>, %arg5: memref<6400xi32, #tpu.memory_space<vmem>>, %arg6: memref<128x64xi32, #tpu.memory_space<vmem>>, %arg7: memref<128x64xi32, #tpu.memory_space<vmem>>, %arg8: memref<!tpu.dma_semaphore, #tpu.memory_space<semaphore_mem>>, %arg9: memref<!tpu.dma_semaphore, #tpu.memory_space<semaphore_mem>>, %arg10: memref<!tpu.dma_semaphore, #tpu.memory_space<semaphore_mem>>, %arg11: memref<!tpu.dma_semaphore, #tpu.memory_space<semaphore_mem>>) attributes {dimension_semantics = [#tpu.dimension_semantics<core_parallel>, #tpu.dimension_semantics<subcore_parallel>], iteration_bounds = array<i64: 2, 16>, scalar_prefetch = 0 : i64, scratch_operands = 7 : i64, tpu.core_type = #tpu.core_type<sc_vector_subcore>, window_params = [{transform_indices = #map}, {transform_indices = #map1}, {transform_indices = #map1}]} {
    %mul3A = arith.constant 2 : i32
    %mul3A_0 = arith.muli %arg1, %mul3A : i32
    %add3A = arith.addi %mul3A_0, %arg0 : i32
    %mul3A_1 = arith.constant 6400 : i32
    %mul3A_2 = arith.muli %add3A, %mul3A_1 : i32
    %jit3A = arith.constant 16 : i32
    %eq3A = arith.constant 0 : i32
    %eq3A_3 = arith.cmpi eq, %jit3A, %eq3A : i32
    %jit3A_4 = arith.constant 1 : i32
    %select_n3A = arith.select %eq3A_3, %jit3A_4, %jit3A : i32
    %rem3A = arith.remsi %add3A, %select_n3A : i32
    %ne3A = arith.constant 0 : i32
    %ne3A_5 = arith.cmpi ne, %rem3A, %ne3A : i32
    %lt3A = arith.constant 0 : i32
    %lt3A_6 = arith.cmpi slt, %rem3A, %lt3A : i32
    %lt3A_7 = arith.constant 0 : i32
    %lt3A_8 = arith.cmpi slt, %select_n3A, %lt3A_7 : i32
    %ne3A_9 = arith.xori %lt3A_6, %lt3A_8 : i1
    %and3A = arith.andi %ne3A_9, %ne3A_5 : i1
    %add3A_10 = arith.addi %rem3A, %select_n3A : i32
    %select_n3A_11 = arith.select %and3A, %add3A_10, %rem3A : i32
    %mul3A_12 = arith.constant 6400 : i32
    %mul3A_13 = arith.muli %select_n3A_11, %mul3A_12 : i32
    %jit3A_14 = arith.constant 16 : i32
    %div3A = arith.divsi %add3A, %jit3A_14 : i32
    %sign3A = arith.constant 0 : i32
    %sign3A_15 = arith.cmpi sgt, %add3A, %sign3A : i32
    %sign3A_16 = arith.extui %sign3A_15 : i1 to i32
    %sign3A_17 = arith.constant 0 : i32
    %sign3A_18 = arith.cmpi slt, %add3A, %sign3A_17 : i32
    %sign3A_19 = arith.extui %sign3A_18 : i1 to i32
    %sign3A_20 = arith.subi %sign3A_16, %sign3A_19 : i32
    %sign3A_21 = arith.constant 0 : i32
    %sign3A_22 = arith.cmpi sgt, %jit3A_14, %sign3A_21 : i32
    %sign3A_23 = arith.extui %sign3A_22 : i1 to i32
    %sign3A_24 = arith.constant 0 : i32
    %sign3A_25 = arith.cmpi slt, %jit3A_14, %sign3A_24 : i32
    %sign3A_26 = arith.extui %sign3A_25 : i1 to i32
    %sign3A_27 = arith.subi %sign3A_23, %sign3A_26 : i32
    %ne3A_28 = arith.cmpi ne, %sign3A_20, %sign3A_27 : i32
    %rem3A_29 = arith.remsi %add3A, %jit3A_14 : i32
    %ne3A_30 = arith.constant 0 : i32
    %ne3A_31 = arith.cmpi ne, %rem3A_29, %ne3A_30 : i32
    %and3A_32 = arith.andi %ne3A_28, %ne3A_31 : i1
    %sub3A = arith.constant 1 : i32
    %sub3A_33 = arith.subi %div3A, %sub3A : i32
    %select_n3A_34 = arith.select %and3A_32, %sub3A_33, %div3A : i32
    %mul3A_35 = arith.constant 64 : i32
    %mul3A_36 = arith.muli %select_n3A_34, %mul3A_35 : i32
    "tpu.region"() ({
      %run_scoped3A = tpu.sem_alloc : memref<!tpu.dma_semaphore, #tpu.memory_space<semaphore_mem>>
      %dma_start3A_54 = tpu.memref_slice %arg2[%mul3A_2] : memref<204800xi32, #tpu.memory_space<hbm>> -> memref<6400xi32, #tpu.memory_space<hbm>>
      %dma_start3A_55 = tpu.memref_slice %arg2[%mul3A_2] : memref<204800xi32, #tpu.memory_space<hbm>> -> memref<6400xi32, #tpu.memory_space<hbm>>
      tpu.enqueue_dma source(%dma_start3A_55 : memref<6400xi32, #tpu.memory_space<hbm>>) target(%arg5 : memref<6400xi32, #tpu.memory_space<vmem>>) target_semaphore(%run_scoped3A : memref<!tpu.dma_semaphore, #tpu.memory_space<semaphore_mem>>)
      %dma_wait3A_56 = tpu.memref_slice %arg2[%mul3A_2] : memref<204800xi32, #tpu.memory_space<hbm>> -> memref<6400xi32, #tpu.memory_space<hbm>>
      %dma_wait3A_57 = tpu.memref_slice %arg2[%mul3A_2] : memref<204800xi32, #tpu.memory_space<hbm>> -> memref<6400xi32, #tpu.memory_space<hbm>>
      tpu.wait_dma2 semaphore(%run_scoped3A : memref<!tpu.dma_semaphore, #tpu.memory_space<semaphore_mem>>) src(%dma_wait3A_57 : memref<6400xi32, #tpu.memory_space<hbm>>) dst(%arg5 : memref<6400xi32, #tpu.memory_space<vmem>>)
      tpu.yield
    }) : () -> ()
    %dma_start3A = arith.constant 0 : i32
    %dma_start3A_37 = tpu.memref_slice %arg5[%dma_start3A] : memref<6400xi32, #tpu.memory_space<vmem>> -> memref<128xi32, #tpu.memory_space<vmem>>
    %dma_start3A_38 = arith.constant 0 : i32
    %dma_start3A_39 = arith.constant 0 : i32
    %dma_start3A_40 = tpu.memref_slice %arg3[%dma_start3A_38, %dma_start3A_39] : memref<100000x64xi32, #tpu.memory_space<hbm>> -> memref<100000x64xi32, #tpu.memory_space<hbm>>
    tpu.enqueue_indirect_dma source(%dma_start3A_40 : memref<100000x64xi32, #tpu.memory_space<hbm>>) target(%arg6 : memref<128x64xi32, #tpu.memory_space<vmem>>) offsets(%dma_start3A_37 : memref<128xi32, #tpu.memory_space<vmem>>) semaphore(%arg8 : memref<!tpu.dma_semaphore, #tpu.memory_space<semaphore_mem>>)
    %dma_start3A_41 = arith.constant 128 : i32
    %dma_start3A_42 = tpu.memref_slice %arg5[%dma_start3A_41] : memref<6400xi32, #tpu.memory_space<vmem>> -> memref<128xi32, #tpu.memory_space<vmem>>
    %dma_start3A_43 = arith.constant 0 : i32
    %dma_start3A_44 = arith.constant 0 : i32
    %dma_start3A_45 = tpu.memref_slice %arg3[%dma_start3A_43, %dma_start3A_44] : memref<100000x64xi32, #tpu.memory_space<hbm>> -> memref<100000x64xi32, #tpu.memory_space<hbm>>
    tpu.enqueue_indirect_dma source(%dma_start3A_45 : memref<100000x64xi32, #tpu.memory_space<hbm>>) target(%arg7 : memref<128x64xi32, #tpu.memory_space<vmem>>) offsets(%dma_start3A_42 : memref<128xi32, #tpu.memory_space<vmem>>) semaphore(%arg9 : memref<!tpu.dma_semaphore, #tpu.memory_space<semaphore_mem>>)
    %scan3A = arith.constant 0 : i32
    %scan3A_46 = arith.constant 0 : i32
    %scan3A_47 = arith.constant 25 : i32
    %scan3A_48 = arith.addi %scan3A_46, %scan3A_47 : i32
    %scan3A_49 = arith.constant 1 : i32
    scf.for %scan3A_54 = %scan3A_46 to %scan3A_48 step %scan3A_49  : i32 {
      %mul3A_55 = arith.constant 2 : i32
      %mul3A_56 = arith.muli %mul3A_55, %scan3A_54 : i32
      %dma_wait3A_57 = arith.constant 0 : i32
      %dma_wait3A_58 = tpu.memref_slice %arg5[%dma_wait3A_57] : memref<6400xi32, #tpu.memory_space<vmem>> -> memref<128xi32, #tpu.memory_space<vmem>>
      %dma_wait3A_59 = arith.constant 0 : i32
      %dma_wait3A_60 = arith.constant 0 : i32
      %dma_wait3A_61 = tpu.memref_slice %arg3[%dma_wait3A_59, %dma_wait3A_60] : memref<100000x64xi32, #tpu.memory_space<hbm>> -> memref<100000x64xi32, #tpu.memory_space<hbm>>
      tpu.wait_indirect_dma semaphore(%arg8 : memref<!tpu.dma_semaphore, #tpu.memory_space<semaphore_mem>>) src(%dma_wait3A_61 : memref<100000x64xi32, #tpu.memory_space<hbm>>) dst(%arg6 : memref<128x64xi32, #tpu.memory_space<vmem>>)
      %mul3A_62 = arith.constant 128 : i32
      %mul3A_63 = arith.muli %mul3A_56, %mul3A_62 : i32
      %add3A_64 = arith.addi %mul3A_13, %mul3A_63 : i32
      %dma_start3A_65 = tpu.memref_slice %arg4[%add3A_64, %mul3A_36] : memref<102400x128xi32, #tpu.memory_space<hbm>> -> memref<128x64xi32, #tpu.memory_space<hbm>>
      %dma_start3A_66 = tpu.memref_slice %arg4[%add3A_64, %mul3A_36] : memref<102400x128xi32, #tpu.memory_space<hbm>> -> memref<128x64xi32, #tpu.memory_space<hbm>>
      tpu.enqueue_dma source(%arg6 : memref<128x64xi32, #tpu.memory_space<vmem>>) target(%dma_start3A_66 : memref<128x64xi32, #tpu.memory_space<hbm>>) target_semaphore(%arg10 : memref<!tpu.dma_semaphore, #tpu.memory_space<semaphore_mem>>)
      %dma_wait3A_67 = arith.constant 0 : i32
      %dma_wait3A_68 = tpu.memref_slice %arg5[%dma_wait3A_67] : memref<6400xi32, #tpu.memory_space<vmem>> -> memref<128xi32, #tpu.memory_space<vmem>>
      %dma_wait3A_69 = arith.constant 0 : i32
      %dma_wait3A_70 = arith.constant 0 : i32
      %dma_wait3A_71 = tpu.memref_slice %arg3[%dma_wait3A_69, %dma_wait3A_70] : memref<100000x64xi32, #tpu.memory_space<hbm>> -> memref<100000x64xi32, #tpu.memory_space<hbm>>
      tpu.wait_indirect_dma semaphore(%arg9 : memref<!tpu.dma_semaphore, #tpu.memory_space<semaphore_mem>>) src(%dma_wait3A_71 : memref<100000x64xi32, #tpu.memory_space<hbm>>) dst(%arg7 : memref<128x64xi32, #tpu.memory_space<vmem>>)
      %add3A_72 = arith.constant 1 : i32
      %add3A_73 = arith.addi %mul3A_56, %add3A_72 : i32
      %mul3A_74 = arith.constant 128 : i32
      %mul3A_75 = arith.muli %add3A_73, %mul3A_74 : i32
      %add3A_76 = arith.addi %mul3A_13, %mul3A_75 : i32
      %dma_start3A_77 = tpu.memref_slice %arg4[%add3A_76, %mul3A_36] : memref<102400x128xi32, #tpu.memory_space<hbm>> -> memref<128x64xi32, #tpu.memory_space<hbm>>
      %dma_start3A_78 = tpu.memref_slice %arg4[%add3A_76, %mul3A_36] : memref<102400x128xi32, #tpu.memory_space<hbm>> -> memref<128x64xi32, #tpu.memory_space<hbm>>
      tpu.enqueue_dma source(%arg7 : memref<128x64xi32, #tpu.memory_space<vmem>>) target(%dma_start3A_78 : memref<128x64xi32, #tpu.memory_space<hbm>>) target_semaphore(%arg11 : memref<!tpu.dma_semaphore, #tpu.memory_space<semaphore_mem>>)
      %add3A_79 = arith.constant 1 : i32
      %add3A_80 = arith.addi %scan3A_54, %add3A_79 : i32
      %lt3A_81 = arith.constant 25 : i32
      %lt3A_82 = arith.cmpi slt, %add3A_80, %lt3A_81 : i32
      %convert_element_type3A = arith.extui %lt3A_82 : i1 to i32
      %cond3A = arith.constant 0 : i32
      %cond3A_83 = arith.cmpi ne, %convert_element_type3A, %cond3A : i32
      scf.if %cond3A_83 {
        %dma_wait3A_84 = tpu.memref_slice %arg4[%mul3A_13, %mul3A_36] : memref<102400x128xi32, #tpu.memory_space<hbm>> -> memref<128x64xi32, #tpu.memory_space<hbm>>
        %dma_wait3A_85 = tpu.memref_slice %arg4[%mul3A_13, %mul3A_36] : memref<102400x128xi32, #tpu.memory_space<hbm>> -> memref<128x64xi32, #tpu.memory_space<hbm>>
        tpu.wait_dma2 semaphore(%arg10 : memref<!tpu.dma_semaphore, #tpu.memory_space<semaphore_mem>>) src(%arg6 : memref<128x64xi32, #tpu.memory_space<vmem>>) dst(%dma_wait3A_85 : memref<128x64xi32, #tpu.memory_space<hbm>>)
        %add3A_86 = arith.constant 2 : i32
        %add3A_87 = arith.addi %mul3A_56, %add3A_86 : i32
        %mul3A_88 = arith.constant 128 : i32
        %mul3A_89 = arith.muli %add3A_87, %mul3A_88 : i32
        %dma_start3A_90 = tpu.memref_slice %arg5[%mul3A_89] : memref<6400xi32, #tpu.memory_space<vmem>> -> memref<128xi32, #tpu.memory_space<vmem>>
        %dma_start3A_91 = arith.constant 0 : i32
        %dma_start3A_92 = arith.constant 0 : i32
        %dma_start3A_93 = tpu.memref_slice %arg3[%dma_start3A_91, %dma_start3A_92] : memref<100000x64xi32, #tpu.memory_space<hbm>> -> memref<100000x64xi32, #tpu.memory_space<hbm>>
        tpu.enqueue_indirect_dma source(%dma_start3A_93 : memref<100000x64xi32, #tpu.memory_space<hbm>>) target(%arg6 : memref<128x64xi32, #tpu.memory_space<vmem>>) offsets(%dma_start3A_90 : memref<128xi32, #tpu.memory_space<vmem>>) semaphore(%arg8 : memref<!tpu.dma_semaphore, #tpu.memory_space<semaphore_mem>>)
        %dma_wait3A_94 = tpu.memref_slice %arg4[%mul3A_13, %mul3A_36] : memref<102400x128xi32, #tpu.memory_space<hbm>> -> memref<128x64xi32, #tpu.memory_space<hbm>>
        %dma_wait3A_95 = tpu.memref_slice %arg4[%mul3A_13, %mul3A_36] : memref<102400x128xi32, #tpu.memory_space<hbm>> -> memref<128x64xi32, #tpu.memory_space<hbm>>
        tpu.wait_dma2 semaphore(%arg11 : memref<!tpu.dma_semaphore, #tpu.memory_space<semaphore_mem>>) src(%arg7 : memref<128x64xi32, #tpu.memory_space<vmem>>) dst(%dma_wait3A_95 : memref<128x64xi32, #tpu.memory_space<hbm>>)
        %add3A_96 = arith.constant 3 : i32
        %add3A_97 = arith.addi %mul3A_56, %add3A_96 : i32
        %mul3A_98 = arith.constant 128 : i32
        %mul3A_99 = arith.muli %add3A_97, %mul3A_98 : i32
        %dma_start3A_100 = tpu.memref_slice %arg5[%mul3A_99] : memref<6400xi32, #tpu.memory_space<vmem>> -> memref<128xi32, #tpu.memory_space<vmem>>
        %dma_start3A_101 = arith.constant 0 : i32
        %dma_start3A_102 = arith.constant 0 : i32
        %dma_start3A_103 = tpu.memref_slice %arg3[%dma_start3A_101, %dma_start3A_102] : memref<100000x64xi32, #tpu.memory_space<hbm>> -> memref<100000x64xi32, #tpu.memory_space<hbm>>
        tpu.enqueue_indirect_dma source(%dma_start3A_103 : memref<100000x64xi32, #tpu.memory_space<hbm>>) target(%arg7 : memref<128x64xi32, #tpu.memory_space<vmem>>) offsets(%dma_start3A_100 : memref<128xi32, #tpu.memory_space<vmem>>) semaphore(%arg9 : memref<!tpu.dma_semaphore, #tpu.memory_space<semaphore_mem>>)
      } else {
      }
    }
    %scan3A_50 = arith.constant 25 : i32
    %dma_wait3A = tpu.memref_slice %arg4[%mul3A_13, %mul3A_36] : memref<102400x128xi32, #tpu.memory_space<hbm>> -> memref<128x64xi32, #tpu.memory_space<hbm>>
    %dma_wait3A_51 = tpu.memref_slice %arg4[%mul3A_13, %mul3A_36] : memref<102400x128xi32, #tpu.memory_space<hbm>> -> memref<128x64xi32, #tpu.memory_space<hbm>>
    tpu.wait_dma2 semaphore(%arg10 : memref<!tpu.dma_semaphore, #tpu.memory_space<semaphore_mem>>) src(%arg6 : memref<128x64xi32, #tpu.memory_space<vmem>>) dst(%dma_wait3A_51 : memref<128x64xi32, #tpu.memory_space<hbm>>)
    %dma_wait3A_52 = tpu.memref_slice %arg4[%mul3A_13, %mul3A_36] : memref<102400x128xi32, #tpu.memory_space<hbm>> -> memref<128x64xi32, #tpu.memory_space<hbm>>
    %dma_wait3A_53 = tpu.memref_slice %arg4[%mul3A_13, %mul3A_36] : memref<102400x128xi32, #tpu.memory_space<hbm>> -> memref<128x64xi32, #tpu.memory_space<hbm>>
    tpu.wait_dma2 semaphore(%arg11 : memref<!tpu.dma_semaphore, #tpu.memory_space<semaphore_mem>>) src(%arg7 : memref<128x64xi32, #tpu.memory_space<vmem>>) dst(%dma_wait3A_53 : memref<128x64xi32, #tpu.memory_space<hbm>>)
    return
  }
}

#map = affine_map<(d0, d1) -> (0)>
#map1 = affine_map<(d0, d1) -> (0, 0)>
module attributes {stable_mosaic.version = 14 : i64} {
  func.func @gather_k(%arg0: i32, %arg1: i32, %arg2: memref<204800xi32, #tpu.memory_space<hbm>>, %arg3: memref<100000x64xi32, #tpu.memory_space<hbm>>, %arg4: memref<102400x128xi32, #tpu.memory_space<hbm>>, %arg5: memref<6400xi32, #tpu.memory_space<vmem>>, %arg6: memref<128x64xi32, #tpu.memory_space<vmem>>, %arg7: memref<128x64xi32, #tpu.memory_space<vmem>>, %arg8: memref<!tpu.dma_semaphore, #tpu.memory_space<semaphore_mem>>, %arg9: memref<!tpu.dma_semaphore, #tpu.memory_space<semaphore_mem>>, %arg10: memref<!tpu.dma_semaphore, #tpu.memory_space<semaphore_mem>>, %arg11: memref<!tpu.dma_semaphore, #tpu.memory_space<semaphore_mem>>) attributes {dimension_semantics = [#tpu.dimension_semantics<core_parallel>, #tpu.dimension_semantics<subcore_parallel>], iteration_bounds = array<i64: 2, 16>, scalar_prefetch = 0 : i64, scratch_operands = 7 : i64, tpu.core_type = #tpu.core_type<sc_vector_subcore>, window_params = [{transform_indices = #map}, {transform_indices = #map1}, {transform_indices = #map1}]} {
    %mul3A = arith.constant 2 : i32
    %mul3A_0 = arith.muli %arg1, %mul3A : i32
    %add3A = arith.addi %mul3A_0, %arg0 : i32
    %mul3A_1 = arith.constant 6400 : i32
    %mul3A_2 = arith.muli %add3A, %mul3A_1 : i32
    %jit3A = arith.constant 16 : i32
    %eq3A = arith.constant 0 : i32
    %eq3A_3 = arith.cmpi eq, %jit3A, %eq3A : i32
    %jit3A_4 = arith.constant 1 : i32
    %select_n3A = arith.select %eq3A_3, %jit3A_4, %jit3A : i32
    %rem3A = arith.remsi %add3A, %select_n3A : i32
    %ne3A = arith.constant 0 : i32
    %ne3A_5 = arith.cmpi ne, %rem3A, %ne3A : i32
    %lt3A = arith.constant 0 : i32
    %lt3A_6 = arith.cmpi slt, %rem3A, %lt3A : i32
    %lt3A_7 = arith.constant 0 : i32
    %lt3A_8 = arith.cmpi slt, %select_n3A, %lt3A_7 : i32
    %ne3A_9 = arith.xori %lt3A_6, %lt3A_8 : i1
    %and3A = arith.andi %ne3A_9, %ne3A_5 : i1
    %add3A_10 = arith.addi %rem3A, %select_n3A : i32
    %select_n3A_11 = arith.select %and3A, %add3A_10, %rem3A : i32
    %mul3A_12 = arith.constant 6400 : i32
    %mul3A_13 = arith.muli %select_n3A_11, %mul3A_12 : i32
    %jit3A_14 = arith.constant 16 : i32
    %div3A = arith.divsi %add3A, %jit3A_14 : i32
    %sign3A = arith.constant 0 : i32
    %sign3A_15 = arith.cmpi sgt, %add3A, %sign3A : i32
    %sign3A_16 = arith.extui %sign3A_15 : i1 to i32
    %sign3A_17 = arith.constant 0 : i32
    %sign3A_18 = arith.cmpi slt, %add3A, %sign3A_17 : i32
    %sign3A_19 = arith.extui %sign3A_18 : i1 to i32
    %sign3A_20 = arith.subi %sign3A_16, %sign3A_19 : i32
    %sign3A_21 = arith.constant 0 : i32
    %sign3A_22 = arith.cmpi sgt, %jit3A_14, %sign3A_21 : i32
    %sign3A_23 = arith.extui %sign3A_22 : i1 to i32
    %sign3A_24 = arith.constant 0 : i32
    %sign3A_25 = arith.cmpi slt, %jit3A_14, %sign3A_24 : i32
    %sign3A_26 = arith.extui %sign3A_25 : i1 to i32
    %sign3A_27 = arith.subi %sign3A_23, %sign3A_26 : i32
    %ne3A_28 = arith.cmpi ne, %sign3A_20, %sign3A_27 : i32
    %rem3A_29 = arith.remsi %add3A, %jit3A_14 : i32
    %ne3A_30 = arith.constant 0 : i32
    %ne3A_31 = arith.cmpi ne, %rem3A_29, %ne3A_30 : i32
    %and3A_32 = arith.andi %ne3A_28, %ne3A_31 : i1
    %sub3A = arith.constant 1 : i32
    %sub3A_33 = arith.subi %div3A, %sub3A : i32
    %select_n3A_34 = arith.select %and3A_32, %sub3A_33, %div3A : i32
    %mul3A_35 = arith.constant 64 : i32
    %mul3A_36 = arith.muli %select_n3A_34, %mul3A_35 : i32
    "tpu.region"() ({
      %run_scoped3A = tpu.sem_alloc : memref<!tpu.dma_semaphore, #tpu.memory_space<semaphore_mem>>
      %dma_start3A_54 = tpu.memref_slice %arg2[%mul3A_2] : memref<204800xi32, #tpu.memory_space<hbm>> -> memref<6400xi32, #tpu.memory_space<hbm>>
      %dma_start3A_55 = tpu.memref_slice %arg2[%mul3A_2] : memref<204800xi32, #tpu.memory_space<hbm>> -> memref<6400xi32, #tpu.memory_space<hbm>>
      tpu.enqueue_dma source(%dma_start3A_55 : memref<6400xi32, #tpu.memory_space<hbm>>) target(%arg5 : memref<6400xi32, #tpu.memory_space<vmem>>) target_semaphore(%run_scoped3A : memref<!tpu.dma_semaphore, #tpu.memory_space<semaphore_mem>>)
      %dma_wait3A_56 = tpu.memref_slice %arg2[%mul3A_2] : memref<204800xi32, #tpu.memory_space<hbm>> -> memref<6400xi32, #tpu.memory_space<hbm>>
      %dma_wait3A_57 = tpu.memref_slice %arg2[%mul3A_2] : memref<204800xi32, #tpu.memory_space<hbm>> -> memref<6400xi32, #tpu.memory_space<hbm>>
      tpu.wait_dma2 semaphore(%run_scoped3A : memref<!tpu.dma_semaphore, #tpu.memory_space<semaphore_mem>>) src(%dma_wait3A_57 : memref<6400xi32, #tpu.memory_space<hbm>>) dst(%arg5 : memref<6400xi32, #tpu.memory_space<vmem>>)
      tpu.yield
    }) : () -> ()
    %dma_start3A = arith.constant 0 : i32
    %dma_start3A_37 = tpu.memref_slice %arg5[%dma_start3A] : memref<6400xi32, #tpu.memory_space<vmem>> -> memref<128xi32, #tpu.memory_space<vmem>>
    %dma_start3A_38 = arith.constant 0 : i32
    %dma_start3A_39 = arith.constant 0 : i32
    %dma_start3A_40 = tpu.memref_slice %arg3[%dma_start3A_38, %dma_start3A_39] : memref<100000x64xi32, #tpu.memory_space<hbm>> -> memref<100000x64xi32, #tpu.memory_space<hbm>>
    tpu.enqueue_indirect_dma source(%dma_start3A_40 : memref<100000x64xi32, #tpu.memory_space<hbm>>) target(%arg6 : memref<128x64xi32, #tpu.memory_space<vmem>>) offsets(%dma_start3A_37 : memref<128xi32, #tpu.memory_space<vmem>>) semaphore(%arg8 : memref<!tpu.dma_semaphore, #tpu.memory_space<semaphore_mem>>)
    %dma_start3A_41 = arith.constant 128 : i32
    %dma_start3A_42 = tpu.memref_slice %arg5[%dma_start3A_41] : memref<6400xi32, #tpu.memory_space<vmem>> -> memref<128xi32, #tpu.memory_space<vmem>>
    %dma_start3A_43 = arith.constant 0 : i32
    %dma_start3A_44 = arith.constant 0 : i32
    %dma_start3A_45 = tpu.memref_slice %arg3[%dma_start3A_43, %dma_start3A_44] : memref<100000x64xi32, #tpu.memory_space<hbm>> -> memref<100000x64xi32, #tpu.memory_space<hbm>>
    tpu.enqueue_indirect_dma source(%dma_start3A_45 : memref<100000x64xi32, #tpu.memory_space<hbm>>) target(%arg7 : memref<128x64xi32, #tpu.memory_space<vmem>>) offsets(%dma_start3A_42 : memref<128xi32, #tpu.memory_space<vmem>>) semaphore(%arg9 : memref<!tpu.dma_semaphore, #tpu.memory_space<semaphore_mem>>)
    %scan3A = arith.constant 0 : i32
    %scan3A_46 = arith.constant 0 : i32
    %scan3A_47 = arith.constant 25 : i32
    %scan3A_48 = arith.addi %scan3A_46, %scan3A_47 : i32
    %scan3A_49 = arith.constant 1 : i32
    scf.for %scan3A_54 = %scan3A_46 to %scan3A_48 step %scan3A_49  : i32 {
      %mul3A_55 = arith.constant 2 : i32
      %mul3A_56 = arith.muli %mul3A_55, %scan3A_54 : i32
      %dma_wait3A_57 = arith.constant 0 : i32
      %dma_wait3A_58 = tpu.memref_slice %arg5[%dma_wait3A_57] : memref<6400xi32, #tpu.memory_space<vmem>> -> memref<128xi32, #tpu.memory_space<vmem>>
      %dma_wait3A_59 = arith.constant 0 : i32
      %dma_wait3A_60 = arith.constant 0 : i32
      %dma_wait3A_61 = tpu.memref_slice %arg3[%dma_wait3A_59, %dma_wait3A_60] : memref<100000x64xi32, #tpu.memory_space<hbm>> -> memref<100000x64xi32, #tpu.memory_space<hbm>>
      tpu.wait_indirect_dma semaphore(%arg8 : memref<!tpu.dma_semaphore, #tpu.memory_space<semaphore_mem>>) src(%dma_wait3A_61 : memref<100000x64xi32, #tpu.memory_space<hbm>>) dst(%arg6 : memref<128x64xi32, #tpu.memory_space<vmem>>)
      %mul3A_62 = arith.constant 128 : i32
      %mul3A_63 = arith.muli %mul3A_56, %mul3A_62 : i32
      %add3A_64 = arith.addi %mul3A_13, %mul3A_63 : i32
      %dma_start3A_65 = tpu.memref_slice %arg4[%add3A_64, %mul3A_36] : memref<102400x128xi32, #tpu.memory_space<hbm>> -> memref<128x64xi32, #tpu.memory_space<hbm>>
      %dma_start3A_66 = tpu.memref_slice %arg4[%add3A_64, %mul3A_36] : memref<102400x128xi32, #tpu.memory_space<hbm>> -> memref<128x64xi32, #tpu.memory_space<hbm>>
      tpu.enqueue_dma source(%arg6 : memref<128x64xi32, #tpu.memory_space<vmem>>) target(%dma_start3A_66 : memref<128x64xi32, #tpu.memory_space<hbm>>) target_semaphore(%arg10 : memref<!tpu.dma_semaphore, #tpu.memory_space<semaphore_mem>>)
      %dma_wait3A_67 = arith.constant 0 : i32
      %dma_wait3A_68 = tpu.memref_slice %arg5[%dma_wait3A_67] : memref<6400xi32, #tpu.memory_space<vmem>> -> memref<128xi32, #tpu.memory_space<vmem>>
      %dma_wait3A_69 = arith.constant 0 : i32
      %dma_wait3A_70 = arith.constant 0 : i32
      %dma_wait3A_71 = tpu.memref_slice %arg3[%dma_wait3A_69, %dma_wait3A_70] : memref<100000x64xi32, #tpu.memory_space<hbm>> -> memref<100000x64xi32, #tpu.memory_space<hbm>>
      tpu.wait_indirect_dma semaphore(%arg9 : memref<!tpu.dma_semaphore, #tpu.memory_space<semaphore_mem>>) src(%dma_wait3A_71 : memref<100000x64xi32, #tpu.memory_space<hbm>>) dst(%arg7 : memref<128x64xi32, #tpu.memory_space<vmem>>)
      %add3A_72 = arith.constant 1 : i32
      %add3A_73 = arith.addi %mul3A_56, %add3A_72 : i32
      %mul3A_74 = arith.constant 128 : i32
      %mul3A_75 = arith.muli %add3A_73, %mul3A_74 : i32
      %add3A_76 = arith.addi %mul3A_13, %mul3A_75 : i32
      %dma_start3A_77 = tpu.memref_slice %arg4[%add3A_76, %mul3A_36] : memref<102400x128xi32, #tpu.memory_space<hbm>> -> memref<128x64xi32, #tpu.memory_space<hbm>>
      %dma_start3A_78 = tpu.memref_slice %arg4[%add3A_76, %mul3A_36] : memref<102400x128xi32, #tpu.memory_space<hbm>> -> memref<128x64xi32, #tpu.memory_space<hbm>>
      tpu.enqueue_dma source(%arg7 : memref<128x64xi32, #tpu.memory_space<vmem>>) target(%dma_start3A_78 : memref<128x64xi32, #tpu.memory_space<hbm>>) target_semaphore(%arg11 : memref<!tpu.dma_semaphore, #tpu.memory_space<semaphore_mem>>)
      %add3A_79 = arith.constant 1 : i32
      %add3A_80 = arith.addi %scan3A_54, %add3A_79 : i32
      %lt3A_81 = arith.constant 25 : i32
      %lt3A_82 = arith.cmpi slt, %add3A_80, %lt3A_81 : i32
      %convert_element_type3A = arith.extui %lt3A_82 : i1 to i32
      %cond3A = arith.constant 0 : i32
      %cond3A_83 = arith.cmpi ne, %convert_element_type3A, %cond3A : i32
      scf.if %cond3A_83 {
        %dma_wait3A_84 = tpu.memref_slice %arg4[%mul3A_13, %mul3A_36] : memref<102400x128xi32, #tpu.memory_space<hbm>> -> memref<128x64xi32, #tpu.memory_space<hbm>>
        %dma_wait3A_85 = tpu.memref_slice %arg4[%mul3A_13, %mul3A_36] : memref<102400x128xi32, #tpu.memory_space<hbm>> -> memref<128x64xi32, #tpu.memory_space<hbm>>
        tpu.wait_dma2 semaphore(%arg10 : memref<!tpu.dma_semaphore, #tpu.memory_space<semaphore_mem>>) src(%arg6 : memref<128x64xi32, #tpu.memory_space<vmem>>) dst(%dma_wait3A_85 : memref<128x64xi32, #tpu.memory_space<hbm>>)
        %add3A_86 = arith.constant 2 : i32
        %add3A_87 = arith.addi %mul3A_56, %add3A_86 : i32
        %mul3A_88 = arith.constant 128 : i32
        %mul3A_89 = arith.muli %add3A_87, %mul3A_88 : i32
        %dma_start3A_90 = tpu.memref_slice %arg5[%mul3A_89] : memref<6400xi32, #tpu.memory_space<vmem>> -> memref<128xi32, #tpu.memory_space<vmem>>
        %dma_start3A_91 = arith.constant 0 : i32
        %dma_start3A_92 = arith.constant 0 : i32
        %dma_start3A_93 = tpu.memref_slice %arg3[%dma_start3A_91, %dma_start3A_92] : memref<100000x64xi32, #tpu.memory_space<hbm>> -> memref<100000x64xi32, #tpu.memory_space<hbm>>
        tpu.enqueue_indirect_dma source(%dma_start3A_93 : memref<100000x64xi32, #tpu.memory_space<hbm>>) target(%arg6 : memref<128x64xi32, #tpu.memory_space<vmem>>) offsets(%dma_start3A_90 : memref<128xi32, #tpu.memory_space<vmem>>) semaphore(%arg8 : memref<!tpu.dma_semaphore, #tpu.memory_space<semaphore_mem>>)
        %dma_wait3A_94 = tpu.memref_slice %arg4[%mul3A_13, %mul3A_36] : memref<102400x128xi32, #tpu.memory_space<hbm>> -> memref<128x64xi32, #tpu.memory_space<hbm>>
        %dma_wait3A_95 = tpu.memref_slice %arg4[%mul3A_13, %mul3A_36] : memref<102400x128xi32, #tpu.memory_space<hbm>> -> memref<128x64xi32, #tpu.memory_space<hbm>>
        tpu.wait_dma2 semaphore(%arg11 : memref<!tpu.dma_semaphore, #tpu.memory_space<semaphore_mem>>) src(%arg7 : memref<128x64xi32, #tpu.memory_space<vmem>>) dst(%dma_wait3A_95 : memref<128x64xi32, #tpu.memory_space<hbm>>)
        %add3A_96 = arith.constant 3 : i32
        %add3A_97 = arith.addi %mul3A_56, %add3A_96 : i32
        %mul3A_98 = arith.constant 128 : i32
        %mul3A_99 = arith.muli %add3A_97, %mul3A_98 : i32
        %dma_start3A_100 = tpu.memref_slice %arg5[%mul3A_99] : memref<6400xi32, #tpu.memory_space<vmem>> -> memref<128xi32, #tpu.memory_space<vmem>>
        %dma_start3A_101 = arith.constant 0 : i32
        %dma_start3A_102 = arith.constant 0 : i32
        %dma_start3A_103 = tpu.memref_slice %arg3[%dma_start3A_101, %dma_start3A_102] : memref<100000x64xi32, #tpu.memory_space<hbm>> -> memref<100000x64xi32, #tpu.memory_space<hbm>>
        tpu.enqueue_indirect_dma source(%dma_start3A_103 : memref<100000x64xi32, #tpu.memory_space<hbm>>) target(%arg7 : memref<128x64xi32, #tpu.memory_space<vmem>>) offsets(%dma_start3A_100 : memref<128xi32, #tpu.memory_space<vmem>>) semaphore(%arg9 : memref<!tpu.dma_semaphore, #tpu.memory_space<semaphore_mem>>)
      } else {
      }
    }
    %scan3A_50 = arith.constant 25 : i32
    %dma_wait3A = tpu.memref_slice %arg4[%mul3A_13, %mul3A_36] : memref<102400x128xi32, #tpu.memory_space<hbm>> -> memref<128x64xi32, #tpu.memory_space<hbm>>
    %dma_wait3A_51 = tpu.memref_slice %arg4[%mul3A_13, %mul3A_36] : memref<102400x128xi32, #tpu.memory_space<hbm>> -> memref<128x64xi32, #tpu.memory_space<hbm>>
    tpu.wait_dma2 semaphore(%arg10 : memref<!tpu.dma_semaphore, #tpu.memory_space<semaphore_mem>>) src(%arg6 : memref<128x64xi32, #tpu.memory_space<vmem>>) dst(%dma_wait3A_51 : memref<128x64xi32, #tpu.memory_space<hbm>>)
    %dma_wait3A_52 = tpu.memref_slice %arg4[%mul3A_13, %mul3A_36] : memref<102400x128xi32, #tpu.memory_space<hbm>> -> memref<128x64xi32, #tpu.memory_space<hbm>>
    %dma_wait3A_53 = tpu.memref_slice %arg4[%mul3A_13, %mul3A_36] : memref<102400x128xi32, #tpu.memory_space<hbm>> -> memref<128x64xi32, #tpu.memory_space<hbm>>
    tpu.wait_dma2 semaphore(%arg11 : memref<!tpu.dma_semaphore, #tpu.memory_space<semaphore_mem>>) src(%arg7 : memref<128x64xi32, #tpu.memory_space<vmem>>) dst(%dma_wait3A_53 : memref<128x64xi32, #tpu.memory_space<hbm>>)
    return
  }
}

#map = affine_map<(d0, d1) -> (0)>
#map1 = affine_map<(d0, d1) -> (0, 0)>
module attributes {stable_mosaic.version = 14 : i64} {
  func.func @gather_k(%arg0: i32, %arg1: i32, %arg2: memref<204800xi32, #tpu.memory_space<hbm>>, %arg3: memref<100000x64xi32, #tpu.memory_space<hbm>>, %arg4: memref<102400x128xi32, #tpu.memory_space<hbm>>, %arg5: memref<6400xi32, #tpu.memory_space<vmem>>, %arg6: memref<128x64xi32, #tpu.memory_space<vmem>>, %arg7: memref<128x64xi32, #tpu.memory_space<vmem>>, %arg8: memref<!tpu.dma_semaphore, #tpu.memory_space<semaphore_mem>>, %arg9: memref<!tpu.dma_semaphore, #tpu.memory_space<semaphore_mem>>, %arg10: memref<!tpu.dma_semaphore, #tpu.memory_space<semaphore_mem>>, %arg11: memref<!tpu.dma_semaphore, #tpu.memory_space<semaphore_mem>>) attributes {dimension_semantics = [#tpu.dimension_semantics<core_parallel>, #tpu.dimension_semantics<subcore_parallel>], iteration_bounds = array<i64: 2, 16>, scalar_prefetch = 0 : i64, scratch_operands = 7 : i64, tpu.core_type = #tpu.core_type<sc_vector_subcore>, window_params = [{transform_indices = #map}, {transform_indices = #map1}, {transform_indices = #map1}]} {
    %mul3A = arith.constant 2 : i32
    %mul3A_0 = arith.muli %arg1, %mul3A : i32
    %add3A = arith.addi %mul3A_0, %arg0 : i32
    %mul3A_1 = arith.constant 6400 : i32
    %mul3A_2 = arith.muli %add3A, %mul3A_1 : i32
    %jit3A = arith.constant 16 : i32
    %eq3A = arith.constant 0 : i32
    %eq3A_3 = arith.cmpi eq, %jit3A, %eq3A : i32
    %jit3A_4 = arith.constant 1 : i32
    %select_n3A = arith.select %eq3A_3, %jit3A_4, %jit3A : i32
    %rem3A = arith.remsi %add3A, %select_n3A : i32
    %ne3A = arith.constant 0 : i32
    %ne3A_5 = arith.cmpi ne, %rem3A, %ne3A : i32
    %lt3A = arith.constant 0 : i32
    %lt3A_6 = arith.cmpi slt, %rem3A, %lt3A : i32
    %lt3A_7 = arith.constant 0 : i32
    %lt3A_8 = arith.cmpi slt, %select_n3A, %lt3A_7 : i32
    %ne3A_9 = arith.xori %lt3A_6, %lt3A_8 : i1
    %and3A = arith.andi %ne3A_9, %ne3A_5 : i1
    %add3A_10 = arith.addi %rem3A, %select_n3A : i32
    %select_n3A_11 = arith.select %and3A, %add3A_10, %rem3A : i32
    %mul3A_12 = arith.constant 6400 : i32
    %mul3A_13 = arith.muli %select_n3A_11, %mul3A_12 : i32
    %jit3A_14 = arith.constant 16 : i32
    %div3A = arith.divsi %add3A, %jit3A_14 : i32
    %sign3A = arith.constant 0 : i32
    %sign3A_15 = arith.cmpi sgt, %add3A, %sign3A : i32
    %sign3A_16 = arith.extui %sign3A_15 : i1 to i32
    %sign3A_17 = arith.constant 0 : i32
    %sign3A_18 = arith.cmpi slt, %add3A, %sign3A_17 : i32
    %sign3A_19 = arith.extui %sign3A_18 : i1 to i32
    %sign3A_20 = arith.subi %sign3A_16, %sign3A_19 : i32
    %sign3A_21 = arith.constant 0 : i32
    %sign3A_22 = arith.cmpi sgt, %jit3A_14, %sign3A_21 : i32
    %sign3A_23 = arith.extui %sign3A_22 : i1 to i32
    %sign3A_24 = arith.constant 0 : i32
    %sign3A_25 = arith.cmpi slt, %jit3A_14, %sign3A_24 : i32
    %sign3A_26 = arith.extui %sign3A_25 : i1 to i32
    %sign3A_27 = arith.subi %sign3A_23, %sign3A_26 : i32
    %ne3A_28 = arith.cmpi ne, %sign3A_20, %sign3A_27 : i32
    %rem3A_29 = arith.remsi %add3A, %jit3A_14 : i32
    %ne3A_30 = arith.constant 0 : i32
    %ne3A_31 = arith.cmpi ne, %rem3A_29, %ne3A_30 : i32
    %and3A_32 = arith.andi %ne3A_28, %ne3A_31 : i1
    %sub3A = arith.constant 1 : i32
    %sub3A_33 = arith.subi %div3A, %sub3A : i32
    %select_n3A_34 = arith.select %and3A_32, %sub3A_33, %div3A : i32
    %mul3A_35 = arith.constant 64 : i32
    %mul3A_36 = arith.muli %select_n3A_34, %mul3A_35 : i32
    "tpu.region"() ({
      %run_scoped3A = tpu.sem_alloc : memref<!tpu.dma_semaphore, #tpu.memory_space<semaphore_mem>>
      %dma_start3A_54 = tpu.memref_slice %arg2[%mul3A_2] : memref<204800xi32, #tpu.memory_space<hbm>> -> memref<6400xi32, #tpu.memory_space<hbm>>
      %dma_start3A_55 = tpu.memref_slice %arg2[%mul3A_2] : memref<204800xi32, #tpu.memory_space<hbm>> -> memref<6400xi32, #tpu.memory_space<hbm>>
      tpu.enqueue_dma source(%dma_start3A_55 : memref<6400xi32, #tpu.memory_space<hbm>>) target(%arg5 : memref<6400xi32, #tpu.memory_space<vmem>>) target_semaphore(%run_scoped3A : memref<!tpu.dma_semaphore, #tpu.memory_space<semaphore_mem>>)
      %dma_wait3A_56 = tpu.memref_slice %arg2[%mul3A_2] : memref<204800xi32, #tpu.memory_space<hbm>> -> memref<6400xi32, #tpu.memory_space<hbm>>
      %dma_wait3A_57 = tpu.memref_slice %arg2[%mul3A_2] : memref<204800xi32, #tpu.memory_space<hbm>> -> memref<6400xi32, #tpu.memory_space<hbm>>
      tpu.wait_dma2 semaphore(%run_scoped3A : memref<!tpu.dma_semaphore, #tpu.memory_space<semaphore_mem>>) src(%dma_wait3A_57 : memref<6400xi32, #tpu.memory_space<hbm>>) dst(%arg5 : memref<6400xi32, #tpu.memory_space<vmem>>)
      tpu.yield
    }) : () -> ()
    %dma_start3A = arith.constant 0 : i32
    %dma_start3A_37 = tpu.memref_slice %arg5[%dma_start3A] : memref<6400xi32, #tpu.memory_space<vmem>> -> memref<128xi32, #tpu.memory_space<vmem>>
    %dma_start3A_38 = arith.constant 0 : i32
    %dma_start3A_39 = arith.constant 0 : i32
    %dma_start3A_40 = tpu.memref_slice %arg3[%dma_start3A_38, %dma_start3A_39] : memref<100000x64xi32, #tpu.memory_space<hbm>> -> memref<100000x64xi32, #tpu.memory_space<hbm>>
    tpu.enqueue_indirect_dma source(%dma_start3A_40 : memref<100000x64xi32, #tpu.memory_space<hbm>>) target(%arg6 : memref<128x64xi32, #tpu.memory_space<vmem>>) offsets(%dma_start3A_37 : memref<128xi32, #tpu.memory_space<vmem>>) semaphore(%arg8 : memref<!tpu.dma_semaphore, #tpu.memory_space<semaphore_mem>>)
    %dma_start3A_41 = arith.constant 128 : i32
    %dma_start3A_42 = tpu.memref_slice %arg5[%dma_start3A_41] : memref<6400xi32, #tpu.memory_space<vmem>> -> memref<128xi32, #tpu.memory_space<vmem>>
    %dma_start3A_43 = arith.constant 0 : i32
    %dma_start3A_44 = arith.constant 0 : i32
    %dma_start3A_45 = tpu.memref_slice %arg3[%dma_start3A_43, %dma_start3A_44] : memref<100000x64xi32, #tpu.memory_space<hbm>> -> memref<100000x64xi32, #tpu.memory_space<hbm>>
    tpu.enqueue_indirect_dma source(%dma_start3A_45 : memref<100000x64xi32, #tpu.memory_space<hbm>>) target(%arg7 : memref<128x64xi32, #tpu.memory_space<vmem>>) offsets(%dma_start3A_42 : memref<128xi32, #tpu.memory_space<vmem>>) semaphore(%arg9 : memref<!tpu.dma_semaphore, #tpu.memory_space<semaphore_mem>>)
    %scan3A = arith.constant 0 : i32
    %scan3A_46 = arith.constant 0 : i32
    %scan3A_47 = arith.constant 25 : i32
    %scan3A_48 = arith.addi %scan3A_46, %scan3A_47 : i32
    %scan3A_49 = arith.constant 1 : i32
    scf.for %scan3A_54 = %scan3A_46 to %scan3A_48 step %scan3A_49  : i32 {
      %mul3A_55 = arith.constant 2 : i32
      %mul3A_56 = arith.muli %mul3A_55, %scan3A_54 : i32
      %dma_wait3A_57 = arith.constant 0 : i32
      %dma_wait3A_58 = tpu.memref_slice %arg5[%dma_wait3A_57] : memref<6400xi32, #tpu.memory_space<vmem>> -> memref<128xi32, #tpu.memory_space<vmem>>
      %dma_wait3A_59 = arith.constant 0 : i32
      %dma_wait3A_60 = arith.constant 0 : i32
      %dma_wait3A_61 = tpu.memref_slice %arg3[%dma_wait3A_59, %dma_wait3A_60] : memref<100000x64xi32, #tpu.memory_space<hbm>> -> memref<100000x64xi32, #tpu.memory_space<hbm>>
      tpu.wait_indirect_dma semaphore(%arg8 : memref<!tpu.dma_semaphore, #tpu.memory_space<semaphore_mem>>) src(%dma_wait3A_61 : memref<100000x64xi32, #tpu.memory_space<hbm>>) dst(%arg6 : memref<128x64xi32, #tpu.memory_space<vmem>>)
      %mul3A_62 = arith.constant 128 : i32
      %mul3A_63 = arith.muli %mul3A_56, %mul3A_62 : i32
      %add3A_64 = arith.addi %mul3A_13, %mul3A_63 : i32
      %dma_start3A_65 = tpu.memref_slice %arg4[%add3A_64, %mul3A_36] : memref<102400x128xi32, #tpu.memory_space<hbm>> -> memref<128x64xi32, #tpu.memory_space<hbm>>
      %dma_start3A_66 = tpu.memref_slice %arg4[%add3A_64, %mul3A_36] : memref<102400x128xi32, #tpu.memory_space<hbm>> -> memref<128x64xi32, #tpu.memory_space<hbm>>
      tpu.enqueue_dma source(%arg6 : memref<128x64xi32, #tpu.memory_space<vmem>>) target(%dma_start3A_66 : memref<128x64xi32, #tpu.memory_space<hbm>>) target_semaphore(%arg10 : memref<!tpu.dma_semaphore, #tpu.memory_space<semaphore_mem>>)
      %dma_wait3A_67 = arith.constant 0 : i32
      %dma_wait3A_68 = tpu.memref_slice %arg5[%dma_wait3A_67] : memref<6400xi32, #tpu.memory_space<vmem>> -> memref<128xi32, #tpu.memory_space<vmem>>
      %dma_wait3A_69 = arith.constant 0 : i32
      %dma_wait3A_70 = arith.constant 0 : i32
      %dma_wait3A_71 = tpu.memref_slice %arg3[%dma_wait3A_69, %dma_wait3A_70] : memref<100000x64xi32, #tpu.memory_space<hbm>> -> memref<100000x64xi32, #tpu.memory_space<hbm>>
      tpu.wait_indirect_dma semaphore(%arg9 : memref<!tpu.dma_semaphore, #tpu.memory_space<semaphore_mem>>) src(%dma_wait3A_71 : memref<100000x64xi32, #tpu.memory_space<hbm>>) dst(%arg7 : memref<128x64xi32, #tpu.memory_space<vmem>>)
      %add3A_72 = arith.constant 1 : i32
      %add3A_73 = arith.addi %mul3A_56, %add3A_72 : i32
      %mul3A_74 = arith.constant 128 : i32
      %mul3A_75 = arith.muli %add3A_73, %mul3A_74 : i32
      %add3A_76 = arith.addi %mul3A_13, %mul3A_75 : i32
      %dma_start3A_77 = tpu.memref_slice %arg4[%add3A_76, %mul3A_36] : memref<102400x128xi32, #tpu.memory_space<hbm>> -> memref<128x64xi32, #tpu.memory_space<hbm>>
      %dma_start3A_78 = tpu.memref_slice %arg4[%add3A_76, %mul3A_36] : memref<102400x128xi32, #tpu.memory_space<hbm>> -> memref<128x64xi32, #tpu.memory_space<hbm>>
      tpu.enqueue_dma source(%arg7 : memref<128x64xi32, #tpu.memory_space<vmem>>) target(%dma_start3A_78 : memref<128x64xi32, #tpu.memory_space<hbm>>) target_semaphore(%arg11 : memref<!tpu.dma_semaphore, #tpu.memory_space<semaphore_mem>>)
      %add3A_79 = arith.constant 1 : i32
      %add3A_80 = arith.addi %scan3A_54, %add3A_79 : i32
      %lt3A_81 = arith.constant 25 : i32
      %lt3A_82 = arith.cmpi slt, %add3A_80, %lt3A_81 : i32
      %convert_element_type3A = arith.extui %lt3A_82 : i1 to i32
      %cond3A = arith.constant 0 : i32
      %cond3A_83 = arith.cmpi ne, %convert_element_type3A, %cond3A : i32
      scf.if %cond3A_83 {
        %dma_wait3A_84 = tpu.memref_slice %arg4[%mul3A_13, %mul3A_36] : memref<102400x128xi32, #tpu.memory_space<hbm>> -> memref<128x64xi32, #tpu.memory_space<hbm>>
        %dma_wait3A_85 = tpu.memref_slice %arg4[%mul3A_13, %mul3A_36] : memref<102400x128xi32, #tpu.memory_space<hbm>> -> memref<128x64xi32, #tpu.memory_space<hbm>>
        tpu.wait_dma2 semaphore(%arg10 : memref<!tpu.dma_semaphore, #tpu.memory_space<semaphore_mem>>) src(%arg6 : memref<128x64xi32, #tpu.memory_space<vmem>>) dst(%dma_wait3A_85 : memref<128x64xi32, #tpu.memory_space<hbm>>)
        %add3A_86 = arith.constant 2 : i32
        %add3A_87 = arith.addi %mul3A_56, %add3A_86 : i32
        %mul3A_88 = arith.constant 128 : i32
        %mul3A_89 = arith.muli %add3A_87, %mul3A_88 : i32
        %dma_start3A_90 = tpu.memref_slice %arg5[%mul3A_89] : memref<6400xi32, #tpu.memory_space<vmem>> -> memref<128xi32, #tpu.memory_space<vmem>>
        %dma_start3A_91 = arith.constant 0 : i32
        %dma_start3A_92 = arith.constant 0 : i32
        %dma_start3A_93 = tpu.memref_slice %arg3[%dma_start3A_91, %dma_start3A_92] : memref<100000x64xi32, #tpu.memory_space<hbm>> -> memref<100000x64xi32, #tpu.memory_space<hbm>>
        tpu.enqueue_indirect_dma source(%dma_start3A_93 : memref<100000x64xi32, #tpu.memory_space<hbm>>) target(%arg6 : memref<128x64xi32, #tpu.memory_space<vmem>>) offsets(%dma_start3A_90 : memref<128xi32, #tpu.memory_space<vmem>>) semaphore(%arg8 : memref<!tpu.dma_semaphore, #tpu.memory_space<semaphore_mem>>)
        %dma_wait3A_94 = tpu.memref_slice %arg4[%mul3A_13, %mul3A_36] : memref<102400x128xi32, #tpu.memory_space<hbm>> -> memref<128x64xi32, #tpu.memory_space<hbm>>
        %dma_wait3A_95 = tpu.memref_slice %arg4[%mul3A_13, %mul3A_36] : memref<102400x128xi32, #tpu.memory_space<hbm>> -> memref<128x64xi32, #tpu.memory_space<hbm>>
        tpu.wait_dma2 semaphore(%arg11 : memref<!tpu.dma_semaphore, #tpu.memory_space<semaphore_mem>>) src(%arg7 : memref<128x64xi32, #tpu.memory_space<vmem>>) dst(%dma_wait3A_95 : memref<128x64xi32, #tpu.memory_space<hbm>>)
        %add3A_96 = arith.constant 3 : i32
        %add3A_97 = arith.addi %mul3A_56, %add3A_96 : i32
        %mul3A_98 = arith.constant 128 : i32
        %mul3A_99 = arith.muli %add3A_97, %mul3A_98 : i32
        %dma_start3A_100 = tpu.memref_slice %arg5[%mul3A_99] : memref<6400xi32, #tpu.memory_space<vmem>> -> memref<128xi32, #tpu.memory_space<vmem>>
        %dma_start3A_101 = arith.constant 0 : i32
        %dma_start3A_102 = arith.constant 0 : i32
        %dma_start3A_103 = tpu.memref_slice %arg3[%dma_start3A_101, %dma_start3A_102] : memref<100000x64xi32, #tpu.memory_space<hbm>> -> memref<100000x64xi32, #tpu.memory_space<hbm>>
        tpu.enqueue_indirect_dma source(%dma_start3A_103 : memref<100000x64xi32, #tpu.memory_space<hbm>>) target(%arg7 : memref<128x64xi32, #tpu.memory_space<vmem>>) offsets(%dma_start3A_100 : memref<128xi32, #tpu.memory_space<vmem>>) semaphore(%arg9 : memref<!tpu.dma_semaphore, #tpu.memory_space<semaphore_mem>>)
      } else {
      }
    }
    %scan3A_50 = arith.constant 25 : i32
    %dma_wait3A = tpu.memref_slice %arg4[%mul3A_13, %mul3A_36] : memref<102400x128xi32, #tpu.memory_space<hbm>> -> memref<128x64xi32, #tpu.memory_space<hbm>>
    %dma_wait3A_51 = tpu.memref_slice %arg4[%mul3A_13, %mul3A_36] : memref<102400x128xi32, #tpu.memory_space<hbm>> -> memref<128x64xi32, #tpu.memory_space<hbm>>
    tpu.wait_dma2 semaphore(%arg10 : memref<!tpu.dma_semaphore, #tpu.memory_space<semaphore_mem>>) src(%arg6 : memref<128x64xi32, #tpu.memory_space<vmem>>) dst(%dma_wait3A_51 : memref<128x64xi32, #tpu.memory_space<hbm>>)
    %dma_wait3A_52 = tpu.memref_slice %arg4[%mul3A_13, %mul3A_36] : memref<102400x128xi32, #tpu.memory_space<hbm>> -> memref<128x64xi32, #tpu.memory_space<hbm>>
    %dma_wait3A_53 = tpu.memref_slice %arg4[%mul3A_13, %mul3A_36] : memref<102400x128xi32, #tpu.memory_space<hbm>> -> memref<128x64xi32, #tpu.memory_space<hbm>>
    tpu.wait_dma2 semaphore(%arg11 : memref<!tpu.dma_semaphore, #tpu.memory_space<semaphore_mem>>) src(%arg7 : memref<128x64xi32, #tpu.memory_space<vmem>>) dst(%dma_wait3A_53 : memref<128x64xi32, #tpu.memory_space<hbm>>)
    return
  }
}

module attributes {stable_mosaic.version = 14 : i64} {
  func.func @_pack_body(%arg0: i32, %arg1: memref<4000x128xf32, #tpu.memory_space<vmem>>, %arg2: memref<4000x64xi32, #tpu.memory_space<vmem>>) attributes {dimension_semantics = [#tpu.dimension_semantics<arbitrary>], iteration_bounds = array<i64: 25>, scalar_prefetch = 0 : i64, scratch_operands = 0 : i64, tpu.core_type = #tpu.core_type<tc>, window_params = [{transform_indices = @transform_0, window_bounds = array<i64: 4000, 128>}, {transform_indices = @transform_1, window_bounds = array<i64: 4000, 64>}]} {
    %get3A = arith.constant 0 : index
    %get3A_0 = arith.constant 0 : index
    %get3A_1 = vector.load %arg1[%get3A, %get3A_0] : memref<4000x128xf32, #tpu.memory_space<vmem>>, vector<4000x128xf32>
    %convert_element_type3A = arith.truncf %get3A_1 : vector<4000x128xf32> to vector<4000x128xbf16>
    %slice3A = vector.extract_strided_slice %convert_element_type3A {offsets = [0, 0], sizes = [4000, 64], strides = [1, 1]} : vector<4000x128xbf16> to vector<4000x64xbf16>
    %bitcast_convert_type3A = tpu.bitcast %slice3A : vector<4000x64xbf16> -> vector<4000x64xi16>
    %convert_element_type3A_2 = arith.extui %bitcast_convert_type3A : vector<4000x64xi16> to vector<4000x64xi32>
    %slice3A_3 = vector.extract_strided_slice %convert_element_type3A {offsets = [0, 64], sizes = [4000, 64], strides = [1, 1]} : vector<4000x128xbf16> to vector<4000x64xbf16>
    %bitcast_convert_type3A_4 = tpu.bitcast %slice3A_3 : vector<4000x64xbf16> -> vector<4000x64xi16>
    %convert_element_type3A_5 = arith.extui %bitcast_convert_type3A_4 : vector<4000x64xi16> to vector<4000x64xi32>
    %shift_left3A = arith.constant 16 : i32
    %shift_left3A_6 = vector.broadcast %shift_left3A : i32 to vector<4000x64xi32>
    %shift_left3A_7 = arith.shli %convert_element_type3A_5, %shift_left3A_6 : vector<4000x64xi32>
    %or3A = arith.ori %convert_element_type3A_2, %shift_left3A_7 : vector<4000x64xi32>
    %bitcast_convert_type3A_8 = tpu.bitcast %or3A : vector<4000x64xi32> -> vector<4000x64xi32>
    %swap3A = arith.constant 0 : index
    %swap3A_9 = arith.constant 0 : index
    %swap3A_10 = vector.load %arg2[%swap3A, %swap3A_9] : memref<4000x64xi32, #tpu.memory_space<vmem>>, vector<4000x64xi32>
    tpu.vector_store %arg2[%swap3A, %swap3A_9], %bitcast_convert_type3A_8 {strides = array<i32>} : memref<4000x64xi32, #tpu.memory_space<vmem>>, vector<4000x64xi32>,
    return
  }
  func.func @transform_0(%arg0: i32) -> (i32, i32) {
    %c0_i32 = arith.constant 0 : i32
    %c0_i32_0 = arith.constant 0 : i32
    return %arg0, %c0_i32 : i32, i32
  }
  func.func @transform_1(%arg0: i32) -> (i32, i32) {
    %c0_i32 = arith.constant 0 : i32
    %c0_i32_0 = arith.constant 0 : i32
    return %arg0, %c0_i32 : i32, i32
  }
}

module attributes {stable_mosaic.version = 14 : i64} {
  func.func @_mlp_body(%arg0: i32, %arg1: i32, %arg2: memref<25x256x128xi32, #tpu.memory_space<vmem>>, %arg3: memref<25x64x64xbf16, #tpu.memory_space<vmem>>, %arg4: memref<1x32xf32, #tpu.memory_space<vmem>>, %arg5: memref<1x32xf32, #tpu.memory_space<vmem>>, %arg6: memref<1x1xf32, #tpu.memory_space<vmem>>, %arg7: memref<512x1xf32, #tpu.memory_space<vmem>>, %arg8: memref<512x64xf32, #tpu.memory_space<vmem>>, %arg9: memref<512x64xf32, #tpu.memory_space<vmem>>) attributes {dimension_semantics = [#tpu.dimension_semantics<arbitrary>, #tpu.dimension_semantics<arbitrary>], iteration_bounds = array<i64: 2, 8>, scalar_prefetch = 0 : i64, scratch_operands = 2 : i64, tpu.core_type = #tpu.core_type<tc>, window_params = [{transform_indices = @transform_0, window_bounds = array<i64: 25, 256, 128>}, {transform_indices = @transform_1, window_bounds = array<i64: 25, 64, 64>}, {pipeline_mode = #tpu.pipeline_mode<synchronous>, transform_indices = @transform_2, window_bounds = array<i64: 1, 32>}, {pipeline_mode = #tpu.pipeline_mode<synchronous>, transform_indices = @transform_3, window_bounds = array<i64: 1, 32>}, {pipeline_mode = #tpu.pipeline_mode<synchronous>, transform_indices = @transform_4, window_bounds = array<i64: 1, 1>}, {transform_indices = @transform_5, window_bounds = array<i64: 512, 1>}]} {
    %get3A = arith.constant 0 : index
    %get3A_0 = arith.constant 0 : index
    %get3A_1 = arith.constant 0 : index
    %get3A_2 = vector.load %arg2[%get3A, %get3A_0, %get3A_1] : memref<25x256x128xi32, #tpu.memory_space<vmem>>, vector<1x256x128xi32>
    %get3A_3 = vector.shape_cast %get3A_2 : vector<1x256x128xi32> to vector<256x128xi32>
    %bitcast3A = tpu.bitcast %get3A_3 : vector<256x128xi32> -> vector<512x128xbf16>
    %slice3A = vector.extract_strided_slice %bitcast3A {offsets = [0, 0], sizes = [512, 64], strides = [1, 1]} : vector<512x128xbf16> to vector<512x64xbf16>
    %slice3A_4 = vector.extract_strided_slice %bitcast3A {offsets = [0, 64], sizes = [512, 64], strides = [1, 1]} : vector<512x128xbf16> to vector<512x64xbf16>
    %get3A_5 = arith.constant 0 : index
    %get3A_6 = arith.constant 0 : index
    %get3A_7 = arith.constant 0 : index
    %get3A_8 = vector.load %arg3[%get3A_5, %get3A_6, %get3A_7] : memref<25x64x64xbf16, #tpu.memory_space<vmem>>, vector<1x64x64xbf16>
    %get3A_9 = vector.shape_cast %get3A_8 : vector<1x64x64xbf16> to vector<64x64xbf16>
    %dot_general3A = arith.constant dense<0.000000e+00> : vector<512x64xf32>
    %dot_general3A_10 = tpu.matmul %slice3A, %get3A_9, %dot_general3A {dimension_numbers = #tpu.dot_dimension_numbers<[1], [0], [0], [1], [0, 0, 1, 1], [], []>, transpose_lhs_hint = false} : vector<512x64xbf16>, vector<64x64xbf16>, vector<512x64xf32> -> vector<512x64xf32>
    %get3A_11 = arith.constant 0 : index
    %get3A_12 = arith.constant 0 : index
    %get3A_13 = arith.constant 0 : index
    %get3A_14 = vector.load %arg3[%get3A_11, %get3A_12, %get3A_13] : memref<25x64x64xbf16, #tpu.memory_space<vmem>>, vector<1x64x64xbf16>
    %get3A_15 = vector.shape_cast %get3A_14 : vector<1x64x64xbf16> to vector<64x64xbf16>
    %dot_general3A_16 = arith.constant dense<0.000000e+00> : vector<512x64xf32>
    %dot_general3A_17 = tpu.matmul %slice3A_4, %get3A_15, %dot_general3A_16 {dimension_numbers = #tpu.dot_dimension_numbers<[1], [0], [0], [1], [0, 0, 1, 1], [], []>, transpose_lhs_hint = false} : vector<512x64xbf16>, vector<64x64xbf16>, vector<512x64xf32> -> vector<512x64xf32>
    %get3A_18 = arith.constant 1 : index
    %get3A_19 = arith.constant 0 : index
    %get3A_20 = arith.constant 0 : index
    %get3A_21 = vector.load %arg2[%get3A_18, %get3A_19, %get3A_20] : memref<25x256x128xi32, #tpu.memory_space<vmem>>, vector<1x256x128xi32>
    %get3A_22 = vector.shape_cast %get3A_21 : vector<1x256x128xi32> to vector<256x128xi32>
    %bitcast3A_23 = tpu.bitcast %get3A_22 : vector<256x128xi32> -> vector<512x128xbf16>
    %slice3A_24 = vector.extract_strided_slice %bitcast3A_23 {offsets = [0, 0], sizes = [512, 64], strides = [1, 1]} : vector<512x128xbf16> to vector<512x64xbf16>
    %slice3A_25 = vector.extract_strided_slice %bitcast3A_23 {offsets = [0, 64], sizes = [512, 64], strides = [1, 1]} : vector<512x128xbf16> to vector<512x64xbf16>
    %get3A_26 = arith.constant 1 : index
    %get3A_27 = arith.constant 0 : index
    %get3A_28 = arith.constant 0 : index
    %get3A_29 = vector.load %arg3[%get3A_26, %get3A_27, %get3A_28] : memref<25x64x64xbf16, #tpu.memory_space<vmem>>, vector<1x64x64xbf16>
    %get3A_30 = vector.shape_cast %get3A_29 : vector<1x64x64xbf16> to vector<64x64xbf16>
    %dot_general3A_31 = arith.constant dense<0.000000e+00> : vector<512x64xf32>
    %dot_general3A_32 = tpu.matmul %slice3A_24, %get3A_30, %dot_general3A_31 {dimension_numbers = #tpu.dot_dimension_numbers<[1], [0], [0], [1], [0, 0, 1, 1], [], []>, transpose_lhs_hint = false} : vector<512x64xbf16>, vector<64x64xbf16>, vector<512x64xf32> -> vector<512x64xf32>
    %get3A_33 = arith.constant 1 : index
    %get3A_34 = arith.constant 0 : index
    %get3A_35 = arith.constant 0 : index
    %get3A_36 = vector.load %arg3[%get3A_33, %get3A_34, %get3A_35] : memref<25x64x64xbf16, #tpu.memory_space<vmem>>, vector<1x64x64xbf16>
    %get3A_37 = vector.shape_cast %get3A_36 : vector<1x64x64xbf16> to vector<64x64xbf16>
    %dot_general3A_38 = arith.constant dense<0.000000e+00> : vector<512x64xf32>
    %dot_general3A_39 = tpu.matmul %slice3A_25, %get3A_37, %dot_general3A_38 {dimension_numbers = #tpu.dot_dimension_numbers<[1], [0], [0], [1], [0, 0, 1, 1], [], []>, transpose_lhs_hint = false} : vector<512x64xbf16>, vector<64x64xbf16>, vector<512x64xf32> -> vector<512x64xf32>
    %add3A = arith.addf %dot_general3A_10, %dot_general3A_32 : vector<512x64xf32>
    %add3A_40 = arith.addf %dot_general3A_17, %dot_general3A_39 : vector<512x64xf32>
    %get3A_41 = arith.constant 2 : index
    %get3A_42 = arith.constant 0 : index
    %get3A_43 = arith.constant 0 : index
    %get3A_44 = vector.load %arg2[%get3A_41, %get3A_42, %get3A_43] : memref<25x256x128xi32, #tpu.memory_space<vmem>>, vector<1x256x128xi32>
    %get3A_45 = vector.shape_cast %get3A_44 : vector<1x256x128xi32> to vector<256x128xi32>
    %bitcast3A_46 = tpu.bitcast %get3A_45 : vector<256x128xi32> -> vector<512x128xbf16>
    %slice3A_47 = vector.extract_strided_slice %bitcast3A_46 {offsets = [0, 0], sizes = [512, 64], strides = [1, 1]} : vector<512x128xbf16> to vector<512x64xbf16>
    %slice3A_48 = vector.extract_strided_slice %bitcast3A_46 {offsets = [0, 64], sizes = [512, 64], strides = [1, 1]} : vector<512x128xbf16> to vector<512x64xbf16>
    %get3A_49 = arith.constant 2 : index
    %get3A_50 = arith.constant 0 : index
    %get3A_51 = arith.constant 0 : index
    %get3A_52 = vector.load %arg3[%get3A_49, %get3A_50, %get3A_51] : memref<25x64x64xbf16, #tpu.memory_space<vmem>>, vector<1x64x64xbf16>
    %get3A_53 = vector.shape_cast %get3A_52 : vector<1x64x64xbf16> to vector<64x64xbf16>
    %dot_general3A_54 = arith.constant dense<0.000000e+00> : vector<512x64xf32>
    %dot_general3A_55 = tpu.matmul %slice3A_47, %get3A_53, %dot_general3A_54 {dimension_numbers = #tpu.dot_dimension_numbers<[1], [0], [0], [1], [0, 0, 1, 1], [], []>, transpose_lhs_hint = false} : vector<512x64xbf16>, vector<64x64xbf16>, vector<512x64xf32> -> vector<512x64xf32>
    %get3A_56 = arith.constant 2 : index
    %get3A_57 = arith.constant 0 : index
    %get3A_58 = arith.constant 0 : index
    %get3A_59 = vector.load %arg3[%get3A_56, %get3A_57, %get3A_58] : memref<25x64x64xbf16, #tpu.memory_space<vmem>>, vector<1x64x64xbf16>
    %get3A_60 = vector.shape_cast %get3A_59 : vector<1x64x64xbf16> to vector<64x64xbf16>
    %dot_general3A_61 = arith.constant dense<0.000000e+00> : vector<512x64xf32>
    %dot_general3A_62 = tpu.matmul %slice3A_48, %get3A_60, %dot_general3A_61 {dimension_numbers = #tpu.dot_dimension_numbers<[1], [0], [0], [1], [0, 0, 1, 1], [], []>, transpose_lhs_hint = false} : vector<512x64xbf16>, vector<64x64xbf16>, vector<512x64xf32> -> vector<512x64xf32>
    %add3A_63 = arith.addf %add3A, %dot_general3A_55 : vector<512x64xf32>
    %add3A_64 = arith.addf %add3A_40, %dot_general3A_62 : vector<512x64xf32>
    %get3A_65 = arith.constant 3 : index
    %get3A_66 = arith.constant 0 : index
    %get3A_67 = arith.constant 0 : index
    %get3A_68 = vector.load %arg2[%get3A_65, %get3A_66, %get3A_67] : memref<25x256x128xi32, #tpu.memory_space<vmem>>, vector<1x256x128xi32>
    %get3A_69 = vector.shape_cast %get3A_68 : vector<1x256x128xi32> to vector<256x128xi32>
    %bitcast3A_70 = tpu.bitcast %get3A_69 : vector<256x128xi32> -> vector<512x128xbf16>
    %slice3A_71 = vector.extract_strided_slice %bitcast3A_70 {offsets = [0, 0], sizes = [512, 64], strides = [1, 1]} : vector<512x128xbf16> to vector<512x64xbf16>
    %slice3A_72 = vector.extract_strided_slice %bitcast3A_70 {offsets = [0, 64], sizes = [512, 64], strides = [1, 1]} : vector<512x128xbf16> to vector<512x64xbf16>
    %get3A_73 = arith.constant 3 : index
    %get3A_74 = arith.constant 0 : index
    %get3A_75 = arith.constant 0 : index
    %get3A_76 = vector.load %arg3[%get3A_73, %get3A_74, %get3A_75] : memref<25x64x64xbf16, #tpu.memory_space<vmem>>, vector<1x64x64xbf16>
    %get3A_77 = vector.shape_cast %get3A_76 : vector<1x64x64xbf16> to vector<64x64xbf16>
    %dot_general3A_78 = arith.constant dense<0.000000e+00> : vector<512x64xf32>
    %dot_general3A_79 = tpu.matmul %slice3A_71, %get3A_77, %dot_general3A_78 {dimension_numbers = #tpu.dot_dimension_numbers<[1], [0], [0], [1], [0, 0, 1, 1], [], []>, transpose_lhs_hint = false} : vector<512x64xbf16>, vector<64x64xbf16>, vector<512x64xf32> -> vector<512x64xf32>
    %get3A_80 = arith.constant 3 : index
    %get3A_81 = arith.constant 0 : index
    %get3A_82 = arith.constant 0 : index
    %get3A_83 = vector.load %arg3[%get3A_80, %get3A_81, %get3A_82] : memref<25x64x64xbf16, #tpu.memory_space<vmem>>, vector<1x64x64xbf16>
    %get3A_84 = vector.shape_cast %get3A_83 : vector<1x64x64xbf16> to vector<64x64xbf16>
    %dot_general3A_85 = arith.constant dense<0.000000e+00> : vector<512x64xf32>
    %dot_general3A_86 = tpu.matmul %slice3A_72, %get3A_84, %dot_general3A_85 {dimension_numbers = #tpu.dot_dimension_numbers<[1], [0], [0], [1], [0, 0, 1, 1], [], []>, transpose_lhs_hint = false} : vector<512x64xbf16>, vector<64x64xbf16>, vector<512x64xf32> -> vector<512x64xf32>
    %add3A_87 = arith.addf %add3A_63, %dot_general3A_79 : vector<512x64xf32>
    %add3A_88 = arith.addf %add3A_64, %dot_general3A_86 : vector<512x64xf32>
    %get3A_89 = arith.constant 4 : index
    %get3A_90 = arith.constant 0 : index
    %get3A_91 = arith.constant 0 : index
    %get3A_92 = vector.load %arg2[%get3A_89, %get3A_90, %get3A_91] : memref<25x256x128xi32, #tpu.memory_space<vmem>>, vector<1x256x128xi32>
    %get3A_93 = vector.shape_cast %get3A_92 : vector<1x256x128xi32> to vector<256x128xi32>
    %bitcast3A_94 = tpu.bitcast %get3A_93 : vector<256x128xi32> -> vector<512x128xbf16>
    %slice3A_95 = vector.extract_strided_slice %bitcast3A_94 {offsets = [0, 0], sizes = [512, 64], strides = [1, 1]} : vector<512x128xbf16> to vector<512x64xbf16>
    %slice3A_96 = vector.extract_strided_slice %bitcast3A_94 {offsets = [0, 64], sizes = [512, 64], strides = [1, 1]} : vector<512x128xbf16> to vector<512x64xbf16>
    %get3A_97 = arith.constant 4 : index
    %get3A_98 = arith.constant 0 : index
    %get3A_99 = arith.constant 0 : index
    %get3A_100 = vector.load %arg3[%get3A_97, %get3A_98, %get3A_99] : memref<25x64x64xbf16, #tpu.memory_space<vmem>>, vector<1x64x64xbf16>
    %get3A_101 = vector.shape_cast %get3A_100 : vector<1x64x64xbf16> to vector<64x64xbf16>
    %dot_general3A_102 = arith.constant dense<0.000000e+00> : vector<512x64xf32>
    %dot_general3A_103 = tpu.matmul %slice3A_95, %get3A_101, %dot_general3A_102 {dimension_numbers = #tpu.dot_dimension_numbers<[1], [0], [0], [1], [0, 0, 1, 1], [], []>, transpose_lhs_hint = false} : vector<512x64xbf16>, vector<64x64xbf16>, vector<512x64xf32> -> vector<512x64xf32>
    %get3A_104 = arith.constant 4 : index
    %get3A_105 = arith.constant 0 : index
    %get3A_106 = arith.constant 0 : index
    %get3A_107 = vector.load %arg3[%get3A_104, %get3A_105, %get3A_106] : memref<25x64x64xbf16, #tpu.memory_space<vmem>>, vector<1x64x64xbf16>
    %get3A_108 = vector.shape_cast %get3A_107 : vector<1x64x64xbf16> to vector<64x64xbf16>
    %dot_general3A_109 = arith.constant dense<0.000000e+00> : vector<512x64xf32>
    %dot_general3A_110 = tpu.matmul %slice3A_96, %get3A_108, %dot_general3A_109 {dimension_numbers = #tpu.dot_dimension_numbers<[1], [0], [0], [1], [0, 0, 1, 1], [], []>, transpose_lhs_hint = false} : vector<512x64xbf16>, vector<64x64xbf16>, vector<512x64xf32> -> vector<512x64xf32>
    %add3A_111 = arith.addf %add3A_87, %dot_general3A_103 : vector<512x64xf32>
    %add3A_112 = arith.addf %add3A_88, %dot_general3A_110 : vector<512x64xf32>
    %get3A_113 = arith.constant 5 : index
    %get3A_114 = arith.constant 0 : index
    %get3A_115 = arith.constant 0 : index
    %get3A_116 = vector.load %arg2[%get3A_113, %get3A_114, %get3A_115] : memref<25x256x128xi32, #tpu.memory_space<vmem>>, vector<1x256x128xi32>
    %get3A_117 = vector.shape_cast %get3A_116 : vector<1x256x128xi32> to vector<256x128xi32>
    %bitcast3A_118 = tpu.bitcast %get3A_117 : vector<256x128xi32> -> vector<512x128xbf16>
    %slice3A_119 = vector.extract_strided_slice %bitcast3A_118 {offsets = [0, 0], sizes = [512, 64], strides = [1, 1]} : vector<512x128xbf16> to vector<512x64xbf16>
    %slice3A_120 = vector.extract_strided_slice %bitcast3A_118 {offsets = [0, 64], sizes = [512, 64], strides = [1, 1]} : vector<512x128xbf16> to vector<512x64xbf16>
    %get3A_121 = arith.constant 5 : index
    %get3A_122 = arith.constant 0 : index
    %get3A_123 = arith.constant 0 : index
    %get3A_124 = vector.load %arg3[%get3A_121, %get3A_122, %get3A_123] : memref<25x64x64xbf16, #tpu.memory_space<vmem>>, vector<1x64x64xbf16>
    %get3A_125 = vector.shape_cast %get3A_124 : vector<1x64x64xbf16> to vector<64x64xbf16>
    %dot_general3A_126 = arith.constant dense<0.000000e+00> : vector<512x64xf32>
    %dot_general3A_127 = tpu.matmul %slice3A_119, %get3A_125, %dot_general3A_126 {dimension_numbers = #tpu.dot_dimension_numbers<[1], [0], [0], [1], [0, 0, 1, 1], [], []>, transpose_lhs_hint = false} : vector<512x64xbf16>, vector<64x64xbf16>, vector<512x64xf32> -> vector<512x64xf32>
    %get3A_128 = arith.constant 5 : index
    %get3A_129 = arith.constant 0 : index
    %get3A_130 = arith.constant 0 : index
    %get3A_131 = vector.load %arg3[%get3A_128, %get3A_129, %get3A_130] : memref<25x64x64xbf16, #tpu.memory_space<vmem>>, vector<1x64x64xbf16>
    %get3A_132 = vector.shape_cast %get3A_131 : vector<1x64x64xbf16> to vector<64x64xbf16>
    %dot_general3A_133 = arith.constant dense<0.000000e+00> : vector<512x64xf32>
    %dot_general3A_134 = tpu.matmul %slice3A_120, %get3A_132, %dot_general3A_133 {dimension_numbers = #tpu.dot_dimension_numbers<[1], [0], [0], [1], [0, 0, 1, 1], [], []>, transpose_lhs_hint = false} : vector<512x64xbf16>, vector<64x64xbf16>, vector<512x64xf32> -> vector<512x64xf32>
    %add3A_135 = arith.addf %add3A_111, %dot_general3A_127 : vector<512x64xf32>
    %add3A_136 = arith.addf %add3A_112, %dot_general3A_134 : vector<512x64xf32>
    %get3A_137 = arith.constant 6 : index
    %get3A_138 = arith.constant 0 : index
    %get3A_139 = arith.constant 0 : index
    %get3A_140 = vector.load %arg2[%get3A_137, %get3A_138, %get3A_139] : memref<25x256x128xi32, #tpu.memory_space<vmem>>, vector<1x256x128xi32>
    %get3A_141 = vector.shape_cast %get3A_140 : vector<1x256x128xi32> to vector<256x128xi32>
    %bitcast3A_142 = tpu.bitcast %get3A_141 : vector<256x128xi32> -> vector<512x128xbf16>
    %slice3A_143 = vector.extract_strided_slice %bitcast3A_142 {offsets = [0, 0], sizes = [512, 64], strides = [1, 1]} : vector<512x128xbf16> to vector<512x64xbf16>
    %slice3A_144 = vector.extract_strided_slice %bitcast3A_142 {offsets = [0, 64], sizes = [512, 64], strides = [1, 1]} : vector<512x128xbf16> to vector<512x64xbf16>
    %get3A_145 = arith.constant 6 : index
    %get3A_146 = arith.constant 0 : index
    %get3A_147 = arith.constant 0 : index
    %get3A_148 = vector.load %arg3[%get3A_145, %get3A_146, %get3A_147] : memref<25x64x64xbf16, #tpu.memory_space<vmem>>, vector<1x64x64xbf16>
    %get3A_149 = vector.shape_cast %get3A_148 : vector<1x64x64xbf16> to vector<64x64xbf16>
    %dot_general3A_150 = arith.constant dense<0.000000e+00> : vector<512x64xf32>
    %dot_general3A_151 = tpu.matmul %slice3A_143, %get3A_149, %dot_general3A_150 {dimension_numbers = #tpu.dot_dimension_numbers<[1], [0], [0], [1], [0, 0, 1, 1], [], []>, transpose_lhs_hint = false} : vector<512x64xbf16>, vector<64x64xbf16>, vector<512x64xf32> -> vector<512x64xf32>
    %get3A_152 = arith.constant 6 : index
    %get3A_153 = arith.constant 0 : index
    %get3A_154 = arith.constant 0 : index
    %get3A_155 = vector.load %arg3[%get3A_152, %get3A_153, %get3A_154] : memref<25x64x64xbf16, #tpu.memory_space<vmem>>, vector<1x64x64xbf16>
    %get3A_156 = vector.shape_cast %get3A_155 : vector<1x64x64xbf16> to vector<64x64xbf16>
    %dot_general3A_157 = arith.constant dense<0.000000e+00> : vector<512x64xf32>
    %dot_general3A_158 = tpu.matmul %slice3A_144, %get3A_156, %dot_general3A_157 {dimension_numbers = #tpu.dot_dimension_numbers<[1], [0], [0], [1], [0, 0, 1, 1], [], []>, transpose_lhs_hint = false} : vector<512x64xbf16>, vector<64x64xbf16>, vector<512x64xf32> -> vector<512x64xf32>
    %add3A_159 = arith.addf %add3A_135, %dot_general3A_151 : vector<512x64xf32>
    %add3A_160 = arith.addf %add3A_136, %dot_general3A_158 : vector<512x64xf32>
    %get3A_161 = arith.constant 7 : index
    %get3A_162 = arith.constant 0 : index
    %get3A_163 = arith.constant 0 : index
    %get3A_164 = vector.load %arg2[%get3A_161, %get3A_162, %get3A_163] : memref<25x256x128xi32, #tpu.memory_space<vmem>>, vector<1x256x128xi32>
    %get3A_165 = vector.shape_cast %get3A_164 : vector<1x256x128xi32> to vector<256x128xi32>
    %bitcast3A_166 = tpu.bitcast %get3A_165 : vector<256x128xi32> -> vector<512x128xbf16>
    %slice3A_167 = vector.extract_strided_slice %bitcast3A_166 {offsets = [0, 0], sizes = [512, 64], strides = [1, 1]} : vector<512x128xbf16> to vector<512x64xbf16>
    %slice3A_168 = vector.extract_strided_slice %bitcast3A_166 {offsets = [0, 64], sizes = [512, 64], strides = [1, 1]} : vector<512x128xbf16> to vector<512x64xbf16>
    %get3A_169 = arith.constant 7 : index
    %get3A_170 = arith.constant 0 : index
    %get3A_171 = arith.constant 0 : index
    %get3A_172 = vector.load %arg3[%get3A_169, %get3A_170, %get3A_171] : memref<25x64x64xbf16, #tpu.memory_space<vmem>>, vector<1x64x64xbf16>
    %get3A_173 = vector.shape_cast %get3A_172 : vector<1x64x64xbf16> to vector<64x64xbf16>
    %dot_general3A_174 = arith.constant dense<0.000000e+00> : vector<512x64xf32>
    %dot_general3A_175 = tpu.matmul %slice3A_167, %get3A_173, %dot_general3A_174 {dimension_numbers = #tpu.dot_dimension_numbers<[1], [0], [0], [1], [0, 0, 1, 1], [], []>, transpose_lhs_hint = false} : vector<512x64xbf16>, vector<64x64xbf16>, vector<512x64xf32> -> vector<512x64xf32>
    %get3A_176 = arith.constant 7 : index
    %get3A_177 = arith.constant 0 : index
    %get3A_178 = arith.constant 0 : index
    %get3A_179 = vector.load %arg3[%get3A_176, %get3A_177, %get3A_178] : memref<25x64x64xbf16, #tpu.memory_space<vmem>>, vector<1x64x64xbf16>
    %get3A_180 = vector.shape_cast %get3A_179 : vector<1x64x64xbf16> to vector<64x64xbf16>
    %dot_general3A_181 = arith.constant dense<0.000000e+00> : vector<512x64xf32>
    %dot_general3A_182 = tpu.matmul %slice3A_168, %get3A_180, %dot_general3A_181 {dimension_numbers = #tpu.dot_dimension_numbers<[1], [0], [0], [1], [0, 0, 1, 1], [], []>, transpose_lhs_hint = false} : vector<512x64xbf16>, vector<64x64xbf16>, vector<512x64xf32> -> vector<512x64xf32>
    %add3A_183 = arith.addf %add3A_159, %dot_general3A_175 : vector<512x64xf32>
    %add3A_184 = arith.addf %add3A_160, %dot_general3A_182 : vector<512x64xf32>
    %get3A_185 = arith.constant 8 : index
    %get3A_186 = arith.constant 0 : index
    %get3A_187 = arith.constant 0 : index
    %get3A_188 = vector.load %arg2[%get3A_185, %get3A_186, %get3A_187] : memref<25x256x128xi32, #tpu.memory_space<vmem>>, vector<1x256x128xi32>
    %get3A_189 = vector.shape_cast %get3A_188 : vector<1x256x128xi32> to vector<256x128xi32>
    %bitcast3A_190 = tpu.bitcast %get3A_189 : vector<256x128xi32> -> vector<512x128xbf16>
    %slice3A_191 = vector.extract_strided_slice %bitcast3A_190 {offsets = [0, 0], sizes = [512, 64], strides = [1, 1]} : vector<512x128xbf16> to vector<512x64xbf16>
    %slice3A_192 = vector.extract_strided_slice %bitcast3A_190 {offsets = [0, 64], sizes = [512, 64], strides = [1, 1]} : vector<512x128xbf16> to vector<512x64xbf16>
    %get3A_193 = arith.constant 8 : index
    %get3A_194 = arith.constant 0 : index
    %get3A_195 = arith.constant 0 : index
    %get3A_196 = vector.load %arg3[%get3A_193, %get3A_194, %get3A_195] : memref<25x64x64xbf16, #tpu.memory_space<vmem>>, vector<1x64x64xbf16>
    %get3A_197 = vector.shape_cast %get3A_196 : vector<1x64x64xbf16> to vector<64x64xbf16>
    %dot_general3A_198 = arith.constant dense<0.000000e+00> : vector<512x64xf32>
    %dot_general3A_199 = tpu.matmul %slice3A_191, %get3A_197, %dot_general3A_198 {dimension_numbers = #tpu.dot_dimension_numbers<[1], [0], [0], [1], [0, 0, 1, 1], [], []>, transpose_lhs_hint = false} : vector<512x64xbf16>, vector<64x64xbf16>, vector<512x64xf32> -> vector<512x64xf32>
    %get3A_200 = arith.constant 8 : index
    %get3A_201 = arith.constant 0 : index
    %get3A_202 = arith.constant 0 : index
    %get3A_203 = vector.load %arg3[%get3A_200, %get3A_201, %get3A_202] : memref<25x64x64xbf16, #tpu.memory_space<vmem>>, vector<1x64x64xbf16>
    %get3A_204 = vector.shape_cast %get3A_203 : vector<1x64x64xbf16> to vector<64x64xbf16>
    %dot_general3A_205 = arith.constant dense<0.000000e+00> : vector<512x64xf32>
    %dot_general3A_206 = tpu.matmul %slice3A_192, %get3A_204, %dot_general3A_205 {dimension_numbers = #tpu.dot_dimension_numbers<[1], [0], [0], [1], [0, 0, 1, 1], [], []>, transpose_lhs_hint = false} : vector<512x64xbf16>, vector<64x64xbf16>, vector<512x64xf32> -> vector<512x64xf32>
    %add3A_207 = arith.addf %add3A_183, %dot_general3A_199 : vector<512x64xf32>
    %add3A_208 = arith.addf %add3A_184, %dot_general3A_206 : vector<512x64xf32>
    %get3A_209 = arith.constant 9 : index
    %get3A_210 = arith.constant 0 : index
    %get3A_211 = arith.constant 0 : index
    %get3A_212 = vector.load %arg2[%get3A_209, %get3A_210, %get3A_211] : memref<25x256x128xi32, #tpu.memory_space<vmem>>, vector<1x256x128xi32>
    %get3A_213 = vector.shape_cast %get3A_212 : vector<1x256x128xi32> to vector<256x128xi32>
    %bitcast3A_214 = tpu.bitcast %get3A_213 : vector<256x128xi32> -> vector<512x128xbf16>
    %slice3A_215 = vector.extract_strided_slice %bitcast3A_214 {offsets = [0, 0], sizes = [512, 64], strides = [1, 1]} : vector<512x128xbf16> to vector<512x64xbf16>
    %slice3A_216 = vector.extract_strided_slice %bitcast3A_214 {offsets = [0, 64], sizes = [512, 64], strides = [1, 1]} : vector<512x128xbf16> to vector<512x64xbf16>
    %get3A_217 = arith.constant 9 : index
    %get3A_218 = arith.constant 0 : index
    %get3A_219 = arith.constant 0 : index
    %get3A_220 = vector.load %arg3[%get3A_217, %get3A_218, %get3A_219] : memref<25x64x64xbf16, #tpu.memory_space<vmem>>, vector<1x64x64xbf16>
    %get3A_221 = vector.shape_cast %get3A_220 : vector<1x64x64xbf16> to vector<64x64xbf16>
    %dot_general3A_222 = arith.constant dense<0.000000e+00> : vector<512x64xf32>
    %dot_general3A_223 = tpu.matmul %slice3A_215, %get3A_221, %dot_general3A_222 {dimension_numbers = #tpu.dot_dimension_numbers<[1], [0], [0], [1], [0, 0, 1, 1], [], []>, transpose_lhs_hint = false} : vector<512x64xbf16>, vector<64x64xbf16>, vector<512x64xf32> -> vector<512x64xf32>
    %get3A_224 = arith.constant 9 : index
    %get3A_225 = arith.constant 0 : index
    %get3A_226 = arith.constant 0 : index
    %get3A_227 = vector.load %arg3[%get3A_224, %get3A_225, %get3A_226] : memref<25x64x64xbf16, #tpu.memory_space<vmem>>, vector<1x64x64xbf16>
    %get3A_228 = vector.shape_cast %get3A_227 : vector<1x64x64xbf16> to vector<64x64xbf16>
    %dot_general3A_229 = arith.constant dense<0.000000e+00> : vector<512x64xf32>
    %dot_general3A_230 = tpu.matmul %slice3A_216, %get3A_228, %dot_general3A_229 {dimension_numbers = #tpu.dot_dimension_numbers<[1], [0], [0], [1], [0, 0, 1, 1], [], []>, transpose_lhs_hint = false} : vector<512x64xbf16>, vector<64x64xbf16>, vector<512x64xf32> -> vector<512x64xf32>
    %add3A_231 = arith.addf %add3A_207, %dot_general3A_223 : vector<512x64xf32>
    %add3A_232 = arith.addf %add3A_208, %dot_general3A_230 : vector<512x64xf32>
    %get3A_233 = arith.constant 10 : index
    %get3A_234 = arith.constant 0 : index
    %get3A_235 = arith.constant 0 : index
    %get3A_236 = vector.load %arg2[%get3A_233, %get3A_234, %get3A_235] : memref<25x256x128xi32, #tpu.memory_space<vmem>>, vector<1x256x128xi32>
    %get3A_237 = vector.shape_cast %get3A_236 : vector<1x256x128xi32> to vector<256x128xi32>
    %bitcast3A_238 = tpu.bitcast %get3A_237 : vector<256x128xi32> -> vector<512x128xbf16>
    %slice3A_239 = vector.extract_strided_slice %bitcast3A_238 {offsets = [0, 0], sizes = [512, 64], strides = [1, 1]} : vector<512x128xbf16> to vector<512x64xbf16>
    %slice3A_240 = vector.extract_strided_slice %bitcast3A_238 {offsets = [0, 64], sizes = [512, 64], strides = [1, 1]} : vector<512x128xbf16> to vector<512x64xbf16>
    %get3A_241 = arith.constant 10 : index
    %get3A_242 = arith.constant 0 : index
    %get3A_243 = arith.constant 0 : index
    %get3A_244 = vector.load %arg3[%get3A_241, %get3A_242, %get3A_243] : memref<25x64x64xbf16, #tpu.memory_space<vmem>>, vector<1x64x64xbf16>
    %get3A_245 = vector.shape_cast %get3A_244 : vector<1x64x64xbf16> to vector<64x64xbf16>
    %dot_general3A_246 = arith.constant dense<0.000000e+00> : vector<512x64xf32>
    %dot_general3A_247 = tpu.matmul %slice3A_239, %get3A_245, %dot_general3A_246 {dimension_numbers = #tpu.dot_dimension_numbers<[1], [0], [0], [1], [0, 0, 1, 1], [], []>, transpose_lhs_hint = false} : vector<512x64xbf16>, vector<64x64xbf16>, vector<512x64xf32> -> vector<512x64xf32>
    %get3A_248 = arith.constant 10 : index
    %get3A_249 = arith.constant 0 : index
    %get3A_250 = arith.constant 0 : index
    %get3A_251 = vector.load %arg3[%get3A_248, %get3A_249, %get3A_250] : memref<25x64x64xbf16, #tpu.memory_space<vmem>>, vector<1x64x64xbf16>
    %get3A_252 = vector.shape_cast %get3A_251 : vector<1x64x64xbf16> to vector<64x64xbf16>
    %dot_general3A_253 = arith.constant dense<0.000000e+00> : vector<512x64xf32>
    %dot_general3A_254 = tpu.matmul %slice3A_240, %get3A_252, %dot_general3A_253 {dimension_numbers = #tpu.dot_dimension_numbers<[1], [0], [0], [1], [0, 0, 1, 1], [], []>, transpose_lhs_hint = false} : vector<512x64xbf16>, vector<64x64xbf16>, vector<512x64xf32> -> vector<512x64xf32>
    %add3A_255 = arith.addf %add3A_231, %dot_general3A_247 : vector<512x64xf32>
    %add3A_256 = arith.addf %add3A_232, %dot_general3A_254 : vector<512x64xf32>
    %get3A_257 = arith.constant 11 : index
    %get3A_258 = arith.constant 0 : index
    %get3A_259 = arith.constant 0 : index
    %get3A_260 = vector.load %arg2[%get3A_257, %get3A_258, %get3A_259] : memref<25x256x128xi32, #tpu.memory_space<vmem>>, vector<1x256x128xi32>
    %get3A_261 = vector.shape_cast %get3A_260 : vector<1x256x128xi32> to vector<256x128xi32>
    %bitcast3A_262 = tpu.bitcast %get3A_261 : vector<256x128xi32> -> vector<512x128xbf16>
    %slice3A_263 = vector.extract_strided_slice %bitcast3A_262 {offsets = [0, 0], sizes = [512, 64], strides = [1, 1]} : vector<512x128xbf16> to vector<512x64xbf16>
    %slice3A_264 = vector.extract_strided_slice %bitcast3A_262 {offsets = [0, 64], sizes = [512, 64], strides = [1, 1]} : vector<512x128xbf16> to vector<512x64xbf16>
    %get3A_265 = arith.constant 11 : index
    %get3A_266 = arith.constant 0 : index
    %get3A_267 = arith.constant 0 : index
    %get3A_268 = vector.load %arg3[%get3A_265, %get3A_266, %get3A_267] : memref<25x64x64xbf16, #tpu.memory_space<vmem>>, vector<1x64x64xbf16>
    %get3A_269 = vector.shape_cast %get3A_268 : vector<1x64x64xbf16> to vector<64x64xbf16>
    %dot_general3A_270 = arith.constant dense<0.000000e+00> : vector<512x64xf32>
    %dot_general3A_271 = tpu.matmul %slice3A_263, %get3A_269, %dot_general3A_270 {dimension_numbers = #tpu.dot_dimension_numbers<[1], [0], [0], [1], [0, 0, 1, 1], [], []>, transpose_lhs_hint = false} : vector<512x64xbf16>, vector<64x64xbf16>, vector<512x64xf32> -> vector<512x64xf32>
    %get3A_272 = arith.constant 11 : index
    %get3A_273 = arith.constant 0 : index
    %get3A_274 = arith.constant 0 : index
    %get3A_275 = vector.load %arg3[%get3A_272, %get3A_273, %get3A_274] : memref<25x64x64xbf16, #tpu.memory_space<vmem>>, vector<1x64x64xbf16>
    %get3A_276 = vector.shape_cast %get3A_275 : vector<1x64x64xbf16> to vector<64x64xbf16>
    %dot_general3A_277 = arith.constant dense<0.000000e+00> : vector<512x64xf32>
    %dot_general3A_278 = tpu.matmul %slice3A_264, %get3A_276, %dot_general3A_277 {dimension_numbers = #tpu.dot_dimension_numbers<[1], [0], [0], [1], [0, 0, 1, 1], [], []>, transpose_lhs_hint = false} : vector<512x64xbf16>, vector<64x64xbf16>, vector<512x64xf32> -> vector<512x64xf32>
    %add3A_279 = arith.addf %add3A_255, %dot_general3A_271 : vector<512x64xf32>
    %add3A_280 = arith.addf %add3A_256, %dot_general3A_278 : vector<512x64xf32>
    %get3A_281 = arith.constant 12 : index
    %get3A_282 = arith.constant 0 : index
    %get3A_283 = arith.constant 0 : index
    %get3A_284 = vector.load %arg2[%get3A_281, %get3A_282, %get3A_283] : memref<25x256x128xi32, #tpu.memory_space<vmem>>, vector<1x256x128xi32>
    %get3A_285 = vector.shape_cast %get3A_284 : vector<1x256x128xi32> to vector<256x128xi32>
    %bitcast3A_286 = tpu.bitcast %get3A_285 : vector<256x128xi32> -> vector<512x128xbf16>
    %slice3A_287 = vector.extract_strided_slice %bitcast3A_286 {offsets = [0, 0], sizes = [512, 64], strides = [1, 1]} : vector<512x128xbf16> to vector<512x64xbf16>
    %slice3A_288 = vector.extract_strided_slice %bitcast3A_286 {offsets = [0, 64], sizes = [512, 64], strides = [1, 1]} : vector<512x128xbf16> to vector<512x64xbf16>
    %get3A_289 = arith.constant 12 : index
    %get3A_290 = arith.constant 0 : index
    %get3A_291 = arith.constant 0 : index
    %get3A_292 = vector.load %arg3[%get3A_289, %get3A_290, %get3A_291] : memref<25x64x64xbf16, #tpu.memory_space<vmem>>, vector<1x64x64xbf16>
    %get3A_293 = vector.shape_cast %get3A_292 : vector<1x64x64xbf16> to vector<64x64xbf16>
    %dot_general3A_294 = arith.constant dense<0.000000e+00> : vector<512x64xf32>
    %dot_general3A_295 = tpu.matmul %slice3A_287, %get3A_293, %dot_general3A_294 {dimension_numbers = #tpu.dot_dimension_numbers<[1], [0], [0], [1], [0, 0, 1, 1], [], []>, transpose_lhs_hint = false} : vector<512x64xbf16>, vector<64x64xbf16>, vector<512x64xf32> -> vector<512x64xf32>
    %get3A_296 = arith.constant 12 : index
    %get3A_297 = arith.constant 0 : index
    %get3A_298 = arith.constant 0 : index
    %get3A_299 = vector.load %arg3[%get3A_296, %get3A_297, %get3A_298] : memref<25x64x64xbf16, #tpu.memory_space<vmem>>, vector<1x64x64xbf16>
    %get3A_300 = vector.shape_cast %get3A_299 : vector<1x64x64xbf16> to vector<64x64xbf16>
    %dot_general3A_301 = arith.constant dense<0.000000e+00> : vector<512x64xf32>
    %dot_general3A_302 = tpu.matmul %slice3A_288, %get3A_300, %dot_general3A_301 {dimension_numbers = #tpu.dot_dimension_numbers<[1], [0], [0], [1], [0, 0, 1, 1], [], []>, transpose_lhs_hint = false} : vector<512x64xbf16>, vector<64x64xbf16>, vector<512x64xf32> -> vector<512x64xf32>
    %add3A_303 = arith.addf %add3A_279, %dot_general3A_295 : vector<512x64xf32>
    %add3A_304 = arith.addf %add3A_280, %dot_general3A_302 : vector<512x64xf32>
    %get3A_305 = arith.constant 13 : index
    %get3A_306 = arith.constant 0 : index
    %get3A_307 = arith.constant 0 : index
    %get3A_308 = vector.load %arg2[%get3A_305, %get3A_306, %get3A_307] : memref<25x256x128xi32, #tpu.memory_space<vmem>>, vector<1x256x128xi32>
    %get3A_309 = vector.shape_cast %get3A_308 : vector<1x256x128xi32> to vector<256x128xi32>
    %bitcast3A_310 = tpu.bitcast %get3A_309 : vector<256x128xi32> -> vector<512x128xbf16>
    %slice3A_311 = vector.extract_strided_slice %bitcast3A_310 {offsets = [0, 0], sizes = [512, 64], strides = [1, 1]} : vector<512x128xbf16> to vector<512x64xbf16>
    %slice3A_312 = vector.extract_strided_slice %bitcast3A_310 {offsets = [0, 64], sizes = [512, 64], strides = [1, 1]} : vector<512x128xbf16> to vector<512x64xbf16>
    %get3A_313 = arith.constant 13 : index
    %get3A_314 = arith.constant 0 : index
    %get3A_315 = arith.constant 0 : index
    %get3A_316 = vector.load %arg3[%get3A_313, %get3A_314, %get3A_315] : memref<25x64x64xbf16, #tpu.memory_space<vmem>>, vector<1x64x64xbf16>
    %get3A_317 = vector.shape_cast %get3A_316 : vector<1x64x64xbf16> to vector<64x64xbf16>
    %dot_general3A_318 = arith.constant dense<0.000000e+00> : vector<512x64xf32>
    %dot_general3A_319 = tpu.matmul %slice3A_311, %get3A_317, %dot_general3A_318 {dimension_numbers = #tpu.dot_dimension_numbers<[1], [0], [0], [1], [0, 0, 1, 1], [], []>, transpose_lhs_hint = false} : vector<512x64xbf16>, vector<64x64xbf16>, vector<512x64xf32> -> vector<512x64xf32>
    %get3A_320 = arith.constant 13 : index
    %get3A_321 = arith.constant 0 : index
    %get3A_322 = arith.constant 0 : index
    %get3A_323 = vector.load %arg3[%get3A_320, %get3A_321, %get3A_322] : memref<25x64x64xbf16, #tpu.memory_space<vmem>>, vector<1x64x64xbf16>
    %get3A_324 = vector.shape_cast %get3A_323 : vector<1x64x64xbf16> to vector<64x64xbf16>
    %dot_general3A_325 = arith.constant dense<0.000000e+00> : vector<512x64xf32>
    %dot_general3A_326 = tpu.matmul %slice3A_312, %get3A_324, %dot_general3A_325 {dimension_numbers = #tpu.dot_dimension_numbers<[1], [0], [0], [1], [0, 0, 1, 1], [], []>, transpose_lhs_hint = false} : vector<512x64xbf16>, vector<64x64xbf16>, vector<512x64xf32> -> vector<512x64xf32>
    %add3A_327 = arith.addf %add3A_303, %dot_general3A_319 : vector<512x64xf32>
    %add3A_328 = arith.addf %add3A_304, %dot_general3A_326 : vector<512x64xf32>
    %get3A_329 = arith.constant 14 : index
    %get3A_330 = arith.constant 0 : index
    %get3A_331 = arith.constant 0 : index
    %get3A_332 = vector.load %arg2[%get3A_329, %get3A_330, %get3A_331] : memref<25x256x128xi32, #tpu.memory_space<vmem>>, vector<1x256x128xi32>
    %get3A_333 = vector.shape_cast %get3A_332 : vector<1x256x128xi32> to vector<256x128xi32>
    %bitcast3A_334 = tpu.bitcast %get3A_333 : vector<256x128xi32> -> vector<512x128xbf16>
    %slice3A_335 = vector.extract_strided_slice %bitcast3A_334 {offsets = [0, 0], sizes = [512, 64], strides = [1, 1]} : vector<512x128xbf16> to vector<512x64xbf16>
    %slice3A_336 = vector.extract_strided_slice %bitcast3A_334 {offsets = [0, 64], sizes = [512, 64], strides = [1, 1]} : vector<512x128xbf16> to vector<512x64xbf16>
    %get3A_337 = arith.constant 14 : index
    %get3A_338 = arith.constant 0 : index
    %get3A_339 = arith.constant 0 : index
    %get3A_340 = vector.load %arg3[%get3A_337, %get3A_338, %get3A_339] : memref<25x64x64xbf16, #tpu.memory_space<vmem>>, vector<1x64x64xbf16>
    %get3A_341 = vector.shape_cast %get3A_340 : vector<1x64x64xbf16> to vector<64x64xbf16>
    %dot_general3A_342 = arith.constant dense<0.000000e+00> : vector<512x64xf32>
    %dot_general3A_343 = tpu.matmul %slice3A_335, %get3A_341, %dot_general3A_342 {dimension_numbers = #tpu.dot_dimension_numbers<[1], [0], [0], [1], [0, 0, 1, 1], [], []>, transpose_lhs_hint = false} : vector<512x64xbf16>, vector<64x64xbf16>, vector<512x64xf32> -> vector<512x64xf32>
    %get3A_344 = arith.constant 14 : index
    %get3A_345 = arith.constant 0 : index
    %get3A_346 = arith.constant 0 : index
    %get3A_347 = vector.load %arg3[%get3A_344, %get3A_345, %get3A_346] : memref<25x64x64xbf16, #tpu.memory_space<vmem>>, vector<1x64x64xbf16>
    %get3A_348 = vector.shape_cast %get3A_347 : vector<1x64x64xbf16> to vector<64x64xbf16>
    %dot_general3A_349 = arith.constant dense<0.000000e+00> : vector<512x64xf32>
    %dot_general3A_350 = tpu.matmul %slice3A_336, %get3A_348, %dot_general3A_349 {dimension_numbers = #tpu.dot_dimension_numbers<[1], [0], [0], [1], [0, 0, 1, 1], [], []>, transpose_lhs_hint = false} : vector<512x64xbf16>, vector<64x64xbf16>, vector<512x64xf32> -> vector<512x64xf32>
    %add3A_351 = arith.addf %add3A_327, %dot_general3A_343 : vector<512x64xf32>
    %add3A_352 = arith.addf %add3A_328, %dot_general3A_350 : vector<512x64xf32>
    %get3A_353 = arith.constant 15 : index
    %get3A_354 = arith.constant 0 : index
    %get3A_355 = arith.constant 0 : index
    %get3A_356 = vector.load %arg2[%get3A_353, %get3A_354, %get3A_355] : memref<25x256x128xi32, #tpu.memory_space<vmem>>, vector<1x256x128xi32>
    %get3A_357 = vector.shape_cast %get3A_356 : vector<1x256x128xi32> to vector<256x128xi32>
    %bitcast3A_358 = tpu.bitcast %get3A_357 : vector<256x128xi32> -> vector<512x128xbf16>
    %slice3A_359 = vector.extract_strided_slice %bitcast3A_358 {offsets = [0, 0], sizes = [512, 64], strides = [1, 1]} : vector<512x128xbf16> to vector<512x64xbf16>
    %slice3A_360 = vector.extract_strided_slice %bitcast3A_358 {offsets = [0, 64], sizes = [512, 64], strides = [1, 1]} : vector<512x128xbf16> to vector<512x64xbf16>
    %get3A_361 = arith.constant 15 : index
    %get3A_362 = arith.constant 0 : index
    %get3A_363 = arith.constant 0 : index
    %get3A_364 = vector.load %arg3[%get3A_361, %get3A_362, %get3A_363] : memref<25x64x64xbf16, #tpu.memory_space<vmem>>, vector<1x64x64xbf16>
    %get3A_365 = vector.shape_cast %get3A_364 : vector<1x64x64xbf16> to vector<64x64xbf16>
    %dot_general3A_366 = arith.constant dense<0.000000e+00> : vector<512x64xf32>
    %dot_general3A_367 = tpu.matmul %slice3A_359, %get3A_365, %dot_general3A_366 {dimension_numbers = #tpu.dot_dimension_numbers<[1], [0], [0], [1], [0, 0, 1, 1], [], []>, transpose_lhs_hint = false} : vector<512x64xbf16>, vector<64x64xbf16>, vector<512x64xf32> -> vector<512x64xf32>
    %get3A_368 = arith.constant 15 : index
    %get3A_369 = arith.constant 0 : index
    %get3A_370 = arith.constant 0 : index
    %get3A_371 = vector.load %arg3[%get3A_368, %get3A_369, %get3A_370] : memref<25x64x64xbf16, #tpu.memory_space<vmem>>, vector<1x64x64xbf16>
    %get3A_372 = vector.shape_cast %get3A_371 : vector<1x64x64xbf16> to vector<64x64xbf16>
    %dot_general3A_373 = arith.constant dense<0.000000e+00> : vector<512x64xf32>
    %dot_general3A_374 = tpu.matmul %slice3A_360, %get3A_372, %dot_general3A_373 {dimension_numbers = #tpu.dot_dimension_numbers<[1], [0], [0], [1], [0, 0, 1, 1], [], []>, transpose_lhs_hint = false} : vector<512x64xbf16>, vector<64x64xbf16>, vector<512x64xf32> -> vector<512x64xf32>
    %add3A_375 = arith.addf %add3A_351, %dot_general3A_367 : vector<512x64xf32>
    %add3A_376 = arith.addf %add3A_352, %dot_general3A_374 : vector<512x64xf32>
    %get3A_377 = arith.constant 16 : index
    %get3A_378 = arith.constant 0 : index
    %get3A_379 = arith.constant 0 : index
    %get3A_380 = vector.load %arg2[%get3A_377, %get3A_378, %get3A_379] : memref<25x256x128xi32, #tpu.memory_space<vmem>>, vector<1x256x128xi32>
    %get3A_381 = vector.shape_cast %get3A_380 : vector<1x256x128xi32> to vector<256x128xi32>
    %bitcast3A_382 = tpu.bitcast %get3A_381 : vector<256x128xi32> -> vector<512x128xbf16>
    %slice3A_383 = vector.extract_strided_slice %bitcast3A_382 {offsets = [0, 0], sizes = [512, 64], strides = [1, 1]} : vector<512x128xbf16> to vector<512x64xbf16>
    %slice3A_384 = vector.extract_strided_slice %bitcast3A_382 {offsets = [0, 64], sizes = [512, 64], strides = [1, 1]} : vector<512x128xbf16> to vector<512x64xbf16>
    %get3A_385 = arith.constant 16 : index
    %get3A_386 = arith.constant 0 : index
    %get3A_387 = arith.constant 0 : index
    %get3A_388 = vector.load %arg3[%get3A_385, %get3A_386, %get3A_387] : memref<25x64x64xbf16, #tpu.memory_space<vmem>>, vector<1x64x64xbf16>
    %get3A_389 = vector.shape_cast %get3A_388 : vector<1x64x64xbf16> to vector<64x64xbf16>
    %dot_general3A_390 = arith.constant dense<0.000000e+00> : vector<512x64xf32>
    %dot_general3A_391 = tpu.matmul %slice3A_383, %get3A_389, %dot_general3A_390 {dimension_numbers = #tpu.dot_dimension_numbers<[1], [0], [0], [1], [0, 0, 1, 1], [], []>, transpose_lhs_hint = false} : vector<512x64xbf16>, vector<64x64xbf16>, vector<512x64xf32> -> vector<512x64xf32>
    %get3A_392 = arith.constant 16 : index
    %get3A_393 = arith.constant 0 : index
    %get3A_394 = arith.constant 0 : index
    %get3A_395 = vector.load %arg3[%get3A_392, %get3A_393, %get3A_394] : memref<25x64x64xbf16, #tpu.memory_space<vmem>>, vector<1x64x64xbf16>
    %get3A_396 = vector.shape_cast %get3A_395 : vector<1x64x64xbf16> to vector<64x64xbf16>
    %dot_general3A_397 = arith.constant dense<0.000000e+00> : vector<512x64xf32>
    %dot_general3A_398 = tpu.matmul %slice3A_384, %get3A_396, %dot_general3A_397 {dimension_numbers = #tpu.dot_dimension_numbers<[1], [0], [0], [1], [0, 0, 1, 1], [], []>, transpose_lhs_hint = false} : vector<512x64xbf16>, vector<64x64xbf16>, vector<512x64xf32> -> vector<512x64xf32>
    %add3A_399 = arith.addf %add3A_375, %dot_general3A_391 : vector<512x64xf32>
    %add3A_400 = arith.addf %add3A_376, %dot_general3A_398 : vector<512x64xf32>
    %get3A_401 = arith.constant 17 : index
    %get3A_402 = arith.constant 0 : index
    %get3A_403 = arith.constant 0 : index
    %get3A_404 = vector.load %arg2[%get3A_401, %get3A_402, %get3A_403] : memref<25x256x128xi32, #tpu.memory_space<vmem>>, vector<1x256x128xi32>
    %get3A_405 = vector.shape_cast %get3A_404 : vector<1x256x128xi32> to vector<256x128xi32>
    %bitcast3A_406 = tpu.bitcast %get3A_405 : vector<256x128xi32> -> vector<512x128xbf16>
    %slice3A_407 = vector.extract_strided_slice %bitcast3A_406 {offsets = [0, 0], sizes = [512, 64], strides = [1, 1]} : vector<512x128xbf16> to vector<512x64xbf16>
    %slice3A_408 = vector.extract_strided_slice %bitcast3A_406 {offsets = [0, 64], sizes = [512, 64], strides = [1, 1]} : vector<512x128xbf16> to vector<512x64xbf16>
    %get3A_409 = arith.constant 17 : index
    %get3A_410 = arith.constant 0 : index
    %get3A_411 = arith.constant 0 : index
    %get3A_412 = vector.load %arg3[%get3A_409, %get3A_410, %get3A_411] : memref<25x64x64xbf16, #tpu.memory_space<vmem>>, vector<1x64x64xbf16>
    %get3A_413 = vector.shape_cast %get3A_412 : vector<1x64x64xbf16> to vector<64x64xbf16>
    %dot_general3A_414 = arith.constant dense<0.000000e+00> : vector<512x64xf32>
    %dot_general3A_415 = tpu.matmul %slice3A_407, %get3A_413, %dot_general3A_414 {dimension_numbers = #tpu.dot_dimension_numbers<[1], [0], [0], [1], [0, 0, 1, 1], [], []>, transpose_lhs_hint = false} : vector<512x64xbf16>, vector<64x64xbf16>, vector<512x64xf32> -> vector<512x64xf32>
    %get3A_416 = arith.constant 17 : index
    %get3A_417 = arith.constant 0 : index
    %get3A_418 = arith.constant 0 : index
    %get3A_419 = vector.load %arg3[%get3A_416, %get3A_417, %get3A_418] : memref<25x64x64xbf16, #tpu.memory_space<vmem>>, vector<1x64x64xbf16>
    %get3A_420 = vector.shape_cast %get3A_419 : vector<1x64x64xbf16> to vector<64x64xbf16>
    %dot_general3A_421 = arith.constant dense<0.000000e+00> : vector<512x64xf32>
    %dot_general3A_422 = tpu.matmul %slice3A_408, %get3A_420, %dot_general3A_421 {dimension_numbers = #tpu.dot_dimension_numbers<[1], [0], [0], [1], [0, 0, 1, 1], [], []>, transpose_lhs_hint = false} : vector<512x64xbf16>, vector<64x64xbf16>, vector<512x64xf32> -> vector<512x64xf32>
    %add3A_423 = arith.addf %add3A_399, %dot_general3A_415 : vector<512x64xf32>
    %add3A_424 = arith.addf %add3A_400, %dot_general3A_422 : vector<512x64xf32>
    %get3A_425 = arith.constant 18 : index
    %get3A_426 = arith.constant 0 : index
    %get3A_427 = arith.constant 0 : index
    %get3A_428 = vector.load %arg2[%get3A_425, %get3A_426, %get3A_427] : memref<25x256x128xi32, #tpu.memory_space<vmem>>, vector<1x256x128xi32>
    %get3A_429 = vector.shape_cast %get3A_428 : vector<1x256x128xi32> to vector<256x128xi32>
    %bitcast3A_430 = tpu.bitcast %get3A_429 : vector<256x128xi32> -> vector<512x128xbf16>
    %slice3A_431 = vector.extract_strided_slice %bitcast3A_430 {offsets = [0, 0], sizes = [512, 64], strides = [1, 1]} : vector<512x128xbf16> to vector<512x64xbf16>
    %slice3A_432 = vector.extract_strided_slice %bitcast3A_430 {offsets = [0, 64], sizes = [512, 64], strides = [1, 1]} : vector<512x128xbf16> to vector<512x64xbf16>
    %get3A_433 = arith.constant 18 : index
    %get3A_434 = arith.constant 0 : index
    %get3A_435 = arith.constant 0 : index
    %get3A_436 = vector.load %arg3[%get3A_433, %get3A_434, %get3A_435] : memref<25x64x64xbf16, #tpu.memory_space<vmem>>, vector<1x64x64xbf16>
    %get3A_437 = vector.shape_cast %get3A_436 : vector<1x64x64xbf16> to vector<64x64xbf16>
    %dot_general3A_438 = arith.constant dense<0.000000e+00> : vector<512x64xf32>
    %dot_general3A_439 = tpu.matmul %slice3A_431, %get3A_437, %dot_general3A_438 {dimension_numbers = #tpu.dot_dimension_numbers<[1], [0], [0], [1], [0, 0, 1, 1], [], []>, transpose_lhs_hint = false} : vector<512x64xbf16>, vector<64x64xbf16>, vector<512x64xf32> -> vector<512x64xf32>
    %get3A_440 = arith.constant 18 : index
    %get3A_441 = arith.constant 0 : index
    %get3A_442 = arith.constant 0 : index
    %get3A_443 = vector.load %arg3[%get3A_440, %get3A_441, %get3A_442] : memref<25x64x64xbf16, #tpu.memory_space<vmem>>, vector<1x64x64xbf16>
    %get3A_444 = vector.shape_cast %get3A_443 : vector<1x64x64xbf16> to vector<64x64xbf16>
    %dot_general3A_445 = arith.constant dense<0.000000e+00> : vector<512x64xf32>
    %dot_general3A_446 = tpu.matmul %slice3A_432, %get3A_444, %dot_general3A_445 {dimension_numbers = #tpu.dot_dimension_numbers<[1], [0], [0], [1], [0, 0, 1, 1], [], []>, transpose_lhs_hint = false} : vector<512x64xbf16>, vector<64x64xbf16>, vector<512x64xf32> -> vector<512x64xf32>
    %add3A_447 = arith.addf %add3A_423, %dot_general3A_439 : vector<512x64xf32>
    %add3A_448 = arith.addf %add3A_424, %dot_general3A_446 : vector<512x64xf32>
    %get3A_449 = arith.constant 19 : index
    %get3A_450 = arith.constant 0 : index
    %get3A_451 = arith.constant 0 : index
    %get3A_452 = vector.load %arg2[%get3A_449, %get3A_450, %get3A_451] : memref<25x256x128xi32, #tpu.memory_space<vmem>>, vector<1x256x128xi32>
    %get3A_453 = vector.shape_cast %get3A_452 : vector<1x256x128xi32> to vector<256x128xi32>
    %bitcast3A_454 = tpu.bitcast %get3A_453 : vector<256x128xi32> -> vector<512x128xbf16>
    %slice3A_455 = vector.extract_strided_slice %bitcast3A_454 {offsets = [0, 0], sizes = [512, 64], strides = [1, 1]} : vector<512x128xbf16> to vector<512x64xbf16>
    %slice3A_456 = vector.extract_strided_slice %bitcast3A_454 {offsets = [0, 64], sizes = [512, 64], strides = [1, 1]} : vector<512x128xbf16> to vector<512x64xbf16>
    %get3A_457 = arith.constant 19 : index
    %get3A_458 = arith.constant 0 : index
    %get3A_459 = arith.constant 0 : index
    %get3A_460 = vector.load %arg3[%get3A_457, %get3A_458, %get3A_459] : memref<25x64x64xbf16, #tpu.memory_space<vmem>>, vector<1x64x64xbf16>
    %get3A_461 = vector.shape_cast %get3A_460 : vector<1x64x64xbf16> to vector<64x64xbf16>
    %dot_general3A_462 = arith.constant dense<0.000000e+00> : vector<512x64xf32>
    %dot_general3A_463 = tpu.matmul %slice3A_455, %get3A_461, %dot_general3A_462 {dimension_numbers = #tpu.dot_dimension_numbers<[1], [0], [0], [1], [0, 0, 1, 1], [], []>, transpose_lhs_hint = false} : vector<512x64xbf16>, vector<64x64xbf16>, vector<512x64xf32> -> vector<512x64xf32>
    %get3A_464 = arith.constant 19 : index
    %get3A_465 = arith.constant 0 : index
    %get3A_466 = arith.constant 0 : index
    %get3A_467 = vector.load %arg3[%get3A_464, %get3A_465, %get3A_466] : memref<25x64x64xbf16, #tpu.memory_space<vmem>>, vector<1x64x64xbf16>
    %get3A_468 = vector.shape_cast %get3A_467 : vector<1x64x64xbf16> to vector<64x64xbf16>
    %dot_general3A_469 = arith.constant dense<0.000000e+00> : vector<512x64xf32>
    %dot_general3A_470 = tpu.matmul %slice3A_456, %get3A_468, %dot_general3A_469 {dimension_numbers = #tpu.dot_dimension_numbers<[1], [0], [0], [1], [0, 0, 1, 1], [], []>, transpose_lhs_hint = false} : vector<512x64xbf16>, vector<64x64xbf16>, vector<512x64xf32> -> vector<512x64xf32>
    %add3A_471 = arith.addf %add3A_447, %dot_general3A_463 : vector<512x64xf32>
    %add3A_472 = arith.addf %add3A_448, %dot_general3A_470 : vector<512x64xf32>
    %get3A_473 = arith.constant 20 : index
    %get3A_474 = arith.constant 0 : index
    %get3A_475 = arith.constant 0 : index
    %get3A_476 = vector.load %arg2[%get3A_473, %get3A_474, %get3A_475] : memref<25x256x128xi32, #tpu.memory_space<vmem>>, vector<1x256x128xi32>
    %get3A_477 = vector.shape_cast %get3A_476 : vector<1x256x128xi32> to vector<256x128xi32>
    %bitcast3A_478 = tpu.bitcast %get3A_477 : vector<256x128xi32> -> vector<512x128xbf16>
    %slice3A_479 = vector.extract_strided_slice %bitcast3A_478 {offsets = [0, 0], sizes = [512, 64], strides = [1, 1]} : vector<512x128xbf16> to vector<512x64xbf16>
    %slice3A_480 = vector.extract_strided_slice %bitcast3A_478 {offsets = [0, 64], sizes = [512, 64], strides = [1, 1]} : vector<512x128xbf16> to vector<512x64xbf16>
    %get3A_481 = arith.constant 20 : index
    %get3A_482 = arith.constant 0 : index
    %get3A_483 = arith.constant 0 : index
    %get3A_484 = vector.load %arg3[%get3A_481, %get3A_482, %get3A_483] : memref<25x64x64xbf16, #tpu.memory_space<vmem>>, vector<1x64x64xbf16>
    %get3A_485 = vector.shape_cast %get3A_484 : vector<1x64x64xbf16> to vector<64x64xbf16>
    %dot_general3A_486 = arith.constant dense<0.000000e+00> : vector<512x64xf32>
    %dot_general3A_487 = tpu.matmul %slice3A_479, %get3A_485, %dot_general3A_486 {dimension_numbers = #tpu.dot_dimension_numbers<[1], [0], [0], [1], [0, 0, 1, 1], [], []>, transpose_lhs_hint = false} : vector<512x64xbf16>, vector<64x64xbf16>, vector<512x64xf32> -> vector<512x64xf32>
    %get3A_488 = arith.constant 20 : index
    %get3A_489 = arith.constant 0 : index
    %get3A_490 = arith.constant 0 : index
    %get3A_491 = vector.load %arg3[%get3A_488, %get3A_489, %get3A_490] : memref<25x64x64xbf16, #tpu.memory_space<vmem>>, vector<1x64x64xbf16>
    %get3A_492 = vector.shape_cast %get3A_491 : vector<1x64x64xbf16> to vector<64x64xbf16>
    %dot_general3A_493 = arith.constant dense<0.000000e+00> : vector<512x64xf32>
    %dot_general3A_494 = tpu.matmul %slice3A_480, %get3A_492, %dot_general3A_493 {dimension_numbers = #tpu.dot_dimension_numbers<[1], [0], [0], [1], [0, 0, 1, 1], [], []>, transpose_lhs_hint = false} : vector<512x64xbf16>, vector<64x64xbf16>, vector<512x64xf32> -> vector<512x64xf32>
    %add3A_495 = arith.addf %add3A_471, %dot_general3A_487 : vector<512x64xf32>
    %add3A_496 = arith.addf %add3A_472, %dot_general3A_494 : vector<512x64xf32>
    %get3A_497 = arith.constant 21 : index
    %get3A_498 = arith.constant 0 : index
    %get3A_499 = arith.constant 0 : index
    %get3A_500 = vector.load %arg2[%get3A_497, %get3A_498, %get3A_499] : memref<25x256x128xi32, #tpu.memory_space<vmem>>, vector<1x256x128xi32>
    %get3A_501 = vector.shape_cast %get3A_500 : vector<1x256x128xi32> to vector<256x128xi32>
    %bitcast3A_502 = tpu.bitcast %get3A_501 : vector<256x128xi32> -> vector<512x128xbf16>
    %slice3A_503 = vector.extract_strided_slice %bitcast3A_502 {offsets = [0, 0], sizes = [512, 64], strides = [1, 1]} : vector<512x128xbf16> to vector<512x64xbf16>
    %slice3A_504 = vector.extract_strided_slice %bitcast3A_502 {offsets = [0, 64], sizes = [512, 64], strides = [1, 1]} : vector<512x128xbf16> to vector<512x64xbf16>
    %get3A_505 = arith.constant 21 : index
    %get3A_506 = arith.constant 0 : index
    %get3A_507 = arith.constant 0 : index
    %get3A_508 = vector.load %arg3[%get3A_505, %get3A_506, %get3A_507] : memref<25x64x64xbf16, #tpu.memory_space<vmem>>, vector<1x64x64xbf16>
    %get3A_509 = vector.shape_cast %get3A_508 : vector<1x64x64xbf16> to vector<64x64xbf16>
    %dot_general3A_510 = arith.constant dense<0.000000e+00> : vector<512x64xf32>
    %dot_general3A_511 = tpu.matmul %slice3A_503, %get3A_509, %dot_general3A_510 {dimension_numbers = #tpu.dot_dimension_numbers<[1], [0], [0], [1], [0, 0, 1, 1], [], []>, transpose_lhs_hint = false} : vector<512x64xbf16>, vector<64x64xbf16>, vector<512x64xf32> -> vector<512x64xf32>
    %get3A_512 = arith.constant 21 : index
    %get3A_513 = arith.constant 0 : index
    %get3A_514 = arith.constant 0 : index
    %get3A_515 = vector.load %arg3[%get3A_512, %get3A_513, %get3A_514] : memref<25x64x64xbf16, #tpu.memory_space<vmem>>, vector<1x64x64xbf16>
    %get3A_516 = vector.shape_cast %get3A_515 : vector<1x64x64xbf16> to vector<64x64xbf16>
    %dot_general3A_517 = arith.constant dense<0.000000e+00> : vector<512x64xf32>
    %dot_general3A_518 = tpu.matmul %slice3A_504, %get3A_516, %dot_general3A_517 {dimension_numbers = #tpu.dot_dimension_numbers<[1], [0], [0], [1], [0, 0, 1, 1], [], []>, transpose_lhs_hint = false} : vector<512x64xbf16>, vector<64x64xbf16>, vector<512x64xf32> -> vector<512x64xf32>
    %add3A_519 = arith.addf %add3A_495, %dot_general3A_511 : vector<512x64xf32>
    %add3A_520 = arith.addf %add3A_496, %dot_general3A_518 : vector<512x64xf32>
    %get3A_521 = arith.constant 22 : index
    %get3A_522 = arith.constant 0 : index
    %get3A_523 = arith.constant 0 : index
    %get3A_524 = vector.load %arg2[%get3A_521, %get3A_522, %get3A_523] : memref<25x256x128xi32, #tpu.memory_space<vmem>>, vector<1x256x128xi32>
    %get3A_525 = vector.shape_cast %get3A_524 : vector<1x256x128xi32> to vector<256x128xi32>
    %bitcast3A_526 = tpu.bitcast %get3A_525 : vector<256x128xi32> -> vector<512x128xbf16>
    %slice3A_527 = vector.extract_strided_slice %bitcast3A_526 {offsets = [0, 0], sizes = [512, 64], strides = [1, 1]} : vector<512x128xbf16> to vector<512x64xbf16>
    %slice3A_528 = vector.extract_strided_slice %bitcast3A_526 {offsets = [0, 64], sizes = [512, 64], strides = [1, 1]} : vector<512x128xbf16> to vector<512x64xbf16>
    %get3A_529 = arith.constant 22 : index
    %get3A_530 = arith.constant 0 : index
    %get3A_531 = arith.constant 0 : index
    %get3A_532 = vector.load %arg3[%get3A_529, %get3A_530, %get3A_531] : memref<25x64x64xbf16, #tpu.memory_space<vmem>>, vector<1x64x64xbf16>
    %get3A_533 = vector.shape_cast %get3A_532 : vector<1x64x64xbf16> to vector<64x64xbf16>
    %dot_general3A_534 = arith.constant dense<0.000000e+00> : vector<512x64xf32>
    %dot_general3A_535 = tpu.matmul %slice3A_527, %get3A_533, %dot_general3A_534 {dimension_numbers = #tpu.dot_dimension_numbers<[1], [0], [0], [1], [0, 0, 1, 1], [], []>, transpose_lhs_hint = false} : vector<512x64xbf16>, vector<64x64xbf16>, vector<512x64xf32> -> vector<512x64xf32>
    %get3A_536 = arith.constant 22 : index
    %get3A_537 = arith.constant 0 : index
    %get3A_538 = arith.constant 0 : index
    %get3A_539 = vector.load %arg3[%get3A_536, %get3A_537, %get3A_538] : memref<25x64x64xbf16, #tpu.memory_space<vmem>>, vector<1x64x64xbf16>
    %get3A_540 = vector.shape_cast %get3A_539 : vector<1x64x64xbf16> to vector<64x64xbf16>
    %dot_general3A_541 = arith.constant dense<0.000000e+00> : vector<512x64xf32>
    %dot_general3A_542 = tpu.matmul %slice3A_528, %get3A_540, %dot_general3A_541 {dimension_numbers = #tpu.dot_dimension_numbers<[1], [0], [0], [1], [0, 0, 1, 1], [], []>, transpose_lhs_hint = false} : vector<512x64xbf16>, vector<64x64xbf16>, vector<512x64xf32> -> vector<512x64xf32>
    %add3A_543 = arith.addf %add3A_519, %dot_general3A_535 : vector<512x64xf32>
    %add3A_544 = arith.addf %add3A_520, %dot_general3A_542 : vector<512x64xf32>
    %get3A_545 = arith.constant 23 : index
    %get3A_546 = arith.constant 0 : index
    %get3A_547 = arith.constant 0 : index
    %get3A_548 = vector.load %arg2[%get3A_545, %get3A_546, %get3A_547] : memref<25x256x128xi32, #tpu.memory_space<vmem>>, vector<1x256x128xi32>
    %get3A_549 = vector.shape_cast %get3A_548 : vector<1x256x128xi32> to vector<256x128xi32>
    %bitcast3A_550 = tpu.bitcast %get3A_549 : vector<256x128xi32> -> vector<512x128xbf16>
    %slice3A_551 = vector.extract_strided_slice %bitcast3A_550 {offsets = [0, 0], sizes = [512, 64], strides = [1, 1]} : vector<512x128xbf16> to vector<512x64xbf16>
    %slice3A_552 = vector.extract_strided_slice %bitcast3A_550 {offsets = [0, 64], sizes = [512, 64], strides = [1, 1]} : vector<512x128xbf16> to vector<512x64xbf16>
    %get3A_553 = arith.constant 23 : index
    %get3A_554 = arith.constant 0 : index
    %get3A_555 = arith.constant 0 : index
    %get3A_556 = vector.load %arg3[%get3A_553, %get3A_554, %get3A_555] : memref<25x64x64xbf16, #tpu.memory_space<vmem>>, vector<1x64x64xbf16>
    %get3A_557 = vector.shape_cast %get3A_556 : vector<1x64x64xbf16> to vector<64x64xbf16>
    %dot_general3A_558 = arith.constant dense<0.000000e+00> : vector<512x64xf32>
    %dot_general3A_559 = tpu.matmul %slice3A_551, %get3A_557, %dot_general3A_558 {dimension_numbers = #tpu.dot_dimension_numbers<[1], [0], [0], [1], [0, 0, 1, 1], [], []>, transpose_lhs_hint = false} : vector<512x64xbf16>, vector<64x64xbf16>, vector<512x64xf32> -> vector<512x64xf32>
    %get3A_560 = arith.constant 23 : index
    %get3A_561 = arith.constant 0 : index
    %get3A_562 = arith.constant 0 : index
    %get3A_563 = vector.load %arg3[%get3A_560, %get3A_561, %get3A_562] : memref<25x64x64xbf16, #tpu.memory_space<vmem>>, vector<1x64x64xbf16>
    %get3A_564 = vector.shape_cast %get3A_563 : vector<1x64x64xbf16> to vector<64x64xbf16>
    %dot_general3A_565 = arith.constant dense<0.000000e+00> : vector<512x64xf32>
    %dot_general3A_566 = tpu.matmul %slice3A_552, %get3A_564, %dot_general3A_565 {dimension_numbers = #tpu.dot_dimension_numbers<[1], [0], [0], [1], [0, 0, 1, 1], [], []>, transpose_lhs_hint = false} : vector<512x64xbf16>, vector<64x64xbf16>, vector<512x64xf32> -> vector<512x64xf32>
    %add3A_567 = arith.addf %add3A_543, %dot_general3A_559 : vector<512x64xf32>
    %add3A_568 = arith.addf %add3A_544, %dot_general3A_566 : vector<512x64xf32>
    %get3A_569 = arith.constant 24 : index
    %get3A_570 = arith.constant 0 : index
    %get3A_571 = arith.constant 0 : index
    %get3A_572 = vector.load %arg2[%get3A_569, %get3A_570, %get3A_571] : memref<25x256x128xi32, #tpu.memory_space<vmem>>, vector<1x256x128xi32>
    %get3A_573 = vector.shape_cast %get3A_572 : vector<1x256x128xi32> to vector<256x128xi32>
    %bitcast3A_574 = tpu.bitcast %get3A_573 : vector<256x128xi32> -> vector<512x128xbf16>
    %slice3A_575 = vector.extract_strided_slice %bitcast3A_574 {offsets = [0, 0], sizes = [512, 64], strides = [1, 1]} : vector<512x128xbf16> to vector<512x64xbf16>
    %slice3A_576 = vector.extract_strided_slice %bitcast3A_574 {offsets = [0, 64], sizes = [512, 64], strides = [1, 1]} : vector<512x128xbf16> to vector<512x64xbf16>
    %get3A_577 = arith.constant 24 : index
    %get3A_578 = arith.constant 0 : index
    %get3A_579 = arith.constant 0 : index
    %get3A_580 = vector.load %arg3[%get3A_577, %get3A_578, %get3A_579] : memref<25x64x64xbf16, #tpu.memory_space<vmem>>, vector<1x64x64xbf16>
    %get3A_581 = vector.shape_cast %get3A_580 : vector<1x64x64xbf16> to vector<64x64xbf16>
    %dot_general3A_582 = arith.constant dense<0.000000e+00> : vector<512x64xf32>
    %dot_general3A_583 = tpu.matmul %slice3A_575, %get3A_581, %dot_general3A_582 {dimension_numbers = #tpu.dot_dimension_numbers<[1], [0], [0], [1], [0, 0, 1, 1], [], []>, transpose_lhs_hint = false} : vector<512x64xbf16>, vector<64x64xbf16>, vector<512x64xf32> -> vector<512x64xf32>
    %get3A_584 = arith.constant 24 : index
    %get3A_585 = arith.constant 0 : index
    %get3A_586 = arith.constant 0 : index
    %get3A_587 = vector.load %arg3[%get3A_584, %get3A_585, %get3A_586] : memref<25x64x64xbf16, #tpu.memory_space<vmem>>, vector<1x64x64xbf16>
    %get3A_588 = vector.shape_cast %get3A_587 : vector<1x64x64xbf16> to vector<64x64xbf16>
    %dot_general3A_589 = arith.constant dense<0.000000e+00> : vector<512x64xf32>
    %dot_general3A_590 = tpu.matmul %slice3A_576, %get3A_588, %dot_general3A_589 {dimension_numbers = #tpu.dot_dimension_numbers<[1], [0], [0], [1], [0, 0, 1, 1], [], []>, transpose_lhs_hint = false} : vector<512x64xbf16>, vector<64x64xbf16>, vector<512x64xf32> -> vector<512x64xf32>
    %add3A_591 = arith.addf %add3A_567, %dot_general3A_583 : vector<512x64xf32>
    %add3A_592 = arith.addf %add3A_568, %dot_general3A_590 : vector<512x64xf32>
    %eq3A = arith.constant 0 : i32
    %eq3A_593 = arith.cmpi eq, %arg1, %eq3A : i32
    %convert_element_type3A = arith.extui %eq3A_593 : i1 to i32
    %cond3A = arith.constant 0 : i32
    %cond3A_594 = arith.cmpi ne, %convert_element_type3A, %cond3A : i32
    scf.if %cond3A_594 {
      %broadcast_in_dim3A = arith.constant 0.000000e+00 : f32
      %broadcast_in_dim3A_613 = vector.broadcast %broadcast_in_dim3A : f32 to vector<512x64xf32>
      %swap3A_614 = arith.constant 0 : index
      %swap3A_615 = arith.constant 0 : index
      %swap3A_616 = vector.load %arg8[%swap3A_614, %swap3A_615] : memref<512x64xf32, #tpu.memory_space<vmem>>, vector<512x64xf32>
      tpu.vector_store %arg8[%swap3A_614, %swap3A_615], %broadcast_in_dim3A_613 {strides = array<i32>} : memref<512x64xf32, #tpu.memory_space<vmem>>, vector<512x64xf32>,
      %broadcast_in_dim3A_617 = arith.constant 0.000000e+00 : f32
      %broadcast_in_dim3A_618 = vector.broadcast %broadcast_in_dim3A_617 : f32 to vector<512x64xf32>
      %swap3A_619 = arith.constant 0 : index
      %swap3A_620 = arith.constant 0 : index
      %swap3A_621 = vector.load %arg9[%swap3A_619, %swap3A_620] : memref<512x64xf32, #tpu.memory_space<vmem>>, vector<512x64xf32>
      tpu.vector_store %arg9[%swap3A_619, %swap3A_620], %broadcast_in_dim3A_618 {strides = array<i32>} : memref<512x64xf32, #tpu.memory_space<vmem>>, vector<512x64xf32>,
    } else {
    }
    %get3A_595 = arith.constant 0 : index
    %get3A_596 = arith.constant 0 : index
    %get3A_597 = vector.load %arg8[%get3A_595, %get3A_596] : memref<512x64xf32, #tpu.memory_space<vmem>>, vector<512x64xf32>
    %add3A_598 = arith.addf %get3A_597, %add3A_591 : vector<512x64xf32>
    %swap3A = arith.constant 0 : index
    %swap3A_599 = arith.constant 0 : index
    %swap3A_600 = vector.load %arg8[%swap3A, %swap3A_599] : memref<512x64xf32, #tpu.memory_space<vmem>>, vector<512x64xf32>
    tpu.vector_store %arg8[%swap3A, %swap3A_599], %add3A_598 {strides = array<i32>} : memref<512x64xf32, #tpu.memory_space<vmem>>, vector<512x64xf32>,
    %get3A_601 = arith.constant 0 : index
    %get3A_602 = arith.constant 0 : index
    %get3A_603 = vector.load %arg9[%get3A_601, %get3A_602] : memref<512x64xf32, #tpu.memory_space<vmem>>, vector<512x64xf32>
    %add3A_604 = arith.addf %get3A_603, %add3A_592 : vector<512x64xf32>
    %swap3A_605 = arith.constant 0 : index
    %swap3A_606 = arith.constant 0 : index
    %swap3A_607 = vector.load %arg9[%swap3A_605, %swap3A_606] : memref<512x64xf32, #tpu.memory_space<vmem>>, vector<512x64xf32>
    tpu.vector_store %arg9[%swap3A_605, %swap3A_606], %add3A_604 {strides = array<i32>} : memref<512x64xf32, #tpu.memory_space<vmem>>, vector<512x64xf32>,
    %eq3A_608 = arith.constant 7 : i32
    %eq3A_609 = arith.cmpi eq, %arg1, %eq3A_608 : i32
    %convert_element_type3A_610 = arith.extui %eq3A_609 : i1 to i32
    %cond3A_611 = arith.constant 0 : i32
    %cond3A_612 = arith.cmpi ne, %convert_element_type3A_610, %cond3A_611 : i32
    scf.if %cond3A_612 {
      %iota3A = tpu.iota {dimensions = array<i32: 1>} : vector<512x512xi32>
      %iota3A_613 = tpu.iota {dimensions = array<i32: 0>} : vector<512x512xi32>
      %jit3A = arith.constant 2 : i32
      %eq3A_614 = arith.constant 0 : i32
      %eq3A_615 = arith.cmpi eq, %jit3A, %eq3A_614 : i32
      %jit3A_616 = arith.constant 1 : i32
      %select_n3A = arith.select %eq3A_615, %jit3A_616, %jit3A : i32
      %rem3A = vector.broadcast %select_n3A : i32 to vector<512x512xi32>
      %rem3A_617 = arith.remsi %iota3A_613, %rem3A : vector<512x512xi32>
      %ne3A = arith.constant 0 : i32
      %ne3A_618 = vector.broadcast %ne3A : i32 to vector<512x512xi32>
      %ne3A_619 = arith.cmpi ne, %rem3A_617, %ne3A_618 : vector<512x512xi32>
      %lt3A = arith.constant 0 : i32
      %lt3A_620 = vector.broadcast %lt3A : i32 to vector<512x512xi32>
      %lt3A_621 = arith.cmpi slt, %rem3A_617, %lt3A_620 : vector<512x512xi32>
      %lt3A_622 = arith.constant 0 : i32
      %lt3A_623 = arith.cmpi slt, %select_n3A, %lt3A_622 : i32
      %ne3A_624 = vector.broadcast %lt3A_623 : i1 to vector<512x512xi1>
      %ne3A_625 = vector.broadcast %ne3A_624 : vector<512x512xi1> to vector<512x512xi1>
      %ne3A_626 = arith.xori %lt3A_621, %ne3A_625 : vector<512x512xi1>
      %and3A = arith.andi %ne3A_626, %ne3A_619 : vector<512x512xi1>
      %add3A_627 = vector.broadcast %select_n3A : i32 to vector<512x512xi32>
      %add3A_628 = arith.addi %rem3A_617, %add3A_627 : vector<512x512xi32>
      %select_n3A_629 = arith.select %and3A, %add3A_628, %rem3A_617 : vector<512x512xi1>, vector<512x512xi32>
      %eq3A_630 = arith.constant 0 : i32
      %eq3A_631 = vector.broadcast %eq3A_630 : i32 to vector<512x512xi32>
      %eq3A_632 = arith.cmpi eq, %select_n3A_629, %eq3A_631 : vector<512x512xi32>
      %eq3A_633 = arith.cmpi eq, %iota3A, %iota3A_613 : vector<512x512xi32>
      %and3A_634 = arith.andi %eq3A_632, %eq3A_633 : vector<512x512xi1>
      %convert_element_type3A_635 = arith.extui %and3A_634 : vector<512x512xi1> to vector<512x512xi32>
      %convert_element_type3A_636 = arith.sitofp %convert_element_type3A_635 : vector<512x512xi32> to vector<512x512xf32>
      %add3A_637 = arith.constant 1 : i32
      %add3A_638 = vector.broadcast %add3A_637 : i32 to vector<512x512xi32>
      %add3A_639 = arith.addi %iota3A_613, %add3A_638 : vector<512x512xi32>
      %eq3A_640 = arith.cmpi eq, %iota3A, %add3A_639 : vector<512x512xi32>
      %and3A_641 = arith.andi %eq3A_632, %eq3A_640 : vector<512x512xi1>
      %convert_element_type3A_642 = arith.extui %and3A_641 : vector<512x512xi1> to vector<512x512xi32>
      %convert_element_type3A_643 = arith.sitofp %convert_element_type3A_642 : vector<512x512xi32> to vector<512x512xf32>
      %not3A = arith.constant dense<true> : vector<512x512xi1>
      %not3A_644 = arith.xori %eq3A_632, %not3A : vector<512x512xi1>
      %sub3A = arith.constant 1 : i32
      %sub3A_645 = vector.broadcast %sub3A : i32 to vector<512x512xi32>
      %sub3A_646 = arith.subi %iota3A_613, %sub3A_645 : vector<512x512xi32>
      %eq3A_647 = arith.cmpi eq, %iota3A, %sub3A_646 : vector<512x512xi32>
      %and3A_648 = arith.andi %not3A_644, %eq3A_647 : vector<512x512xi1>
      %convert_element_type3A_649 = arith.extui %and3A_648 : vector<512x512xi1> to vector<512x512xi32>
      %convert_element_type3A_650 = arith.sitofp %convert_element_type3A_649 : vector<512x512xi32> to vector<512x512xf32>
      %not3A_651 = arith.constant dense<true> : vector<512x512xi1>
      %not3A_652 = arith.xori %eq3A_632, %not3A_651 : vector<512x512xi1>
      %eq3A_653 = arith.cmpi eq, %iota3A, %iota3A_613 : vector<512x512xi32>
      %and3A_654 = arith.andi %not3A_652, %eq3A_653 : vector<512x512xi1>
      %convert_element_type3A_655 = arith.extui %and3A_654 : vector<512x512xi1> to vector<512x512xi32>
      %convert_element_type3A_656 = arith.sitofp %convert_element_type3A_655 : vector<512x512xi32> to vector<512x512xf32>
      %get3A_657 = arith.constant 0 : index
      %get3A_658 = arith.constant 0 : index
      %get3A_659 = vector.load %arg8[%get3A_657, %get3A_658] : memref<512x64xf32, #tpu.memory_space<vmem>>, vector<512x64xf32>
      %get3A_660 = arith.constant 0 : index
      %get3A_661 = arith.constant 0 : index
      %get3A_662 = vector.load %arg9[%get3A_660, %get3A_661] : memref<512x64xf32, #tpu.memory_space<vmem>>, vector<512x64xf32>
      %slice3A_663 = vector.extract_strided_slice %get3A_659 {offsets = [0, 0], sizes = [512, 32], strides = [1, 1]} : vector<512x64xf32> to vector<512x32xf32>
      %dot_general3A_664 = arith.constant dense<0.000000e+00> : vector<512x32xf32>
      %dot_general3A_665 = tpu.matmul %convert_element_type3A_636, %slice3A_663, %dot_general3A_664 {dimension_numbers = #tpu.dot_dimension_numbers<[1], [0], [0], [1], [0, 0, 1, 1], [], []>, transpose_lhs_hint = false} : vector<512x512xf32>, vector<512x32xf32>, vector<512x32xf32> -> vector<512x32xf32>
      %slice3A_666 = vector.extract_strided_slice %get3A_659 {offsets = [0, 32], sizes = [512, 32], strides = [1, 1]} : vector<512x64xf32> to vector<512x32xf32>
      %dot_general3A_667 = arith.constant dense<0.000000e+00> : vector<512x32xf32>
      %dot_general3A_668 = tpu.matmul %convert_element_type3A_643, %slice3A_666, %dot_general3A_667 {dimension_numbers = #tpu.dot_dimension_numbers<[1], [0], [0], [1], [0, 0, 1, 1], [], []>, transpose_lhs_hint = false} : vector<512x512xf32>, vector<512x32xf32>, vector<512x32xf32> -> vector<512x32xf32>
      %add3A_669 = arith.addf %dot_general3A_665, %dot_general3A_668 : vector<512x32xf32>
      %slice3A_670 = vector.extract_strided_slice %get3A_662 {offsets = [0, 0], sizes = [512, 32], strides = [1, 1]} : vector<512x64xf32> to vector<512x32xf32>
      %dot_general3A_671 = arith.constant dense<0.000000e+00> : vector<512x32xf32>
      %dot_general3A_672 = tpu.matmul %convert_element_type3A_650, %slice3A_670, %dot_general3A_671 {dimension_numbers = #tpu.dot_dimension_numbers<[1], [0], [0], [1], [0, 0, 1, 1], [], []>, transpose_lhs_hint = false} : vector<512x512xf32>, vector<512x32xf32>, vector<512x32xf32> -> vector<512x32xf32>
      %add3A_673 = arith.addf %add3A_669, %dot_general3A_672 : vector<512x32xf32>
      %slice3A_674 = vector.extract_strided_slice %get3A_662 {offsets = [0, 32], sizes = [512, 32], strides = [1, 1]} : vector<512x64xf32> to vector<512x32xf32>
      %dot_general3A_675 = arith.constant dense<0.000000e+00> : vector<512x32xf32>
      %dot_general3A_676 = tpu.matmul %convert_element_type3A_656, %slice3A_674, %dot_general3A_675 {dimension_numbers = #tpu.dot_dimension_numbers<[1], [0], [0], [1], [0, 0, 1, 1], [], []>, transpose_lhs_hint = false} : vector<512x512xf32>, vector<512x32xf32>, vector<512x32xf32> -> vector<512x32xf32>
      %add3A_677 = arith.addf %add3A_673, %dot_general3A_676 : vector<512x32xf32>
      %get3A_678 = arith.constant 0 : index
      %get3A_679 = arith.constant 0 : index
      %get3A_680 = vector.load %arg4[%get3A_678, %get3A_679] : memref<1x32xf32, #tpu.memory_space<vmem>>, vector<1x32xf32>
      %add3A_681 = vector.broadcast %get3A_680 : vector<1x32xf32> to vector<512x32xf32>
      %add3A_682 = arith.addf %add3A_677, %add3A_681 : vector<512x32xf32>
      %max3A = arith.constant 0.000000e+00 : f32
      %max3A_683 = vector.broadcast %max3A : f32 to vector<512x32xf32>
      %max3A_684 = arith.maximumf %add3A_682, %max3A_683 : vector<512x32xf32>
      %get3A_685 = arith.constant 0 : index
      %get3A_686 = arith.constant 0 : index
      %get3A_687 = vector.load %arg5[%get3A_685, %get3A_686] : memref<1x32xf32, #tpu.memory_space<vmem>>, vector<1x32xf32>
      %mul3A = vector.broadcast %get3A_687 : vector<1x32xf32> to vector<512x32xf32>
      %mul3A_688 = arith.mulf %max3A_684, %mul3A : vector<512x32xf32>
      %reduce_sum3A = arith.constant dense<0.000000e+00> : vector<512xf32>
      %reduce_sum3A_689 = vector.multi_reduction <add>, %mul3A_688, %reduce_sum3A [1] : vector<512x32xf32> to vector<512xf32>
      %broadcast_in_dim3A = vector.shape_cast %reduce_sum3A_689 : vector<512xf32> to vector<512x1xf32>
      %get3A_690 = arith.constant 0 : index
      %get3A_691 = arith.constant 0 : index
      %get3A_692 = vector.load %arg6[%get3A_690, %get3A_691] : memref<1x1xf32, #tpu.memory_space<vmem>>, vector<1x1xf32>
      %add3A_693 = vector.broadcast %get3A_692 : vector<1x1xf32> to vector<512x1xf32>
      %add3A_694 = arith.addf %broadcast_in_dim3A, %add3A_693 : vector<512x1xf32>
      %logistic3A = arith.negf %add3A_694 : vector<512x1xf32>
      %logistic3A_695 = math.exp %logistic3A : vector<512x1xf32>
      %logistic3A_696 = arith.constant 1.000000e+00 : f32
      %logistic3A_697 = vector.broadcast %logistic3A_696 : f32 to vector<512x1xf32>
      %logistic3A_698 = arith.addf %logistic3A_697, %logistic3A_695 : vector<512x1xf32>
      %logistic3A_699 = arith.divf %logistic3A_697, %logistic3A_698 : vector<512x1xf32>
      %swap3A_700 = arith.constant 0 : index
      %swap3A_701 = arith.constant 0 : index
      %swap3A_702 = vector.load %arg7[%swap3A_700, %swap3A_701] : memref<512x1xf32, #tpu.memory_space<vmem>>, vector<512x1xf32>
      tpu.vector_store %arg7[%swap3A_700, %swap3A_701], %logistic3A_699 {strides = array<i32>} : memref<512x1xf32, #tpu.memory_space<vmem>>, vector<512x1xf32>,
    } else {
    }
    return
  }
  func.func @transform_0(%arg0: i32, %arg1: i32) -> (i32, i32, i32) {
    %c0_i32 = arith.constant 0 : i32
    %c0_i32_0 = arith.constant 0 : i32
    return %arg1, %arg0, %c0_i32 : i32, i32, i32
  }
  func.func @transform_1(%arg0: i32, %arg1: i32) -> (i32, i32, i32) {
    %c0_i32 = arith.constant 0 : i32
    %c0_i32_0 = arith.constant 0 : i32
    %c0_i32_1 = arith.constant 0 : i32
    return %arg1, %c0_i32, %c0_i32_0 : i32, i32, i32
  }
  func.func @transform_2(%arg0: i32, %arg1: i32) -> (i32, i32) {
    %c0_i32 = arith.constant 0 : i32
    %c0_i32_0 = arith.constant 0 : i32
    %c0_i32_1 = arith.constant 0 : i32
    return %c0_i32, %c0_i32_0 : i32, i32
  }
  func.func @transform_3(%arg0: i32, %arg1: i32) -> (i32, i32) {
    %c0_i32 = arith.constant 0 : i32
    %c0_i32_0 = arith.constant 0 : i32
    %c0_i32_1 = arith.constant 0 : i32
    return %c0_i32, %c0_i32_0 : i32, i32
  }
  func.func @transform_4(%arg0: i32, %arg1: i32) -> (i32, i32) {
    %c0_i32 = arith.constant 0 : i32
    %c0_i32_0 = arith.constant 0 : i32
    %c0_i32_1 = arith.constant 0 : i32
    return %c0_i32, %c0_i32_0 : i32, i32
  }
  func.func @transform_5(%arg0: i32, %arg1: i32) -> (i32, i32) {
    %c0_i32 = arith.constant 0 : i32
    %c0_i32_0 = arith.constant 0 : i32
    return %arg0, %c0_i32 : i32, i32
  }
}

</mosaic_0001>

<sc_bundles>
// kernel: kernel.11.cloned.1.call-start
scs
__scs_entry_jumppad:
0x0: {  	(pc) =	sbr.rel $0x88, $3  }
0x1: {  	(tag) =	ssettag $0x0;
	lr =	simm.s32 $0x1  }
0x2: {  	[smem:$0x3F9B] =	sst lr;
	_ =	strace $0xD0000000  }
0x3: {  	_ = 	snop  }
0x4: {  	_ = 	snop  }
0x5: {  	_ = 	snop  }
0x6: {  	_ = 	snop  }
0x7: {  	_ = 	snop  }
__scs_overlays_trampoline_lowered:
0x8: {  	[smem:$0x3FAA] =	sst s0  }
0x9: {  	[smem:$0x3FAB] =	sst s1  }
0xa: {  	[smem:$0x3FAC] =	sst s2  }
0xb: {  	[smem:$0x3FAD] =	sst s3  }
0xc: {  	[smem:$0x3FAE] =	sst s4  }
0xd: {  	[smem:$0x3FAF] =	sst s5  }
0xe: {  	[smem:$0x3FB0] =	sst s6  }
0xf: {  	[smem:$0x3FB1] =	sst s7  }
0x10: {  	[smem:$0x3FB2] =	sst s8  }
0x11: {  	[smem:$0x3FB3] =	sst s9;
	s0 =	simm.s32 @!p0 $0x0  }
0x12: {  	s1 =	sld [smem:$0x3F99];
	s0 =	simm.s32 @p0 $0x1  }
0x13: {  	[smem:$0x3FB4] =	sst s0;
	s0 =	simm.s32 @!p1 $0x0  }
0x14: {  	s2 =	sld [smem:$0x3F98];
	s0 =	simm.s32 @p1 $0x1  }
0x15: {  	[smem:$0x3FB5] =	sst s0;
	s0 =	simm.s32 @!p2 $0x0  }
0x16: {  	s3 =	sld [smem:$0x3FDB];
	s0 =	simm.s32 @p2 $0x1  }
0x17: {  	s4 =	simm.s32 $0x1BF5;
	[smem:$0x3FB7] =	sst s0  }
0x18: {  	s0 =	sld [smem:$0x3F9A];
	_ =	swait.ge [sflag:s4], $0x0  }
0x19: {  	s7 =	sld [smem:$0x3F9B]  }
0x1a: {  	s8 =	sadd.s32 $0xFFFFE003, lr  }
0x1b: {  	s9 =	sadd.s32 $0xFFFFFEF7, lr;
	s5 =	simm.s32 $0xFFFFFFFF;
	p2 =	slt.u32 s8, $0xFFFFF086  }
0x1c: {  	p1 =	slt.u32 s9, $0xF7A;
	s5 =	simm.s32 @!p2 $0x0  }
0x1d: {  	s5 =	simm.s32 @p1 $0x1;
	p0 =	seq.s32 s7, s2  }
0x1e: {  	s7 =	smul.u32 @!p0 $0xF7A, s2;
	p2 =	seq.s32 @!p0 s5, $0x0  }
0x1f: {  	s9 =	smul.u32 $0xF7A, s1;
	s8 =	simm.s32 @!p0 $0x1BF5;
	p2 =	por !p2, p0  }
0x20: {  	[sflag:s8] =	ssyncset.s32 @!p0 $0xFFFFF086;
	s6 =	sadd.s32 @!p0 s3, s7;
	s7 =	simm.s32 @!p0 $0x108  }
0x21: {  	s3 =	sadd.s32 s3, s9;
	s6 =	sadd.s32 @!p0 $0x88, s6;
	s7 =	simm.s32 @p2 $0x1082  }
0x22: {  	[simem:s7], [sflag:s8] =	dma.local @!p0 [hbm:s6], $0xF7A  }
0x23: {  	s9 =	sor.u32 $0xD0000000, s2;
	s6 =	simm.s32 $0x108;
	_ =	swait.ge @!p0 [sflag:s8], $0x0  }
0x24: {  	s3 =	sadd.s32 $0x88, s3;
	s6 =	simm.s32 @!p1 $0x1082;
	[sflag:s4] =	ssyncset.s32 $0xFFFFF086  }
0x25: {  	[simem:s6], [sflag:s4] =	dma.local [hbm:s3], $0xF7A  }
0x26: {  	[smem:$0x3F9B] =	sst s1;
	(tag) =	ssettag s2;
	_ =	strace s9  }
0x27: {  	s1 =	sld [smem:$0x3FAB]  }
0x28: {  	s2 =	sld [smem:$0x3FAC]  }
0x29: {  	s4 =	sld [smem:$0x3FAE]  }
0x2a: {  	p0 =	seq.s32 s5, $0x0;
	s5 =	sld [smem:$0x3FAF]  }
0x2b: {  	s6 =	sld [smem:$0x3FB0]  }
0x2c: {  	s7 =	sld [smem:$0x3FB1]  }
0x2d: {  	s3 =	simm.s32 $0x108;
	s8 =	sld [smem:$0x3FB2]  }
0x2e: {  	s3 =	simm.s32 @!p0 $0x1082;
	s9 =	sld [smem:$0x3FB3]  }
0x2f: {  	lr =	sadd.s32 s0, s3;
	s0 =	sld [smem:$0x3FAA]  }
0x30: {  	s3 =	sld [smem:$0x3FAD]  }
0x31: {  	[smem:$0x3FB6] =	sst s10  }
0x32: {  	s10 =	sld [smem:$0x3FB4];
	_ =	sdelay $0x3  }
0x33: {  	p0 =	seq.s32 s10, $0x1;
	s10 =	sld [smem:$0x3FB6];
	_ =	sdelay $0x3  }
0x34: {  	[smem:$0x3FB6] =	sst s10  }
0x35: {  	s10 =	sld [smem:$0x3FB5];
	_ =	sdelay $0x3  }
0x36: {  	p1 =	seq.s32 s10, $0x1;
	s10 =	sld [smem:$0x3FB6];
	_ =	sdelay $0x3  }
0x37: {  	[smem:$0x3FB6] =	sst s10  }
0x38: {  	s10 =	sld [smem:$0x3FB7]  }
0x39: {  	_ = 	snop;
	(pc) =	sbr.ind lr, $3  }
0x3a: {  	_ = 	snop  }
0x3b: {  	_ = 	snop  }
0x3c: {  	p2 =	seq.s32 s10, $0x1;
	s10 =	sld [smem:$0x3FB6]  }
0x3d: {  	_ =	shalt  }
0x3e: {  	_ =	shalt  }
0x3f: {  	_ =	shalt  }
0x40: {  	_ =	shalt  }
0x41: {  	_ =	shalt  }
0x42: {  	_ =	shalt  }
0x43: {  	_ =	shalt  }
0x44: {  	_ =	shalt  }
0x45: {  	_ =	shalt  }
0x46: {  	_ =	shalt  }
0x47: {  	_ =	shalt  }
0x48: {  	_ =	shalt  }
0x49: {  	_ =	shalt  }
0x4a: {  	_ =	shalt  }
0x4b: {  	_ =	shalt  }
0x4c: {  	_ =	shalt  }
0x4d: {  	_ =	shalt  }
0x4e: {  	_ =	shalt  }
0x4f: {  	_ =	shalt  }
0x50: {  	_ =	shalt  }
0x51: {  	_ =	shalt  }
0x52: {  	_ =	shalt  }
0x53: {  	_ =	shalt  }
0x54: {  	_ =	shalt  }
0x55: {  	_ =	shalt  }
0x56: {  	_ =	shalt  }
0x57: {  	_ =	shalt  }
0x58: {  	_ =	shalt  }
0x59: {  	_ =	shalt  }
0x5a: {  	_ =	shalt  }
0x5b: {  	_ =	shalt  }
0x5c: {  	_ =	shalt  }
0x5d: {  	_ =	shalt  }
0x5e: {  	_ =	shalt  }
0x5f: {  	_ =	shalt  }
0x60: {  	_ =	shalt  }
0x61: {  	_ =	shalt  }
0x62: {  	_ =	shalt  }
0x63: {  	_ =	shalt  }
0x64: {  	_ =	shalt  }
0x65: {  	_ =	shalt  }
0x66: {  	_ =	shalt  }
0x67: {  	_ =	shalt  }
0x68: {  	_ =	shalt  }
0x69: {  	_ =	shalt  }
0x6a: {  	_ =	shalt  }
0x6b: {  	_ =	shalt  }
0x6c: {  	_ =	shalt  }
0x6d: {  	_ =	shalt  }
0x6e: {  	_ =	shalt  }
0x6f: {  	_ =	shalt  }
0x70: {  	_ =	shalt  }
0x71: {  	_ =	shalt  }
0x72: {  	_ =	shalt  }
0x73: {  	_ =	shalt  }
0x74: {  	_ =	shalt  }
0x75: {  	_ =	shalt  }
0x76: {  	_ =	shalt  }
0x77: {  	_ =	shalt  }
0x78: {  	_ =	shalt  }
0x79: {  	_ =	shalt  }
0x7a: {  	_ =	shalt  }
0x7b: {  	_ =	shalt  }
0x7c: {  	_ =	shalt  }
0x7d: {  	_ =	shalt  }
0x7e: {  	_ =	shalt  }
0x7f: {  	_ =	shalt  }
0x80: {  	_ =	shalt  }
0x81: {  	_ =	shalt  }
0x82: {  	_ =	shalt  }
0x83: {  	_ =	shalt  }
0x84: {  	_ =	shalt  }
0x85: {  	_ =	shalt  }
0x86: {  	_ =	shalt  }
0x87: {  	_ =	shalt  }
.Lfunc_end0:
.L_simem_size_0:
called_computation_lowered:
.L_overlay_start_0:
0x88: {  	s2 =	sld [smem:$0x3FD9]  }
0x89: {  	s3 =	sld [smem:$0x3FFE];
	_ =	sdelay $0x1  }
0x8a: {  	s1 =	srdreg.scid  }
0x8b: {  	s0 =	sand.u32 $0x1, s1  }
0x8c: {  	s17 =	sshll.u32 s0, $0xA;
	s2 =	sadd.s32 s3, s2  }
0x8d: {  	s2 =	sadd.s32 s2, s17  }
0x8e: {  	[smem:$0x3FC2] =	sst s2  }
0x8f: {  	_ = 	snop  }
0x90: {  	(tm) =	ssettm $0x1  }
0x91: {  	s18 =	sld [smem:$0x3FFB];
	_ =	sdelay $0x3  }
0x92: {  	_ =	strace s18  }
0x93: {  	s2 =	sld [smem:$0x3FFC];
	_ =	sdelay $0x3  }
0x94: {  	_ =	strace s2  }
0x95: {  	s2 =	sld [smem:$0x3FFD];
	_ =	sdelay $0x3  }
0x96: {  	_ =	strace s2  }
0x97: {  	_ =	strace $0x8FFFFFFF  }
0x98: {  	s19 =	sld [smem:$0x3FDB];
	_ =	sdelay $0x1  }
0x99: {  	s20 =	simm.s32 $_scs_section_size  }
0x9a: {  	s4 =	simm.s32 $_size__tile_overlayer_lowered;
	s5 =	simm.s32 $_tile_overlayer_lowered  }
0x9b: {  	s6 =	simm.s32 $0x1BFF;
	s21 =	sshll.u32 s5, $0x1;
	s3 =	sadd.s32 s20, s19  }
0x9c: {  	s22 =	simm.s32 $0x0;
	s4 =	sshll.u32 s4, $0x1;
	s5 =	sadd.s32 s21, s3  }
0x9d: {  	[timem:s22], [sflag:s6] =	dma.local [hbm:s5], s4  }
0x9e: {  	_ =	swait.ge [sflag:s6], s4  }
0x9f: {  	s4 =	ssub.s32 $0x0, s4;
	[sflag:s6] =	ssyncset.done $0x0  }
0xa0: {  	[sflag:s6] =	ssyncadd.s32 s4;
	_ =	sdelay $0x1  }
0xa1: {  	s23 =	simm.s32 $0x1B8B  }
0xa2: {  	_ =	swait.ge [sflag:s23], $0x1  }
0xa3: {  	[sflag:s23] =	ssyncset.done $0x0  }
0xa4: {  	[sflag:s23] =	ssyncadd.s32 $0xFFFFFFFF  }
0xa5: {  	s4 =	sld [smem:$0x0]  }
0xa6: {  	s5 =	sand.u32 $0xFFFFFFFE, s1  }
0xa7: {  	p0 =	sne.s32 s1, s5  }
0xa8: {  	s5 =	sshll.u32 @p0 s5, $0xE  }
0xa9: {  	s5 =	sadd.s32 @p0 $0x11B8D, s5;
	s6 =	sshll.u32 @p0 s4, $0x11  }
0xaa: {  	s5 =	sor.u32 @p0 s6, s5  }
0xab: {  	[sflag:s5] =	ssyncadd.remote.s32 @p0 $0x1;
	_ =	sdelay $0x1  }
0xac: {  	s5 =	simm.s32 @p0 $0x1B8D  }
0xad: {  	_ =	swait.eq @p0 [sflag:s5], $0x1  }
0xae: {  	[sflag:s5] =	ssyncadd.s32 @p0 $0xFFFFFFFF  }
0xaf: {  	s6 =	sshll.u32 @!p0 s1, $0xE  }
0xb0: {  	s6 =	sor.u32 @!p0 $0x4000, s6;
	s5 =	simm.s32 @!p0 $0x1B8D  }
0xb1: {  	s4 =	sshll.u32 @!p0 s4, $0x11;
	s6 =	sadd.s32 @!p0 $0x11B8D, s6;
	_ =	swait.eq @!p0 [sflag:s5], $0x1  }
0xb2: {  	s4 =	sor.u32 @!p0 s4, s6;
	[sflag:s5] =	ssyncadd.s32 @!p0 $0xFFFFFFFF  }
0xb3: {  	s25 =	simm.s32 $0x1B8E;
	s24 =	sld [smem:$0x3FFE];
	[sflag:s4] =	ssyncadd.remote.s32 @!p0 $0x1  }
0xb4: {  	s26 =	simm.s32 $execute0_lowered;
	[smem:$0x3FD2] =	sst s25  }
0xb5: {  	s5 =	sshll.u32 s26, $0x1;
	_ =	strace $0x8000004F;
	[dreg:$0x1] =	wrdreg $0xFFFFFFFF  }
0xb6: {  	s28 =	simm.s32 $_size_execute0_lowered;
	s3 =	sadd.s32 s3, s5;
	[dreg:$0x0] =	wrdreg $0x0  }
0xb7: {  	s5 =	sshll.u32 s28, $0x1;
	[dreg:$0x2] =	wrdreg s3  }
0xb8: {  	[dreg:$0x3] =	wrdreg s5  }
0xb9: {  	[dreg:$0x4] =	wrdreg $0xC0  }
0xba: {  	_ =	task [dreg:s22], $0x5FFFF  }
0xbb: {  	[dreg:$0x1] =	wrdreg $0xFFFFFFFF  }
0xbc: {  	[dreg:$0x0] =	wrdreg $0x60  }
0xbd: {  	[dreg:$0x2] =	wrdreg s24  }
0xbe: {  	[dreg:$0x3] =	wrdreg $0x9  }
0xbf: {  	_ =	task.clear_ibuf [dreg:s22], $0x4FFFF;
	_ =	strace $0x9000004F  }
0xc0: {  	s29 =	simm.s32 $0x9;
	_ =	strace $0x80000051  }
0xc1: {  	_ =	swait.ge [sflag:s29], $0x1  }
0xc2: {  	[sflag:s29] =	ssyncadd.s32 $0xFFFFFFFF  }
0xc3: {  	_ =	strace $0x90000051  }
0xc4: {  	_ =	sfence  }
0xc5: {  	s30 =	sld [smem:$0x0];
	_ =	sdelay $0x2  }
0xc6: {  	s31 =	sshll.u32 s1, $0xD;
	s1 =	sshrl.u32 s1, $0x2  }
0xc7: {  	s4 =	sand.u32 $0x4000, s31;
	s1 =	sadd.s32 s1, s30  }
0xc8: {  	s0 =	sor.u32 s4, s0;
	s1 =	sshll.u32 s1, $0x11  }
0xc9: {  	s0 =	sor.u32 s1, s0  }
0xca: {  	s0 =	sadd.s32 $0x8F2B, s0  }
0xcb: {  	[sflag:s0] =	ssyncadd.remote.s32 $0x1  }
0xcc: {  	_ =	sfence.sel $0xFFFF  }
0xcd: {  	[dreg:$0x0] =	wrdreg $0xFFFFFFFF;
	(pc) =	sbr.abs _section_cstart, $3  }
0xce: {  	[dreg:$0x1] =	wrdreg $0xFFFFFFFF  }
0xcf: {  	_ =	task.clear_ibuf [dreg:s22], $0x2FFFF;
	_ =	strace $0x9FFFFFFF  }
0xd0: {  	(tm) =	ssettm $0x7FFFFFFF  }
0xd1: {  	_ =	shalt  }
tec
execute0_lowered:
.L_overlay_start_1:
0x0: {  	(tag) =	ssettag $0x1  }
0x1: {  	s1 =	srdreg.scid  }
0x2: {  	s0 =	stileid.u32;
	s4 =	rddreg [dreg:$0x0];
	s2 =	simm.s32 $0x0  }
0x3: {  	s12 =	simm.s32 $0x1900;
	s13 =	simm.s32 $0x3900;
	s14 =	simm.s32 $0x1  }
0x4: {  	s15 =	simm.s32 $0x40;
	s16 =	simm.s32 $0x2;
	s17 =	simm.s32 $0x3  }
0x5: {  	s18 =	simm.s32 $0x4;
	s3 =	sand.u32 $0x1, s1;
	s1 =	rddreg [dreg:$0x1]  }
0x6: {  	s19 =	simm.s32 $0x0;
	s29 =	sshll.u32 s0, $0x1;
	[smem:$0x7FF] =	sst s2  }
0x7: {  	s8 =	sshll.u32 s0, $0x3;
	s10 =	sadd.s32 $0x707400, s4;
	s5 =	sor.u32 s3, s29  }
0x8: {  	_ =	strace $0x80000050;
	s6 =	smul.u32 $0x320, s5;
	s5 =	sand.u32 $0xF, s5  }
0x9: {  	s7 =	ssub.s32 $0x2, s3;
	s3 =	sadd.s32 $0x193E00, s4;
	s5 =	smul.u32 $0xC8000, s5  }
0xa: {  	s8 =	sand.u32 $0x40, s8;
	s9 =	sshrl.u32 s7, $0x1;
	s6 =	sadd.s32 s6, s4  }
0xb: {  	s7 =	ssub.s32 s7, s9;
	s8 =	sor.u32 s8, s5;
	s4 =	sadd.s32 $0x7000, s6  }
0xc: {  	s5 =	smax.u32 s7, $0x1;
	s30 =	sshrl.u32 s8, $0x3;
	s31 =	sadd.s32 $0xC4000, s8  }
0xd: {  	s8 =	sor.u32 $0x4000, s8;
	s6 =	sadd.s32 s30, s10;
	s9 =	sshrl.u32 s31, $0x3  }
0xe: {  	s11 =	sshrl.u32 s8, $0x3;
	s7 =	sadd.s32 $0x18000, s6;
	s8 =	sadd.s32 s10, s9  }
0xf: {  	s9 =	sadd.s32 s11, s10;
	s10 =	simm.s32 $0x5;
	s11 =	simm.s32 $0x80  }
.LBB2_1:
0x10: {  	[tilespmem:s2], [sflag:$0x5] =	stream.linear.gather [hbm4b:s4+s2], $0x1900, $0x38;
	[tilespmem:$0x5900] =	vst v63  }
0x11: {  	_ =	swait.ge [sflag:s10], $0x1900  }
0x12: {  	[sflag:s10] =	ssyncset.done $0x0  }
0x13: {  	[sflag:s10] =	ssyncadd.s32 $0xFFFFE700  }
0x14: {  	[tilespmem:s12], [sflag:$0x1] =	stream.indirect.gather [hbm4b:s3+s11], $0x40, s2, s11, $0xb8;
	[tilespmem:$0x5900] =	vst v63  }
0x15: {  	_ = 	snop  }
0x16: {  	[tilespmem:s13], [sflag:$0x2] =	stream.indirect.gather [hbm4b:s3+s11], $0x40, s11, s11, $0xb8;
	[tilespmem:$0x5900] =	vst v63  }
0x17: {  	_ =	swait.ge [sflag:s14], $0x2000  }
0x18: {  	[sflag:s14] =	ssyncset.done $0x0  }
0x19: {  	s20 =	sadd.s32 $0x0, s6;
	[sflag:s14] =	ssyncadd.s32 $0xFFFFE000  }
0x1a: {  	[hbm4b:s20+s15] =	stream.strided.scatter [tilespmem:s12], [sflag:$0x3], $0x2000, s11, s15, $0x38;
	[tilespmem:$0x5900] =	vst v63  }
0x1b: {  	_ =	swait.ge [sflag:s16], $0x2000  }
0x1c: {  	[sflag:s16] =	ssyncset.done $0x0  }
0x1d: {  	s30 =	sadd.s32 $0x0, s9;
	[sflag:s16] =	ssyncadd.s32 $0xFFFFE000  }
0x1e: {  	[hbm4b:s30+s15] =	stream.strided.scatter [tilespmem:s13], [sflag:$0x4], $0x2000, s11, s15, $0x38;
	[tilespmem:$0x5900] =	vst v63  }
0x1f: {  	_ =	swait.ge [sflag:s17], $0x2000  }
0x20: {  	[sflag:s17] =	ssyncset.done $0x0  }
0x21: {  	s31 =	simm.s32 $0x100;
	[sflag:s17] =	ssyncadd.s32 $0xFFFFE000  }
0x22: {  	[tilespmem:s12], [sflag:$0x1] =	stream.indirect.gather [hbm4b:s3+s11], $0x40, s31, s11, $0xb8;
	[tilespmem:$0x5900] =	vst v63  }
0x23: {  	_ =	swait.ge [sflag:s18], $0x2000  }
0x24: {  	s21 =	simm.s32 $0x1000;
	[sflag:s18] =	ssyncset.done $0x0  }
0x25: {  	s22 =	simm.s32 $0x280;
	s20 =	simm.s32 $0x180;
	[sflag:s18] =	ssyncadd.s32 $0xFFFFE000  }
.LBB2_2:
0x26: {  	[tilespmem:s13], [sflag:$0x2] =	stream.indirect.gather [hbm4b:s3+s11], $0x40, s20, s11, $0xb8;
	[tilespmem:$0x5900] =	vst v63  }
0x27: {  	s23 =	smov.u32 s21;
	s20 =	smov.u32 s22  }
0x28: {  	p0 =	sne.s32 s21, $0x17000;
	s21 =	sadd.s32 $0x1000, s21;
	_ =	swait.ge [sflag:s14], $0x2000  }
0x29: {  	[sflag:s14] =	ssyncset.done $0x0  }
0x2a: {  	s24 =	sadd.s32 s23, s6;
	[sflag:s14] =	ssyncadd.s32 $0xFFFFE000  }
0x2b: {  	[hbm4b:s24+s15] =	stream.strided.scatter [tilespmem:s12], [sflag:$0x3], $0x2000, s11, s15, $0x38;
	[tilespmem:$0x5900] =	vst v63  }
0x2c: {  	_ =	swait.ge [sflag:s16], $0x2000  }
0x2d: {  	[sflag:s16] =	ssyncset.done $0x0  }
0x2e: {  	s23 =	sadd.s32 s23, s9;
	[sflag:s16] =	ssyncadd.s32 $0xFFFFE000  }
0x2f: {  	[hbm4b:s23+s15] =	stream.strided.scatter [tilespmem:s13], [sflag:$0x4], $0x2000, s11, s15, $0x38;
	[tilespmem:$0x5900] =	vst v63  }
0x30: {  	_ =	swait.ge [sflag:s17], $0x2000  }
0x31: {  	[sflag:s17] =	ssyncset.done $0x0  }
.Ltmp0:
0x32: {  	s23 =	sadd.s32 $0xFFFFFF80, s22;
	[sflag:s17] =	ssyncadd.s32 $0xFFFFE000;
	(pc) =	sbr.rel @p0 .LBB2_2-.Ltmp0, $4  }
0x33: {  	[tilespmem:s12], [sflag:$0x1] =	stream.indirect.gather [hbm4b:s3+s11], $0x40, s23, s11, $0xb8;
	[tilespmem:$0x5900] =	vst v63  }
0x34: {  	_ =	swait.ge [sflag:s18], $0x2000  }
0x35: {  	[sflag:s18] =	ssyncset.done $0x0  }
0x36: {  	s22 =	sadd.s32 $0x100, s22;
	[sflag:s18] =	ssyncadd.s32 $0xFFFFE000  }
0x37: {  	[tilespmem:s13], [sflag:$0x2] =	stream.indirect.gather [hbm4b:s3+s11], $0x40, s20, s11, $0xb8;
	[tilespmem:$0x5900] =	vst v63  }
0x38: {  	_ =	swait.ge [sflag:s14], $0x2000  }
0x39: {  	[sflag:s14] =	ssyncset.done $0x0  }
0x3a: {  	[sflag:s14] =	ssyncadd.s32 $0xFFFFE000  }
0x3b: {  	[hbm4b:s7+s15] =	stream.strided.scatter [tilespmem:s12], [sflag:$0x3], $0x2000, s11, s15, $0x38;
	[tilespmem:$0x5900] =	vst v63  }
0x3c: {  	_ =	swait.ge [sflag:s16], $0x2000  }
0x3d: {  	[sflag:s16] =	ssyncset.done $0x0  }
0x3e: {  	s19 =	sadd.s32 $0x1, s19;
	[sflag:s16] =	ssyncadd.s32 $0xFFFFE000  }
0x3f: {  	[hbm4b:s8+s15] =	stream.strided.scatter [tilespmem:s13], [sflag:$0x4], $0x2000, s11, s15, $0x38;
	[tilespmem:$0x5900] =	vst v63  }
0x40: {  	p0 =	sne.s32 s19, s5;
	_ =	swait.ge [sflag:s17], $0x2000  }
.Ltmp1:
0x41: {  	[sflag:s17] =	ssyncset.done $0x0;
	(pc) =	sbr.rel @p0 .LBB2_1-.Ltmp1, $4  }
0x42: {  	[sflag:s17] =	ssyncadd.s32 $0xFFFFE000  }
0x43: {  	_ =	swait.ge [sflag:s18], $0x2000  }
0x44: {  	[sflag:s18] =	ssyncset.done $0x0  }
0x45: {  	[sflag:s18] =	ssyncadd.s32 $0xFFFFE000  }
0x46: {  	_ =	sfence.sel $0x180000  }
0x47: {  	[bflag:$0x0] =	sbarrier.arrive $0xFFFF  }
0x48: {  	p0 =	sne.s32 s0, $0x0;
	_ =	strace $0x90000050  }
0x49: {  	s0 =	sadd.s32 @!p0 $0x100000, s1;
	[bflag:$0x2] =	sbarrier.arrive $0xFFFF  }
0x4a: {  	[sflag:s0] =	ssyncadd.tile.s32 @!p0 $0x1;
	_ =	shalt  }
.Lfunc_end2:
_tile_overlayer_lowered:
.L_overlay_start_2:
0x4b: {  	(tag) =	ssettag $0x2  }
0x4c: {  	s0 =	rddreg [dreg:$0x0];
	s2 =	stileid.u32  }
0x4d: {  	s1 =	rddreg [dreg:$0x1];
	p0 =	sne.s32 s2, $0x0  }
0x4e: {  	s3 =	rddreg [dreg:$0x2];
	[bflag:$0x3] =	sbarrier.arrive $0xFFFF;
	s2 =	simm.s32 @!p0 $0x1C05  }
0x4f: {  	[timem:s3], [sflag:s2] =	dma.local @!p0 [hbm:s0], s1  }
0x50: {  	s0 =	simm.s32 @!p0 $0x5  }
0x51: {  	_ =	swait.ge @!p0 [sflag:s0], s1  }
0x52: {  	s1 =	ssub.s32 @!p0 $0x0, s1;
	[sflag:s0] =	ssyncset.done @!p0 $0x0  }
0x53: {  	[sflag:s0] =	ssyncadd.s32 @!p0 s1  }
0x54: {  	[bflag:$0x3] =	sbarrier.arrive $0xFFFF  }
0x55: {  	_ =	shalt  }

// kernel: kernel.14.cloned.1.call-start
scs
__scs_entry_jumppad:
0x0: {  	(pc) =	sbr.rel $0x88, $3  }
0x1: {  	(tag) =	ssettag $0x0;
	lr =	simm.s32 $0x1  }
0x2: {  	[smem:$0x3F9B] =	sst lr;
	_ =	strace $0xD0000000  }
0x3: {  	_ = 	snop  }
0x4: {  	_ = 	snop  }
0x5: {  	_ = 	snop  }
0x6: {  	_ = 	snop  }
0x7: {  	_ = 	snop  }
__scs_overlays_trampoline_lowered:
0x8: {  	[smem:$0x3FAA] =	sst s0  }
0x9: {  	[smem:$0x3FAB] =	sst s1  }
0xa: {  	[smem:$0x3FAC] =	sst s2  }
0xb: {  	[smem:$0x3FAD] =	sst s3  }
0xc: {  	[smem:$0x3FAE] =	sst s4  }
0xd: {  	[smem:$0x3FAF] =	sst s5  }
0xe: {  	[smem:$0x3FB0] =	sst s6  }
0xf: {  	[smem:$0x3FB1] =	sst s7  }
0x10: {  	[smem:$0x3FB2] =	sst s8  }
0x11: {  	[smem:$0x3FB3] =	sst s9;
	s0 =	simm.s32 @!p0 $0x0  }
0x12: {  	s1 =	sld [smem:$0x3F99];
	s0 =	simm.s32 @p0 $0x1  }
0x13: {  	[smem:$0x3FB4] =	sst s0;
	s0 =	simm.s32 @!p1 $0x0  }
0x14: {  	s2 =	sld [smem:$0x3F98];
	s0 =	simm.s32 @p1 $0x1  }
0x15: {  	[smem:$0x3FB5] =	sst s0;
	s0 =	simm.s32 @!p2 $0x0  }
0x16: {  	s3 =	sld [smem:$0x3FDB];
	s0 =	simm.s32 @p2 $0x1  }
0x17: {  	s4 =	simm.s32 $0x1BF5;
	[smem:$0x3FB7] =	sst s0  }
0x18: {  	s0 =	sld [smem:$0x3F9A];
	_ =	swait.ge [sflag:s4], $0x0  }
0x19: {  	s7 =	sld [smem:$0x3F9B]  }
0x1a: {  	s8 =	sadd.s32 $0xFFFFE003, lr  }
0x1b: {  	s9 =	sadd.s32 $0xFFFFFEF7, lr;
	s5 =	simm.s32 $0xFFFFFFFF;
	p2 =	slt.u32 s8, $0xFFFFF086  }
0x1c: {  	p1 =	slt.u32 s9, $0xF7A;
	s5 =	simm.s32 @!p2 $0x0  }
0x1d: {  	s5 =	simm.s32 @p1 $0x1;
	p0 =	seq.s32 s7, s2  }
0x1e: {  	s7 =	smul.u32 @!p0 $0xF7A, s2;
	p2 =	seq.s32 @!p0 s5, $0x0  }
0x1f: {  	s9 =	smul.u32 $0xF7A, s1;
	s8 =	simm.s32 @!p0 $0x1BF5;
	p2 =	por !p2, p0  }
0x20: {  	[sflag:s8] =	ssyncset.s32 @!p0 $0xFFFFF086;
	s6 =	sadd.s32 @!p0 s3, s7;
	s7 =	simm.s32 @!p0 $0x108  }
0x21: {  	s3 =	sadd.s32 s3, s9;
	s6 =	sadd.s32 @!p0 $0x88, s6;
	s7 =	simm.s32 @p2 $0x1082  }
0x22: {  	[simem:s7], [sflag:s8] =	dma.local @!p0 [hbm:s6], $0xF7A  }
0x23: {  	s9 =	sor.u32 $0xD0000000, s2;
	s6 =	simm.s32 $0x108;
	_ =	swait.ge @!p0 [sflag:s8], $0x0  }
0x24: {  	s3 =	sadd.s32 $0x88, s3;
	s6 =	simm.s32 @!p1 $0x1082;
	[sflag:s4] =	ssyncset.s32 $0xFFFFF086  }
0x25: {  	[simem:s6], [sflag:s4] =	dma.local [hbm:s3], $0xF7A  }
0x26: {  	[smem:$0x3F9B] =	sst s1;
	(tag) =	ssettag s2;
	_ =	strace s9  }
0x27: {  	s1 =	sld [smem:$0x3FAB]  }
0x28: {  	s2 =	sld [smem:$0x3FAC]  }
0x29: {  	s4 =	sld [smem:$0x3FAE]  }
0x2a: {  	p0 =	seq.s32 s5, $0x0;
	s5 =	sld [smem:$0x3FAF]  }
0x2b: {  	s6 =	sld [smem:$0x3FB0]  }
0x2c: {  	s7 =	sld [smem:$0x3FB1]  }
0x2d: {  	s3 =	simm.s32 $0x108;
	s8 =	sld [smem:$0x3FB2]  }
0x2e: {  	s3 =	simm.s32 @!p0 $0x1082;
	s9 =	sld [smem:$0x3FB3]  }
0x2f: {  	lr =	sadd.s32 s0, s3;
	s0 =	sld [smem:$0x3FAA]  }
0x30: {  	s3 =	sld [smem:$0x3FAD]  }
0x31: {  	[smem:$0x3FB6] =	sst s10  }
0x32: {  	s10 =	sld [smem:$0x3FB4];
	_ =	sdelay $0x3  }
0x33: {  	p0 =	seq.s32 s10, $0x1;
	s10 =	sld [smem:$0x3FB6];
	_ =	sdelay $0x3  }
0x34: {  	[smem:$0x3FB6] =	sst s10  }
0x35: {  	s10 =	sld [smem:$0x3FB5];
	_ =	sdelay $0x3  }
0x36: {  	p1 =	seq.s32 s10, $0x1;
	s10 =	sld [smem:$0x3FB6];
	_ =	sdelay $0x3  }
0x37: {  	[smem:$0x3FB6] =	sst s10  }
0x38: {  	s10 =	sld [smem:$0x3FB7]  }
0x39: {  	_ = 	snop;
	(pc) =	sbr.ind lr, $3  }
0x3a: {  	_ = 	snop  }
0x3b: {  	_ = 	snop  }
0x3c: {  	p2 =	seq.s32 s10, $0x1;
	s10 =	sld [smem:$0x3FB6]  }
0x3d: {  	_ =	shalt  }
0x3e: {  	_ =	shalt  }
0x3f: {  	_ =	shalt  }
0x40: {  	_ =	shalt  }
0x41: {  	_ =	shalt  }
0x42: {  	_ =	shalt  }
0x43: {  	_ =	shalt  }
0x44: {  	_ =	shalt  }
0x45: {  	_ =	shalt  }
0x46: {  	_ =	shalt  }
0x47: {  	_ =	shalt  }
0x48: {  	_ =	shalt  }
0x49: {  	_ =	shalt  }
0x4a: {  	_ =	shalt  }
0x4b: {  	_ =	shalt  }
0x4c: {  	_ =	shalt  }
0x4d: {  	_ =	shalt  }
0x4e: {  	_ =	shalt  }
0x4f: {  	_ =	shalt  }
0x50: {  	_ =	shalt  }
0x51: {  	_ =	shalt  }
0x52: {  	_ =	shalt  }
0x53: {  	_ =	shalt  }
0x54: {  	_ =	shalt  }
0x55: {  	_ =	shalt  }
0x56: {  	_ =	shalt  }
0x57: {  	_ =	shalt  }
0x58: {  	_ =	shalt  }
0x59: {  	_ =	shalt  }
0x5a: {  	_ =	shalt  }
0x5b: {  	_ =	shalt  }
0x5c: {  	_ =	shalt  }
0x5d: {  	_ =	shalt  }
0x5e: {  	_ =	shalt  }
0x5f: {  	_ =	shalt  }
0x60: {  	_ =	shalt  }
0x61: {  	_ =	shalt  }
0x62: {  	_ =	shalt  }
0x63: {  	_ =	shalt  }
0x64: {  	_ =	shalt  }
0x65: {  	_ =	shalt  }
0x66: {  	_ =	shalt  }
0x67: {  	_ =	shalt  }
0x68: {  	_ =	shalt  }
0x69: {  	_ =	shalt  }
0x6a: {  	_ =	shalt  }
0x6b: {  	_ =	shalt  }
0x6c: {  	_ =	shalt  }
0x6d: {  	_ =	shalt  }
0x6e: {  	_ =	shalt  }
0x6f: {  	_ =	shalt  }
0x70: {  	_ =	shalt  }
0x71: {  	_ =	shalt  }
0x72: {  	_ =	shalt  }
0x73: {  	_ =	shalt  }
0x74: {  	_ =	shalt  }
0x75: {  	_ =	shalt  }
0x76: {  	_ =	shalt  }
0x77: {  	_ =	shalt  }
0x78: {  	_ =	shalt  }
0x79: {  	_ =	shalt  }
0x7a: {  	_ =	shalt  }
0x7b: {  	_ =	shalt  }
0x7c: {  	_ =	shalt  }
0x7d: {  	_ =	shalt  }
0x7e: {  	_ =	shalt  }
0x7f: {  	_ =	shalt  }
0x80: {  	_ =	shalt  }
0x81: {  	_ =	shalt  }
0x82: {  	_ =	shalt  }
0x83: {  	_ =	shalt  }
0x84: {  	_ =	shalt  }
0x85: {  	_ =	shalt  }
0x86: {  	_ =	shalt  }
0x87: {  	_ =	shalt  }
.Lfunc_end0:
.L_simem_size_0:
called_computation.1_lowered:
.L_overlay_start_0:
0x88: {  	s2 =	sld [smem:$0x3FD9]  }
0x89: {  	s3 =	sld [smem:$0x3FFE];
	_ =	sdelay $0x1  }
0x8a: {  	s1 =	srdreg.scid  }
0x8b: {  	s0 =	sand.u32 $0x1, s1  }
0x8c: {  	s17 =	sshll.u32 s0, $0xA;
	s2 =	sadd.s32 s3, s2  }
0x8d: {  	s2 =	sadd.s32 s2, s17  }
0x8e: {  	[smem:$0x3FC2] =	sst s2  }
0x8f: {  	_ = 	snop  }
0x90: {  	(tm) =	ssettm $0x1  }
0x91: {  	s18 =	sld [smem:$0x3FFB];
	_ =	sdelay $0x3  }
0x92: {  	_ =	strace s18  }
0x93: {  	s2 =	sld [smem:$0x3FFC];
	_ =	sdelay $0x3  }
0x94: {  	_ =	strace s2  }
0x95: {  	s2 =	sld [smem:$0x3FFD];
	_ =	sdelay $0x3  }
0x96: {  	_ =	strace s2  }
0x97: {  	_ =	strace $0x8FFFFFFF  }
0x98: {  	s19 =	sld [smem:$0x3FDB];
	_ =	sdelay $0x1  }
0x99: {  	s20 =	simm.s32 $_scs_section_size  }
0x9a: {  	s4 =	simm.s32 $_size__tile_overlayer_lowered;
	s5 =	simm.s32 $_tile_overlayer_lowered  }
0x9b: {  	s6 =	simm.s32 $0x1BFF;
	s21 =	sshll.u32 s5, $0x1;
	s3 =	sadd.s32 s20, s19  }
0x9c: {  	s22 =	simm.s32 $0x0;
	s4 =	sshll.u32 s4, $0x1;
	s5 =	sadd.s32 s21, s3  }
0x9d: {  	[timem:s22], [sflag:s6] =	dma.local [hbm:s5], s4  }
0x9e: {  	_ =	swait.ge [sflag:s6], s4  }
0x9f: {  	s4 =	ssub.s32 $0x0, s4;
	[sflag:s6] =	ssyncset.done $0x0  }
0xa0: {  	[sflag:s6] =	ssyncadd.s32 s4;
	_ =	sdelay $0x1  }
0xa1: {  	s23 =	simm.s32 $0x1B8B  }
0xa2: {  	_ =	swait.ge [sflag:s23], $0x1  }
0xa3: {  	[sflag:s23] =	ssyncset.done $0x0  }
0xa4: {  	[sflag:s23] =	ssyncadd.s32 $0xFFFFFFFF  }
0xa5: {  	s4 =	sld [smem:$0x0]  }
0xa6: {  	s5 =	sand.u32 $0xFFFFFFFE, s1  }
0xa7: {  	p0 =	sne.s32 s1, s5  }
0xa8: {  	s5 =	sshll.u32 @p0 s5, $0xE  }
0xa9: {  	s5 =	sadd.s32 @p0 $0x11B8D, s5;
	s6 =	sshll.u32 @p0 s4, $0x11  }
0xaa: {  	s5 =	sor.u32 @p0 s6, s5  }
0xab: {  	[sflag:s5] =	ssyncadd.remote.s32 @p0 $0x1;
	_ =	sdelay $0x1  }
0xac: {  	s5 =	simm.s32 @p0 $0x1B8D  }
0xad: {  	_ =	swait.eq @p0 [sflag:s5], $0x1  }
0xae: {  	[sflag:s5] =	ssyncadd.s32 @p0 $0xFFFFFFFF  }
0xaf: {  	s6 =	sshll.u32 @!p0 s1, $0xE  }
0xb0: {  	s6 =	sor.u32 @!p0 $0x4000, s6;
	s5 =	simm.s32 @!p0 $0x1B8D  }
0xb1: {  	s4 =	sshll.u32 @!p0 s4, $0x11;
	s6 =	sadd.s32 @!p0 $0x11B8D, s6;
	_ =	swait.eq @!p0 [sflag:s5], $0x1  }
0xb2: {  	s4 =	sor.u32 @!p0 s4, s6;
	[sflag:s5] =	ssyncadd.s32 @!p0 $0xFFFFFFFF  }
0xb3: {  	s25 =	simm.s32 $0x1B8E;
	s24 =	sld [smem:$0x3FFE];
	[sflag:s4] =	ssyncadd.remote.s32 @!p0 $0x1  }
0xb4: {  	s26 =	simm.s32 $execute0_lowered;
	[smem:$0x3FD2] =	sst s25  }
0xb5: {  	s5 =	sshll.u32 s26, $0x1;
	_ =	strace $0x8000004C;
	[dreg:$0x1] =	wrdreg $0xFFFFFFFF  }
0xb6: {  	s28 =	simm.s32 $_size_execute0_lowered;
	s3 =	sadd.s32 s3, s5;
	[dreg:$0x0] =	wrdreg $0x0  }
0xb7: {  	s5 =	sshll.u32 s28, $0x1;
	[dreg:$0x2] =	wrdreg s3  }
0xb8: {  	[dreg:$0x3] =	wrdreg s5  }
0xb9: {  	[dreg:$0x4] =	wrdreg $0xC0  }
0xba: {  	_ =	task [dreg:s22], $0x5FFFF  }
0xbb: {  	[dreg:$0x1] =	wrdreg $0xFFFFFFFF  }
0xbc: {  	[dreg:$0x0] =	wrdreg $0x60  }
0xbd: {  	[dreg:$0x2] =	wrdreg s24  }
0xbe: {  	[dreg:$0x3] =	wrdreg $0xA  }
0xbf: {  	_ =	task.clear_ibuf [dreg:s22], $0x4FFFF;
	_ =	strace $0x9000004C  }
0xc0: {  	s29 =	simm.s32 $0xA;
	_ =	strace $0x8000004E  }
0xc1: {  	_ =	swait.ge [sflag:s29], $0x1  }
0xc2: {  	[sflag:s29] =	ssyncadd.s32 $0xFFFFFFFF  }
0xc3: {  	_ =	strace $0x9000004E  }
0xc4: {  	_ =	sfence  }
0xc5: {  	s30 =	sld [smem:$0x0];
	_ =	sdelay $0x2  }
0xc6: {  	s31 =	sshll.u32 s1, $0xD;
	s1 =	sshrl.u32 s1, $0x2  }
0xc7: {  	s4 =	sand.u32 $0x4000, s31;
	s1 =	sadd.s32 s1, s30  }
0xc8: {  	s0 =	sor.u32 s4, s0;
	s1 =	sshll.u32 s1, $0x11  }
0xc9: {  	s0 =	sor.u32 s1, s0  }
0xca: {  	s0 =	sadd.s32 $0x8F2B, s0  }
0xcb: {  	[sflag:s0] =	ssyncadd.remote.s32 $0x1  }
0xcc: {  	_ =	sfence.sel $0xFFFF  }
0xcd: {  	[dreg:$0x0] =	wrdreg $0xFFFFFFFF;
	(pc) =	sbr.abs _section_cstart, $3  }
0xce: {  	[dreg:$0x1] =	wrdreg $0xFFFFFFFF  }
0xcf: {  	_ =	task.clear_ibuf [dreg:s22], $0x2FFFF;
	_ =	strace $0x9FFFFFFF  }
0xd0: {  	(tm) =	ssettm $0x7FFFFFFF  }
0xd1: {  	_ =	shalt  }
tec
execute0_lowered:
.L_overlay_start_1:
0x0: {  	(tag) =	ssettag $0x1  }
0x1: {  	s1 =	srdreg.scid  }
0x2: {  	s0 =	stileid.u32;
	s4 =	rddreg [dreg:$0x0];
	s2 =	simm.s32 $0x0  }
0x3: {  	s12 =	simm.s32 $0x1900;
	s13 =	simm.s32 $0x3900;
	s14 =	simm.s32 $0x1  }
0x4: {  	s15 =	simm.s32 $0x40;
	s16 =	simm.s32 $0x2;
	s17 =	simm.s32 $0x3  }
0x5: {  	s18 =	simm.s32 $0x4;
	s3 =	sand.u32 $0x1, s1;
	s1 =	rddreg [dreg:$0x1]  }
0x6: {  	s19 =	simm.s32 $0x0;
	s29 =	sshll.u32 s0, $0x1;
	[smem:$0x7FF] =	sst s2  }
0x7: {  	s8 =	sshll.u32 s0, $0x3;
	s10 =	sadd.s32 $0x577400, s4;
	s5 =	sor.u32 s3, s29  }
0x8: {  	_ =	strace $0x8000004D;
	s6 =	smul.u32 $0x320, s5;
	s5 =	sand.u32 $0xF, s5  }
0x9: {  	s7 =	ssub.s32 $0x2, s3;
	s3 =	sadd.s32 $0x193E00, s4;
	s5 =	smul.u32 $0xC8000, s5  }
0xa: {  	s8 =	sand.u32 $0x40, s8;
	s9 =	sshrl.u32 s7, $0x1;
	s6 =	sadd.s32 s6, s4  }
0xb: {  	s7 =	ssub.s32 s7, s9;
	s8 =	sor.u32 s8, s5;
	s4 =	sadd.s32 $0xC00, s6  }
0xc: {  	s5 =	smax.u32 s7, $0x1;
	s30 =	sshrl.u32 s8, $0x3;
	s31 =	sadd.s32 $0xC4000, s8  }
0xd: {  	s8 =	sor.u32 $0x4000, s8;
	s6 =	sadd.s32 s30, s10;
	s9 =	sshrl.u32 s31, $0x3  }
0xe: {  	s11 =	sshrl.u32 s8, $0x3;
	s7 =	sadd.s32 $0x18000, s6;
	s8 =	sadd.s32 s10, s9  }
0xf: {  	s9 =	sadd.s32 s11, s10;
	s10 =	simm.s32 $0x5;
	s11 =	simm.s32 $0x80  }
.LBB2_1:
0x10: {  	[tilespmem:s2], [sflag:$0x5] =	stream.linear.gather [hbm4b:s4+s2], $0x1900, $0x38;
	[tilespmem:$0x5900] =	vst v63  }
0x11: {  	_ =	swait.ge [sflag:s10], $0x1900  }
0x12: {  	[sflag:s10] =	ssyncset.done $0x0  }
0x13: {  	[sflag:s10] =	ssyncadd.s32 $0xFFFFE700  }
0x14: {  	[tilespmem:s12], [sflag:$0x1] =	stream.indirect.gather [hbm4b:s3+s11], $0x40, s2, s11, $0xb8;
	[tilespmem:$0x5900] =	vst v63  }
0x15: {  	_ = 	snop  }
0x16: {  	[tilespmem:s13], [sflag:$0x2] =	stream.indirect.gather [hbm4b:s3+s11], $0x40, s11, s11, $0xb8;
	[tilespmem:$0x5900] =	vst v63  }
0x17: {  	_ =	swait.ge [sflag:s14], $0x2000  }
0x18: {  	[sflag:s14] =	ssyncset.done $0x0  }
0x19: {  	s20 =	sadd.s32 $0x0, s6;
	[sflag:s14] =	ssyncadd.s32 $0xFFFFE000  }
0x1a: {  	[hbm4b:s20+s15] =	stream.strided.scatter [tilespmem:s12], [sflag:$0x3], $0x2000, s11, s15, $0x38;
	[tilespmem:$0x5900] =	vst v63  }
0x1b: {  	_ =	swait.ge [sflag:s16], $0x2000  }
0x1c: {  	[sflag:s16] =	ssyncset.done $0x0  }
0x1d: {  	s30 =	sadd.s32 $0x0, s9;
	[sflag:s16] =	ssyncadd.s32 $0xFFFFE000  }
0x1e: {  	[hbm4b:s30+s15] =	stream.strided.scatter [tilespmem:s13], [sflag:$0x4], $0x2000, s11, s15, $0x38;
	[tilespmem:$0x5900] =	vst v63  }
0x1f: {  	_ =	swait.ge [sflag:s17], $0x2000  }
0x20: {  	[sflag:s17] =	ssyncset.done $0x0  }
0x21: {  	s31 =	simm.s32 $0x100;
	[sflag:s17] =	ssyncadd.s32 $0xFFFFE000  }
0x22: {  	[tilespmem:s12], [sflag:$0x1] =	stream.indirect.gather [hbm4b:s3+s11], $0x40, s31, s11, $0xb8;
	[tilespmem:$0x5900] =	vst v63  }
0x23: {  	_ =	swait.ge [sflag:s18], $0x2000  }
0x24: {  	s21 =	simm.s32 $0x1000;
	[sflag:s18] =	ssyncset.done $0x0  }
0x25: {  	s22 =	simm.s32 $0x280;
	s20 =	simm.s32 $0x180;
	[sflag:s18] =	ssyncadd.s32 $0xFFFFE000  }
.LBB2_2:
0x26: {  	[tilespmem:s13], [sflag:$0x2] =	stream.indirect.gather [hbm4b:s3+s11], $0x40, s20, s11, $0xb8;
	[tilespmem:$0x5900] =	vst v63  }
0x27: {  	s23 =	smov.u32 s21;
	s20 =	smov.u32 s22  }
0x28: {  	p0 =	sne.s32 s21, $0x17000;
	s21 =	sadd.s32 $0x1000, s21;
	_ =	swait.ge [sflag:s14], $0x2000  }
0x29: {  	[sflag:s14] =	ssyncset.done $0x0  }
0x2a: {  	s24 =	sadd.s32 s23, s6;
	[sflag:s14] =	ssyncadd.s32 $0xFFFFE000  }
0x2b: {  	[hbm4b:s24+s15] =	stream.strided.scatter [tilespmem:s12], [sflag:$0x3], $0x2000, s11, s15, $0x38;
	[tilespmem:$0x5900] =	vst v63  }
0x2c: {  	_ =	swait.ge [sflag:s16], $0x2000  }
0x2d: {  	[sflag:s16] =	ssyncset.done $0x0  }
0x2e: {  	s23 =	sadd.s32 s23, s9;
	[sflag:s16] =	ssyncadd.s32 $0xFFFFE000  }
0x2f: {  	[hbm4b:s23+s15] =	stream.strided.scatter [tilespmem:s13], [sflag:$0x4], $0x2000, s11, s15, $0x38;
	[tilespmem:$0x5900] =	vst v63  }
0x30: {  	_ =	swait.ge [sflag:s17], $0x2000  }
0x31: {  	[sflag:s17] =	ssyncset.done $0x0  }
.Ltmp0:
0x32: {  	s23 =	sadd.s32 $0xFFFFFF80, s22;
	[sflag:s17] =	ssyncadd.s32 $0xFFFFE000;
	(pc) =	sbr.rel @p0 .LBB2_2-.Ltmp0, $4  }
0x33: {  	[tilespmem:s12], [sflag:$0x1] =	stream.indirect.gather [hbm4b:s3+s11], $0x40, s23, s11, $0xb8;
	[tilespmem:$0x5900] =	vst v63  }
0x34: {  	_ =	swait.ge [sflag:s18], $0x2000  }
0x35: {  	[sflag:s18] =	ssyncset.done $0x0  }
0x36: {  	s22 =	sadd.s32 $0x100, s22;
	[sflag:s18] =	ssyncadd.s32 $0xFFFFE000  }
0x37: {  	[tilespmem:s13], [sflag:$0x2] =	stream.indirect.gather [hbm4b:s3+s11], $0x40, s20, s11, $0xb8;
	[tilespmem:$0x5900] =	vst v63  }
0x38: {  	_ =	swait.ge [sflag:s14], $0x2000  }
0x39: {  	[sflag:s14] =	ssyncset.done $0x0  }
0x3a: {  	[sflag:s14] =	ssyncadd.s32 $0xFFFFE000  }
0x3b: {  	[hbm4b:s7+s15] =	stream.strided.scatter [tilespmem:s12], [sflag:$0x3], $0x2000, s11, s15, $0x38;
	[tilespmem:$0x5900] =	vst v63  }
0x3c: {  	_ =	swait.ge [sflag:s16], $0x2000  }
0x3d: {  	[sflag:s16] =	ssyncset.done $0x0  }
0x3e: {  	s19 =	sadd.s32 $0x1, s19;
	[sflag:s16] =	ssyncadd.s32 $0xFFFFE000  }
0x3f: {  	[hbm4b:s8+s15] =	stream.strided.scatter [tilespmem:s13], [sflag:$0x4], $0x2000, s11, s15, $0x38;
	[tilespmem:$0x5900] =	vst v63  }
0x40: {  	p0 =	sne.s32 s19, s5;
	_ =	swait.ge [sflag:s17], $0x2000  }
.Ltmp1:
0x41: {  	[sflag:s17] =	ssyncset.done $0x0;
	(pc) =	sbr.rel @p0 .LBB2_1-.Ltmp1, $4  }
0x42: {  	[sflag:s17] =	ssyncadd.s32 $0xFFFFE000  }
0x43: {  	_ =	swait.ge [sflag:s18], $0x2000  }
0x44: {  	[sflag:s18] =	ssyncset.done $0x0  }
0x45: {  	[sflag:s18] =	ssyncadd.s32 $0xFFFFE000  }
0x46: {  	_ =	sfence.sel $0x180000  }
0x47: {  	[bflag:$0x0] =	sbarrier.arrive $0xFFFF  }
0x48: {  	p0 =	sne.s32 s0, $0x0;
	_ =	strace $0x9000004D  }
0x49: {  	s0 =	sadd.s32 @!p0 $0x100000, s1;
	[bflag:$0x2] =	sbarrier.arrive $0xFFFF  }
0x4a: {  	[sflag:s0] =	ssyncadd.tile.s32 @!p0 $0x1;
	_ =	shalt  }
.Lfunc_end2:
_tile_overlayer_lowered:
.L_overlay_start_2:
0x4b: {  	(tag) =	ssettag $0x2  }
0x4c: {  	s0 =	rddreg [dreg:$0x0];
	s2 =	stileid.u32  }
0x4d: {  	s1 =	rddreg [dreg:$0x1];
	p0 =	sne.s32 s2, $0x0  }
0x4e: {  	s3 =	rddreg [dreg:$0x2];
	[bflag:$0x3] =	sbarrier.arrive $0xFFFF;
	s2 =	simm.s32 @!p0 $0x1C05  }
0x4f: {  	[timem:s3], [sflag:s2] =	dma.local @!p0 [hbm:s0], s1  }
0x50: {  	s0 =	simm.s32 @!p0 $0x5  }
0x51: {  	_ =	swait.ge @!p0 [sflag:s0], s1  }
0x52: {  	s1 =	ssub.s32 @!p0 $0x0, s1;
	[sflag:s0] =	ssyncset.done @!p0 $0x0  }
0x53: {  	[sflag:s0] =	ssyncadd.s32 @!p0 s1  }
0x54: {  	[bflag:$0x3] =	sbarrier.arrive $0xFFFF  }
0x55: {  	_ =	shalt  }

// kernel: kernel.17.cloned.1.call-start
scs
__scs_entry_jumppad:
0x0: {  	(pc) =	sbr.rel $0x88, $3  }
0x1: {  	(tag) =	ssettag $0x0;
	lr =	simm.s32 $0x1  }
0x2: {  	[smem:$0x3F9B] =	sst lr;
	_ =	strace $0xD0000000  }
0x3: {  	_ = 	snop  }
0x4: {  	_ = 	snop  }
0x5: {  	_ = 	snop  }
0x6: {  	_ = 	snop  }
0x7: {  	_ = 	snop  }
__scs_overlays_trampoline_lowered:
0x8: {  	[smem:$0x3FAA] =	sst s0  }
0x9: {  	[smem:$0x3FAB] =	sst s1  }
0xa: {  	[smem:$0x3FAC] =	sst s2  }
0xb: {  	[smem:$0x3FAD] =	sst s3  }
0xc: {  	[smem:$0x3FAE] =	sst s4  }
0xd: {  	[smem:$0x3FAF] =	sst s5  }
0xe: {  	[smem:$0x3FB0] =	sst s6  }
0xf: {  	[smem:$0x3FB1] =	sst s7  }
0x10: {  	[smem:$0x3FB2] =	sst s8  }
0x11: {  	[smem:$0x3FB3] =	sst s9;
	s0 =	simm.s32 @!p0 $0x0  }
0x12: {  	s1 =	sld [smem:$0x3F99];
	s0 =	simm.s32 @p0 $0x1  }
0x13: {  	[smem:$0x3FB4] =	sst s0;
	s0 =	simm.s32 @!p1 $0x0  }
0x14: {  	s2 =	sld [smem:$0x3F98];
	s0 =	simm.s32 @p1 $0x1  }
0x15: {  	[smem:$0x3FB5] =	sst s0;
	s0 =	simm.s32 @!p2 $0x0  }
0x16: {  	s3 =	sld [smem:$0x3FDB];
	s0 =	simm.s32 @p2 $0x1  }
0x17: {  	s4 =	simm.s32 $0x1BF5;
	[smem:$0x3FB7] =	sst s0  }
0x18: {  	s0 =	sld [smem:$0x3F9A];
	_ =	swait.ge [sflag:s4], $0x0  }
0x19: {  	s7 =	sld [smem:$0x3F9B]  }
0x1a: {  	s8 =	sadd.s32 $0xFFFFE003, lr  }
0x1b: {  	s9 =	sadd.s32 $0xFFFFFEF7, lr;
	s5 =	simm.s32 $0xFFFFFFFF;
	p2 =	slt.u32 s8, $0xFFFFF086  }
0x1c: {  	p1 =	slt.u32 s9, $0xF7A;
	s5 =	simm.s32 @!p2 $0x0  }
0x1d: {  	s5 =	simm.s32 @p1 $0x1;
	p0 =	seq.s32 s7, s2  }
0x1e: {  	s7 =	smul.u32 @!p0 $0xF7A, s2;
	p2 =	seq.s32 @!p0 s5, $0x0  }
0x1f: {  	s9 =	smul.u32 $0xF7A, s1;
	s8 =	simm.s32 @!p0 $0x1BF5;
	p2 =	por !p2, p0  }
0x20: {  	[sflag:s8] =	ssyncset.s32 @!p0 $0xFFFFF086;
	s6 =	sadd.s32 @!p0 s3, s7;
	s7 =	simm.s32 @!p0 $0x108  }
0x21: {  	s3 =	sadd.s32 s3, s9;
	s6 =	sadd.s32 @!p0 $0x88, s6;
	s7 =	simm.s32 @p2 $0x1082  }
0x22: {  	[simem:s7], [sflag:s8] =	dma.local @!p0 [hbm:s6], $0xF7A  }
0x23: {  	s9 =	sor.u32 $0xD0000000, s2;
	s6 =	simm.s32 $0x108;
	_ =	swait.ge @!p0 [sflag:s8], $0x0  }
0x24: {  	s3 =	sadd.s32 $0x88, s3;
	s6 =	simm.s32 @!p1 $0x1082;
	[sflag:s4] =	ssyncset.s32 $0xFFFFF086  }
0x25: {  	[simem:s6], [sflag:s4] =	dma.local [hbm:s3], $0xF7A  }
0x26: {  	[smem:$0x3F9B] =	sst s1;
	(tag) =	ssettag s2;
	_ =	strace s9  }
0x27: {  	s1 =	sld [smem:$0x3FAB]  }
0x28: {  	s2 =	sld [smem:$0x3FAC]  }
0x29: {  	s4 =	sld [smem:$0x3FAE]  }
0x2a: {  	p0 =	seq.s32 s5, $0x0;
	s5 =	sld [smem:$0x3FAF]  }
0x2b: {  	s6 =	sld [smem:$0x3FB0]  }
0x2c: {  	s7 =	sld [smem:$0x3FB1]  }
0x2d: {  	s3 =	simm.s32 $0x108;
	s8 =	sld [smem:$0x3FB2]  }
0x2e: {  	s3 =	simm.s32 @!p0 $0x1082;
	s9 =	sld [smem:$0x3FB3]  }
0x2f: {  	lr =	sadd.s32 s0, s3;
	s0 =	sld [smem:$0x3FAA]  }
0x30: {  	s3 =	sld [smem:$0x3FAD]  }
0x31: {  	[smem:$0x3FB6] =	sst s10  }
0x32: {  	s10 =	sld [smem:$0x3FB4];
	_ =	sdelay $0x3  }
0x33: {  	p0 =	seq.s32 s10, $0x1;
	s10 =	sld [smem:$0x3FB6];
	_ =	sdelay $0x3  }
0x34: {  	[smem:$0x3FB6] =	sst s10  }
0x35: {  	s10 =	sld [smem:$0x3FB5];
	_ =	sdelay $0x3  }
0x36: {  	p1 =	seq.s32 s10, $0x1;
	s10 =	sld [smem:$0x3FB6];
	_ =	sdelay $0x3  }
0x37: {  	[smem:$0x3FB6] =	sst s10  }
0x38: {  	s10 =	sld [smem:$0x3FB7]  }
0x39: {  	_ = 	snop;
	(pc) =	sbr.ind lr, $3  }
0x3a: {  	_ = 	snop  }
0x3b: {  	_ = 	snop  }
0x3c: {  	p2 =	seq.s32 s10, $0x1;
	s10 =	sld [smem:$0x3FB6]  }
0x3d: {  	_ =	shalt  }
0x3e: {  	_ =	shalt  }
0x3f: {  	_ =	shalt  }
0x40: {  	_ =	shalt  }
0x41: {  	_ =	shalt  }
0x42: {  	_ =	shalt  }
0x43: {  	_ =	shalt  }
0x44: {  	_ =	shalt  }
0x45: {  	_ =	shalt  }
0x46: {  	_ =	shalt  }
0x47: {  	_ =	shalt  }
0x48: {  	_ =	shalt  }
0x49: {  	_ =	shalt  }
0x4a: {  	_ =	shalt  }
0x4b: {  	_ =	shalt  }
0x4c: {  	_ =	shalt  }
0x4d: {  	_ =	shalt  }
0x4e: {  	_ =	shalt  }
0x4f: {  	_ =	shalt  }
0x50: {  	_ =	shalt  }
0x51: {  	_ =	shalt  }
0x52: {  	_ =	shalt  }
0x53: {  	_ =	shalt  }
0x54: {  	_ =	shalt  }
0x55: {  	_ =	shalt  }
0x56: {  	_ =	shalt  }
0x57: {  	_ =	shalt  }
0x58: {  	_ =	shalt  }
0x59: {  	_ =	shalt  }
0x5a: {  	_ =	shalt  }
0x5b: {  	_ =	shalt  }
0x5c: {  	_ =	shalt  }
0x5d: {  	_ =	shalt  }
0x5e: {  	_ =	shalt  }
0x5f: {  	_ =	shalt  }
0x60: {  	_ =	shalt  }
0x61: {  	_ =	shalt  }
0x62: {  	_ =	shalt  }
0x63: {  	_ =	shalt  }
0x64: {  	_ =	shalt  }
0x65: {  	_ =	shalt  }
0x66: {  	_ =	shalt  }
0x67: {  	_ =	shalt  }
0x68: {  	_ =	shalt  }
0x69: {  	_ =	shalt  }
0x6a: {  	_ =	shalt  }
0x6b: {  	_ =	shalt  }
0x6c: {  	_ =	shalt  }
0x6d: {  	_ =	shalt  }
0x6e: {  	_ =	shalt  }
0x6f: {  	_ =	shalt  }
0x70: {  	_ =	shalt  }
0x71: {  	_ =	shalt  }
0x72: {  	_ =	shalt  }
0x73: {  	_ =	shalt  }
0x74: {  	_ =	shalt  }
0x75: {  	_ =	shalt  }
0x76: {  	_ =	shalt  }
0x77: {  	_ =	shalt  }
0x78: {  	_ =	shalt  }
0x79: {  	_ =	shalt  }
0x7a: {  	_ =	shalt  }
0x7b: {  	_ =	shalt  }
0x7c: {  	_ =	shalt  }
0x7d: {  	_ =	shalt  }
0x7e: {  	_ =	shalt  }
0x7f: {  	_ =	shalt  }
0x80: {  	_ =	shalt  }
0x81: {  	_ =	shalt  }
0x82: {  	_ =	shalt  }
0x83: {  	_ =	shalt  }
0x84: {  	_ =	shalt  }
0x85: {  	_ =	shalt  }
0x86: {  	_ =	shalt  }
0x87: {  	_ =	shalt  }
.Lfunc_end0:
.L_simem_size_0:
called_computation.2_lowered:
.L_overlay_start_0:
0x88: {  	s2 =	sld [smem:$0x3FD9]  }
0x89: {  	s3 =	sld [smem:$0x3FFE];
	_ =	sdelay $0x1  }
0x8a: {  	s1 =	srdreg.scid  }
0x8b: {  	s0 =	sand.u32 $0x1, s1  }
0x8c: {  	s17 =	sshll.u32 s0, $0xA;
	s2 =	sadd.s32 s3, s2  }
0x8d: {  	s2 =	sadd.s32 s2, s17  }
0x8e: {  	[smem:$0x3FC2] =	sst s2  }
0x8f: {  	_ = 	snop  }
0x90: {  	(tm) =	ssettm $0x1  }
0x91: {  	s18 =	sld [smem:$0x3FFB];
	_ =	sdelay $0x3  }
0x92: {  	_ =	strace s18  }
0x93: {  	s2 =	sld [smem:$0x3FFC];
	_ =	sdelay $0x3  }
0x94: {  	_ =	strace s2  }
0x95: {  	s2 =	sld [smem:$0x3FFD];
	_ =	sdelay $0x3  }
0x96: {  	_ =	strace s2  }
0x97: {  	_ =	strace $0x8FFFFFFF  }
0x98: {  	s19 =	sld [smem:$0x3FDB];
	_ =	sdelay $0x1  }
0x99: {  	s20 =	simm.s32 $_scs_section_size  }
0x9a: {  	s4 =	simm.s32 $_size__tile_overlayer_lowered;
	s5 =	simm.s32 $_tile_overlayer_lowered  }
0x9b: {  	s6 =	simm.s32 $0x1BFF;
	s21 =	sshll.u32 s5, $0x1;
	s3 =	sadd.s32 s20, s19  }
0x9c: {  	s22 =	simm.s32 $0x0;
	s4 =	sshll.u32 s4, $0x1;
	s5 =	sadd.s32 s21, s3  }
0x9d: {  	[timem:s22], [sflag:s6] =	dma.local [hbm:s5], s4  }
0x9e: {  	_ =	swait.ge [sflag:s6], s4  }
0x9f: {  	s4 =	ssub.s32 $0x0, s4;
	[sflag:s6] =	ssyncset.done $0x0  }
0xa0: {  	[sflag:s6] =	ssyncadd.s32 s4;
	_ =	sdelay $0x1  }
0xa1: {  	s23 =	simm.s32 $0x1B8B  }
0xa2: {  	_ =	swait.ge [sflag:s23], $0x1  }
0xa3: {  	[sflag:s23] =	ssyncset.done $0x0  }
0xa4: {  	[sflag:s23] =	ssyncadd.s32 $0xFFFFFFFF  }
0xa5: {  	s4 =	sld [smem:$0x0]  }
0xa6: {  	s5 =	sand.u32 $0xFFFFFFFE, s1  }
0xa7: {  	p0 =	sne.s32 s1, s5  }
0xa8: {  	s5 =	sshll.u32 @p0 s5, $0xE  }
0xa9: {  	s5 =	sadd.s32 @p0 $0x11B8D, s5;
	s6 =	sshll.u32 @p0 s4, $0x11  }
0xaa: {  	s5 =	sor.u32 @p0 s6, s5  }
0xab: {  	[sflag:s5] =	ssyncadd.remote.s32 @p0 $0x1;
	_ =	sdelay $0x1  }
0xac: {  	s5 =	simm.s32 @p0 $0x1B8D  }
0xad: {  	_ =	swait.eq @p0 [sflag:s5], $0x1  }
0xae: {  	[sflag:s5] =	ssyncadd.s32 @p0 $0xFFFFFFFF  }
0xaf: {  	s6 =	sshll.u32 @!p0 s1, $0xE  }
0xb0: {  	s6 =	sor.u32 @!p0 $0x4000, s6;
	s5 =	simm.s32 @!p0 $0x1B8D  }
0xb1: {  	s4 =	sshll.u32 @!p0 s4, $0x11;
	s6 =	sadd.s32 @!p0 $0x11B8D, s6;
	_ =	swait.eq @!p0 [sflag:s5], $0x1  }
0xb2: {  	s4 =	sor.u32 @!p0 s4, s6;
	[sflag:s5] =	ssyncadd.s32 @!p0 $0xFFFFFFFF  }
0xb3: {  	s25 =	simm.s32 $0x1B8E;
	s24 =	sld [smem:$0x3FFE];
	[sflag:s4] =	ssyncadd.remote.s32 @!p0 $0x1  }
0xb4: {  	s26 =	simm.s32 $execute0_lowered;
	[smem:$0x3FD2] =	sst s25  }
0xb5: {  	s5 =	sshll.u32 s26, $0x1;
	_ =	strace $0x80000049;
	[dreg:$0x1] =	wrdreg $0xFFFFFFFF  }
0xb6: {  	s28 =	simm.s32 $_size_execute0_lowered;
	s3 =	sadd.s32 s3, s5;
	[dreg:$0x0] =	wrdreg $0x0  }
0xb7: {  	s5 =	sshll.u32 s28, $0x1;
	[dreg:$0x2] =	wrdreg s3  }
0xb8: {  	[dreg:$0x3] =	wrdreg s5  }
0xb9: {  	[dreg:$0x4] =	wrdreg $0xC0  }
0xba: {  	_ =	task [dreg:s22], $0x5FFFF  }
0xbb: {  	[dreg:$0x1] =	wrdreg $0xFFFFFFFF  }
0xbc: {  	[dreg:$0x0] =	wrdreg $0x60  }
0xbd: {  	[dreg:$0x2] =	wrdreg s24  }
0xbe: {  	[dreg:$0x3] =	wrdreg $0xB  }
0xbf: {  	_ =	task.clear_ibuf [dreg:s22], $0x4FFFF;
	_ =	strace $0x90000049  }
0xc0: {  	s29 =	simm.s32 $0xB;
	_ =	strace $0x8000004B  }
0xc1: {  	_ =	swait.ge [sflag:s29], $0x1  }
0xc2: {  	[sflag:s29] =	ssyncadd.s32 $0xFFFFFFFF  }
0xc3: {  	_ =	strace $0x9000004B  }
0xc4: {  	_ =	sfence  }
0xc5: {  	s30 =	sld [smem:$0x0];
	_ =	sdelay $0x2  }
0xc6: {  	s31 =	sshll.u32 s1, $0xD;
	s1 =	sshrl.u32 s1, $0x2  }
0xc7: {  	s4 =	sand.u32 $0x4000, s31;
	s1 =	sadd.s32 s1, s30  }
0xc8: {  	s0 =	sor.u32 s4, s0;
	s1 =	sshll.u32 s1, $0x11  }
0xc9: {  	s0 =	sor.u32 s1, s0  }
0xca: {  	s0 =	sadd.s32 $0x8F2B, s0  }
0xcb: {  	[sflag:s0] =	ssyncadd.remote.s32 $0x1  }
0xcc: {  	_ =	sfence.sel $0xFFFF  }
0xcd: {  	[dreg:$0x0] =	wrdreg $0xFFFFFFFF;
	(pc) =	sbr.abs _section_cstart, $3  }
0xce: {  	[dreg:$0x1] =	wrdreg $0xFFFFFFFF  }
0xcf: {  	_ =	task.clear_ibuf [dreg:s22], $0x2FFFF;
	_ =	strace $0x9FFFFFFF  }
0xd0: {  	(tm) =	ssettm $0x7FFFFFFF  }
0xd1: {  	_ =	shalt  }
tec
execute0_lowered:
.L_overlay_start_1:
0x0: {  	(tag) =	ssettag $0x1  }
0x1: {  	s1 =	srdreg.scid  }
0x2: {  	s0 =	stileid.u32;
	s4 =	rddreg [dreg:$0x0];
	s2 =	simm.s32 $0x0  }
0x3: {  	s12 =	simm.s32 $0x1900;
	s13 =	simm.s32 $0x3900;
	s14 =	simm.s32 $0x1  }
0x4: {  	s15 =	simm.s32 $0x40;
	s16 =	simm.s32 $0x2;
	s17 =	simm.s32 $0x3  }
0x5: {  	s18 =	simm.s32 $0x4;
	s3 =	sand.u32 $0x1, s1;
	s1 =	rddreg [dreg:$0x1]  }
0x6: {  	s19 =	simm.s32 $0x0;
	s29 =	sshll.u32 s0, $0x1;
	[smem:$0x7FF] =	sst s2  }
0x7: {  	s8 =	sshll.u32 s0, $0x3;
	s10 =	sadd.s32 $0x3E7400, s4;
	s5 =	sor.u32 s3, s29  }
0x8: {  	_ =	strace $0x8000004A;
	s6 =	smul.u32 $0x320, s5;
	s5 =	sand.u32 $0xF, s5  }
0x9: {  	s7 =	ssub.s32 $0x2, s3;
	s3 =	sadd.s32 $0x193E00, s4;
	s5 =	smul.u32 $0xC8000, s5  }
0xa: {  	s8 =	sand.u32 $0x40, s8;
	s9 =	sshrl.u32 s7, $0x1;
	s6 =	sadd.s32 s6, s4  }
0xb: {  	s7 =	ssub.s32 s7, s9;
	s8 =	sor.u32 s8, s5;
	s4 =	sadd.s32 $0x13800, s6  }
0xc: {  	s5 =	smax.u32 s7, $0x1;
	s30 =	sshrl.u32 s8, $0x3;
	s31 =	sadd.s32 $0xC4000, s8  }
0xd: {  	s8 =	sor.u32 $0x4000, s8;
	s6 =	sadd.s32 s30, s10;
	s9 =	sshrl.u32 s31, $0x3  }
0xe: {  	s11 =	sshrl.u32 s8, $0x3;
	s7 =	sadd.s32 $0x18000, s6;
	s8 =	sadd.s32 s10, s9  }
0xf: {  	s9 =	sadd.s32 s11, s10;
	s10 =	simm.s32 $0x5;
	s11 =	simm.s32 $0x80  }
.LBB2_1:
0x10: {  	[tilespmem:s2], [sflag:$0x5] =	stream.linear.gather [hbm4b:s4+s2], $0x1900, $0x38;
	[tilespmem:$0x5900] =	vst v63  }
0x11: {  	_ =	swait.ge [sflag:s10], $0x1900  }
0x12: {  	[sflag:s10] =	ssyncset.done $0x0  }
0x13: {  	[sflag:s10] =	ssyncadd.s32 $0xFFFFE700  }
0x14: {  	[tilespmem:s12], [sflag:$0x1] =	stream.indirect.gather [hbm4b:s3+s11], $0x40, s2, s11, $0xb8;
	[tilespmem:$0x5900] =	vst v63  }
0x15: {  	_ = 	snop  }
0x16: {  	[tilespmem:s13], [sflag:$0x2] =	stream.indirect.gather [hbm4b:s3+s11], $0x40, s11, s11, $0xb8;
	[tilespmem:$0x5900] =	vst v63  }
0x17: {  	_ =	swait.ge [sflag:s14], $0x2000  }
0x18: {  	[sflag:s14] =	ssyncset.done $0x0  }
0x19: {  	s20 =	sadd.s32 $0x0, s6;
	[sflag:s14] =	ssyncadd.s32 $0xFFFFE000  }
0x1a: {  	[hbm4b:s20+s15] =	stream.strided.scatter [tilespmem:s12], [sflag:$0x3], $0x2000, s11, s15, $0x38;
	[tilespmem:$0x5900] =	vst v63  }
0x1b: {  	_ =	swait.ge [sflag:s16], $0x2000  }
0x1c: {  	[sflag:s16] =	ssyncset.done $0x0  }
0x1d: {  	s30 =	sadd.s32 $0x0, s9;
	[sflag:s16] =	ssyncadd.s32 $0xFFFFE000  }
0x1e: {  	[hbm4b:s30+s15] =	stream.strided.scatter [tilespmem:s13], [sflag:$0x4], $0x2000, s11, s15, $0x38;
	[tilespmem:$0x5900] =	vst v63  }
0x1f: {  	_ =	swait.ge [sflag:s17], $0x2000  }
0x20: {  	[sflag:s17] =	ssyncset.done $0x0  }
0x21: {  	s31 =	simm.s32 $0x100;
	[sflag:s17] =	ssyncadd.s32 $0xFFFFE000  }
0x22: {  	[tilespmem:s12], [sflag:$0x1] =	stream.indirect.gather [hbm4b:s3+s11], $0x40, s31, s11, $0xb8;
	[tilespmem:$0x5900] =	vst v63  }
0x23: {  	_ =	swait.ge [sflag:s18], $0x2000  }
0x24: {  	s21 =	simm.s32 $0x1000;
	[sflag:s18] =	ssyncset.done $0x0  }
0x25: {  	s22 =	simm.s32 $0x280;
	s20 =	simm.s32 $0x180;
	[sflag:s18] =	ssyncadd.s32 $0xFFFFE000  }
.LBB2_2:
0x26: {  	[tilespmem:s13], [sflag:$0x2] =	stream.indirect.gather [hbm4b:s3+s11], $0x40, s20, s11, $0xb8;
	[tilespmem:$0x5900] =	vst v63  }
0x27: {  	s23 =	smov.u32 s21;
	s20 =	smov.u32 s22  }
0x28: {  	p0 =	sne.s32 s21, $0x17000;
	s21 =	sadd.s32 $0x1000, s21;
	_ =	swait.ge [sflag:s14], $0x2000  }
0x29: {  	[sflag:s14] =	ssyncset.done $0x0  }
0x2a: {  	s24 =	sadd.s32 s23, s6;
	[sflag:s14] =	ssyncadd.s32 $0xFFFFE000  }
0x2b: {  	[hbm4b:s24+s15] =	stream.strided.scatter [tilespmem:s12], [sflag:$0x3], $0x2000, s11, s15, $0x38;
	[tilespmem:$0x5900] =	vst v63  }
0x2c: {  	_ =	swait.ge [sflag:s16], $0x2000  }
0x2d: {  	[sflag:s16] =	ssyncset.done $0x0  }
0x2e: {  	s23 =	sadd.s32 s23, s9;
	[sflag:s16] =	ssyncadd.s32 $0xFFFFE000  }
0x2f: {  	[hbm4b:s23+s15] =	stream.strided.scatter [tilespmem:s13], [sflag:$0x4], $0x2000, s11, s15, $0x38;
	[tilespmem:$0x5900] =	vst v63  }
0x30: {  	_ =	swait.ge [sflag:s17], $0x2000  }
0x31: {  	[sflag:s17] =	ssyncset.done $0x0  }
.Ltmp0:
0x32: {  	s23 =	sadd.s32 $0xFFFFFF80, s22;
	[sflag:s17] =	ssyncadd.s32 $0xFFFFE000;
	(pc) =	sbr.rel @p0 .LBB2_2-.Ltmp0, $4  }
0x33: {  	[tilespmem:s12], [sflag:$0x1] =	stream.indirect.gather [hbm4b:s3+s11], $0x40, s23, s11, $0xb8;
	[tilespmem:$0x5900] =	vst v63  }
0x34: {  	_ =	swait.ge [sflag:s18], $0x2000  }
0x35: {  	[sflag:s18] =	ssyncset.done $0x0  }
0x36: {  	s22 =	sadd.s32 $0x100, s22;
	[sflag:s18] =	ssyncadd.s32 $0xFFFFE000  }
0x37: {  	[tilespmem:s13], [sflag:$0x2] =	stream.indirect.gather [hbm4b:s3+s11], $0x40, s20, s11, $0xb8;
	[tilespmem:$0x5900] =	vst v63  }
0x38: {  	_ =	swait.ge [sflag:s14], $0x2000  }
0x39: {  	[sflag:s14] =	ssyncset.done $0x0  }
0x3a: {  	[sflag:s14] =	ssyncadd.s32 $0xFFFFE000  }
0x3b: {  	[hbm4b:s7+s15] =	stream.strided.scatter [tilespmem:s12], [sflag:$0x3], $0x2000, s11, s15, $0x38;
	[tilespmem:$0x5900] =	vst v63  }
0x3c: {  	_ =	swait.ge [sflag:s16], $0x2000  }
0x3d: {  	[sflag:s16] =	ssyncset.done $0x0  }
0x3e: {  	s19 =	sadd.s32 $0x1, s19;
	[sflag:s16] =	ssyncadd.s32 $0xFFFFE000  }
0x3f: {  	[hbm4b:s8+s15] =	stream.strided.scatter [tilespmem:s13], [sflag:$0x4], $0x2000, s11, s15, $0x38;
	[tilespmem:$0x5900] =	vst v63  }
0x40: {  	p0 =	sne.s32 s19, s5;
	_ =	swait.ge [sflag:s17], $0x2000  }
.Ltmp1:
0x41: {  	[sflag:s17] =	ssyncset.done $0x0;
	(pc) =	sbr.rel @p0 .LBB2_1-.Ltmp1, $4  }
0x42: {  	[sflag:s17] =	ssyncadd.s32 $0xFFFFE000  }
0x43: {  	_ =	swait.ge [sflag:s18], $0x2000  }
0x44: {  	[sflag:s18] =	ssyncset.done $0x0  }
0x45: {  	[sflag:s18] =	ssyncadd.s32 $0xFFFFE000  }
0x46: {  	_ =	sfence.sel $0x180000  }
0x47: {  	[bflag:$0x0] =	sbarrier.arrive $0xFFFF  }
0x48: {  	p0 =	sne.s32 s0, $0x0;
	_ =	strace $0x9000004A  }
0x49: {  	s0 =	sadd.s32 @!p0 $0x100000, s1;
	[bflag:$0x2] =	sbarrier.arrive $0xFFFF  }
0x4a: {  	[sflag:s0] =	ssyncadd.tile.s32 @!p0 $0x1;
	_ =	shalt  }
.Lfunc_end2:
_tile_overlayer_lowered:
.L_overlay_start_2:
0x4b: {  	(tag) =	ssettag $0x2  }
0x4c: {  	s0 =	rddreg [dreg:$0x0];
	s2 =	stileid.u32  }
0x4d: {  	s1 =	rddreg [dreg:$0x1];
	p0 =	sne.s32 s2, $0x0  }
0x4e: {  	s3 =	rddreg [dreg:$0x2];
	[bflag:$0x3] =	sbarrier.arrive $0xFFFF;
	s2 =	simm.s32 @!p0 $0x1C05  }
0x4f: {  	[timem:s3], [sflag:s2] =	dma.local @!p0 [hbm:s0], s1  }
0x50: {  	s0 =	simm.s32 @!p0 $0x5  }
0x51: {  	_ =	swait.ge @!p0 [sflag:s0], s1  }
0x52: {  	s1 =	ssub.s32 @!p0 $0x0, s1;
	[sflag:s0] =	ssyncset.done @!p0 $0x0  }
0x53: {  	[sflag:s0] =	ssyncadd.s32 @!p0 s1  }
0x54: {  	[bflag:$0x3] =	sbarrier.arrive $0xFFFF  }
0x55: {  	_ =	shalt  }

// kernel: kernel.20.cloned.1.call-start
scs
__scs_entry_jumppad:
0x0: {  	(pc) =	sbr.rel $0x88, $3  }
0x1: {  	(tag) =	ssettag $0x0;
	lr =	simm.s32 $0x1  }
0x2: {  	[smem:$0x3F9B] =	sst lr;
	_ =	strace $0xD0000000  }
0x3: {  	_ = 	snop  }
0x4: {  	_ = 	snop  }
0x5: {  	_ = 	snop  }
0x6: {  	_ = 	snop  }
0x7: {  	_ = 	snop  }
__scs_overlays_trampoline_lowered:
0x8: {  	[smem:$0x3FAA] =	sst s0  }
0x9: {  	[smem:$0x3FAB] =	sst s1  }
0xa: {  	[smem:$0x3FAC] =	sst s2  }
0xb: {  	[smem:$0x3FAD] =	sst s3  }
0xc: {  	[smem:$0x3FAE] =	sst s4  }
0xd: {  	[smem:$0x3FAF] =	sst s5  }
0xe: {  	[smem:$0x3FB0] =	sst s6  }
0xf: {  	[smem:$0x3FB1] =	sst s7  }
0x10: {  	[smem:$0x3FB2] =	sst s8  }
0x11: {  	[smem:$0x3FB3] =	sst s9;
	s0 =	simm.s32 @!p0 $0x0  }
0x12: {  	s1 =	sld [smem:$0x3F99];
	s0 =	simm.s32 @p0 $0x1  }
0x13: {  	[smem:$0x3FB4] =	sst s0;
	s0 =	simm.s32 @!p1 $0x0  }
0x14: {  	s2 =	sld [smem:$0x3F98];
	s0 =	simm.s32 @p1 $0x1  }
0x15: {  	[smem:$0x3FB5] =	sst s0;
	s0 =	simm.s32 @!p2 $0x0  }
0x16: {  	s3 =	sld [smem:$0x3FDB];
	s0 =	simm.s32 @p2 $0x1  }
0x17: {  	s4 =	simm.s32 $0x1BF5;
	[smem:$0x3FB7] =	sst s0  }
0x18: {  	s0 =	sld [smem:$0x3F9A];
	_ =	swait.ge [sflag:s4], $0x0  }
0x19: {  	s7 =	sld [smem:$0x3F9B]  }
0x1a: {  	s8 =	sadd.s32 $0xFFFFE003, lr  }
0x1b: {  	s9 =	sadd.s32 $0xFFFFFEF7, lr;
	s5 =	simm.s32 $0xFFFFFFFF;
	p2 =	slt.u32 s8, $0xFFFFF086  }
0x1c: {  	p1 =	slt.u32 s9, $0xF7A;
	s5 =	simm.s32 @!p2 $0x0  }
0x1d: {  	s5 =	simm.s32 @p1 $0x1;
	p0 =	seq.s32 s7, s2  }
0x1e: {  	s7 =	smul.u32 @!p0 $0xF7A, s2;
	p2 =	seq.s32 @!p0 s5, $0x0  }
0x1f: {  	s9 =	smul.u32 $0xF7A, s1;
	s8 =	simm.s32 @!p0 $0x1BF5;
	p2 =	por !p2, p0  }
0x20: {  	[sflag:s8] =	ssyncset.s32 @!p0 $0xFFFFF086;
	s6 =	sadd.s32 @!p0 s3, s7;
	s7 =	simm.s32 @!p0 $0x108  }
0x21: {  	s3 =	sadd.s32 s3, s9;
	s6 =	sadd.s32 @!p0 $0x88, s6;
	s7 =	simm.s32 @p2 $0x1082  }
0x22: {  	[simem:s7], [sflag:s8] =	dma.local @!p0 [hbm:s6], $0xF7A  }
0x23: {  	s9 =	sor.u32 $0xD0000000, s2;
	s6 =	simm.s32 $0x108;
	_ =	swait.ge @!p0 [sflag:s8], $0x0  }
0x24: {  	s3 =	sadd.s32 $0x88, s3;
	s6 =	simm.s32 @!p1 $0x1082;
	[sflag:s4] =	ssyncset.s32 $0xFFFFF086  }
0x25: {  	[simem:s6], [sflag:s4] =	dma.local [hbm:s3], $0xF7A  }
0x26: {  	[smem:$0x3F9B] =	sst s1;
	(tag) =	ssettag s2;
	_ =	strace s9  }
0x27: {  	s1 =	sld [smem:$0x3FAB]  }
0x28: {  	s2 =	sld [smem:$0x3FAC]  }
0x29: {  	s4 =	sld [smem:$0x3FAE]  }
0x2a: {  	p0 =	seq.s32 s5, $0x0;
	s5 =	sld [smem:$0x3FAF]  }
0x2b: {  	s6 =	sld [smem:$0x3FB0]  }
0x2c: {  	s7 =	sld [smem:$0x3FB1]  }
0x2d: {  	s3 =	simm.s32 $0x108;
	s8 =	sld [smem:$0x3FB2]  }
0x2e: {  	s3 =	simm.s32 @!p0 $0x1082;
	s9 =	sld [smem:$0x3FB3]  }
0x2f: {  	lr =	sadd.s32 s0, s3;
	s0 =	sld [smem:$0x3FAA]  }
0x30: {  	s3 =	sld [smem:$0x3FAD]  }
0x31: {  	[smem:$0x3FB6] =	sst s10  }
0x32: {  	s10 =	sld [smem:$0x3FB4];
	_ =	sdelay $0x3  }
0x33: {  	p0 =	seq.s32 s10, $0x1;
	s10 =	sld [smem:$0x3FB6];
	_ =	sdelay $0x3  }
0x34: {  	[smem:$0x3FB6] =	sst s10  }
0x35: {  	s10 =	sld [smem:$0x3FB5];
	_ =	sdelay $0x3  }
0x36: {  	p1 =	seq.s32 s10, $0x1;
	s10 =	sld [smem:$0x3FB6];
	_ =	sdelay $0x3  }
0x37: {  	[smem:$0x3FB6] =	sst s10  }
0x38: {  	s10 =	sld [smem:$0x3FB7]  }
0x39: {  	_ = 	snop;
	(pc) =	sbr.ind lr, $3  }
0x3a: {  	_ = 	snop  }
0x3b: {  	_ = 	snop  }
0x3c: {  	p2 =	seq.s32 s10, $0x1;
	s10 =	sld [smem:$0x3FB6]  }
0x3d: {  	_ =	shalt  }
0x3e: {  	_ =	shalt  }
0x3f: {  	_ =	shalt  }
0x40: {  	_ =	shalt  }
0x41: {  	_ =	shalt  }
0x42: {  	_ =	shalt  }
0x43: {  	_ =	shalt  }
0x44: {  	_ =	shalt  }
0x45: {  	_ =	shalt  }
0x46: {  	_ =	shalt  }
0x47: {  	_ =	shalt  }
0x48: {  	_ =	shalt  }
0x49: {  	_ =	shalt  }
0x4a: {  	_ =	shalt  }
0x4b: {  	_ =	shalt  }
0x4c: {  	_ =	shalt  }
0x4d: {  	_ =	shalt  }
0x4e: {  	_ =	shalt  }
0x4f: {  	_ =	shalt  }
0x50: {  	_ =	shalt  }
0x51: {  	_ =	shalt  }
0x52: {  	_ =	shalt  }
0x53: {  	_ =	shalt  }
0x54: {  	_ =	shalt  }
0x55: {  	_ =	shalt  }
0x56: {  	_ =	shalt  }
0x57: {  	_ =	shalt  }
0x58: {  	_ =	shalt  }
0x59: {  	_ =	shalt  }
0x5a: {  	_ =	shalt  }
0x5b: {  	_ =	shalt  }
0x5c: {  	_ =	shalt  }
0x5d: {  	_ =	shalt  }
0x5e: {  	_ =	shalt  }
0x5f: {  	_ =	shalt  }
0x60: {  	_ =	shalt  }
0x61: {  	_ =	shalt  }
0x62: {  	_ =	shalt  }
0x63: {  	_ =	shalt  }
0x64: {  	_ =	shalt  }
0x65: {  	_ =	shalt  }
0x66: {  	_ =	shalt  }
0x67: {  	_ =	shalt  }
0x68: {  	_ =	shalt  }
0x69: {  	_ =	shalt  }
0x6a: {  	_ =	shalt  }
0x6b: {  	_ =	shalt  }
0x6c: {  	_ =	shalt  }
0x6d: {  	_ =	shalt  }
0x6e: {  	_ =	shalt  }
0x6f: {  	_ =	shalt  }
0x70: {  	_ =	shalt  }
0x71: {  	_ =	shalt  }
0x72: {  	_ =	shalt  }
0x73: {  	_ =	shalt  }
0x74: {  	_ =	shalt  }
0x75: {  	_ =	shalt  }
0x76: {  	_ =	shalt  }
0x77: {  	_ =	shalt  }
0x78: {  	_ =	shalt  }
0x79: {  	_ =	shalt  }
0x7a: {  	_ =	shalt  }
0x7b: {  	_ =	shalt  }
0x7c: {  	_ =	shalt  }
0x7d: {  	_ =	shalt  }
0x7e: {  	_ =	shalt  }
0x7f: {  	_ =	shalt  }
0x80: {  	_ =	shalt  }
0x81: {  	_ =	shalt  }
0x82: {  	_ =	shalt  }
0x83: {  	_ =	shalt  }
0x84: {  	_ =	shalt  }
0x85: {  	_ =	shalt  }
0x86: {  	_ =	shalt  }
0x87: {  	_ =	shalt  }
.Lfunc_end0:
.L_simem_size_0:
called_computation.3_lowered:
.L_overlay_start_0:
0x88: {  	s2 =	sld [smem:$0x3FD9]  }
0x89: {  	s3 =	sld [smem:$0x3FFE];
	_ =	sdelay $0x1  }
0x8a: {  	s1 =	srdreg.scid  }
0x8b: {  	s0 =	sand.u32 $0x1, s1  }
0x8c: {  	s16 =	sshll.u32 s0, $0xA;
	s2 =	sadd.s32 s3, s2  }
0x8d: {  	s2 =	sadd.s32 s2, s16  }
0x8e: {  	[smem:$0x3FC2] =	sst s2  }
0x8f: {  	_ = 	snop  }
0x90: {  	(tm) =	ssettm $0x1  }
0x91: {  	s17 =	sld [smem:$0x3FFB];
	_ =	sdelay $0x3  }
0x92: {  	_ =	strace s17  }
0x93: {  	s2 =	sld [smem:$0x3FFC];
	_ =	sdelay $0x3  }
0x94: {  	_ =	strace s2  }
0x95: {  	s2 =	sld [smem:$0x3FFD];
	_ =	sdelay $0x3  }
0x96: {  	_ =	strace s2  }
0x97: {  	_ =	strace $0x8FFFFFFF  }
0x98: {  	s18 =	sld [smem:$0x3FDB];
	_ =	sdelay $0x1  }
0x99: {  	s19 =	simm.s32 $_scs_section_size  }
0x9a: {  	s4 =	simm.s32 $_size__tile_overlayer_lowered;
	s5 =	simm.s32 $_tile_overlayer_lowered  }
0x9b: {  	s22 =	simm.s32 $0x1BFF;
	s21 =	sshll.u32 s5, $0x1;
	s2 =	sadd.s32 s19, s18  }
0x9c: {  	s6 =	simm.s32 $0x0;
	s20 =	sshll.u32 s4, $0x1;
	s4 =	sadd.s32 s21, s2  }
0x9d: {  	[timem:s6], [sflag:s22] =	dma.local [hbm:s4], s20  }
0x9e: {  	_ =	swait.ge [sflag:s22], s20  }
0x9f: {  	s3 =	ssub.s32 $0x0, s20;
	[sflag:s22] =	ssyncset.done $0x0  }
0xa0: {  	[sflag:s22] =	ssyncadd.s32 s3;
	_ =	sdelay $0x1  }
0xa1: {  	s23 =	simm.s32 $0x1B8B  }
0xa2: {  	_ =	swait.ge [sflag:s23], $0x1  }
0xa3: {  	[sflag:s23] =	ssyncset.done $0x0  }
0xa4: {  	s25 =	simm.s32 $0x1B8E;
	s24 =	sld [smem:$0x3FFE];
	[sflag:s23] =	ssyncadd.s32 $0xFFFFFFFF  }
0xa5: {  	s26 =	simm.s32 $execute0_lowered;
	[smem:$0x3FD2] =	sst s25  }
0xa6: {  	s4 =	sshll.u32 s26, $0x1;
	_ =	strace $0x80000046;
	[dreg:$0x1] =	wrdreg $0xFFFFFFFF  }
0xa7: {  	s28 =	simm.s32 $_size_execute0_lowered;
	s2 =	sadd.s32 s2, s4;
	[dreg:$0x0] =	wrdreg $0x0  }
0xa8: {  	s4 =	sshll.u32 s28, $0x1;
	[dreg:$0x2] =	wrdreg s2  }
0xa9: {  	[dreg:$0x3] =	wrdreg s4  }
0xaa: {  	[dreg:$0x4] =	wrdreg $0xC0  }
0xab: {  	_ =	task [dreg:s6], $0x5FFFF  }
0xac: {  	[dreg:$0x1] =	wrdreg $0xFFFFFFFF  }
0xad: {  	[dreg:$0x0] =	wrdreg $0x60  }
0xae: {  	[dreg:$0x2] =	wrdreg s24  }
0xaf: {  	[dreg:$0x3] =	wrdreg $0xC  }
0xb0: {  	_ =	task.clear_ibuf [dreg:s6], $0x4FFFF;
	_ =	strace $0x90000046  }
0xb1: {  	s29 =	simm.s32 $0xC;
	_ =	strace $0x80000048  }
0xb2: {  	_ =	swait.ge [sflag:s29], $0x1  }
0xb3: {  	[sflag:s29] =	ssyncadd.s32 $0xFFFFFFFF  }
0xb4: {  	_ =	strace $0x90000048  }
0xb5: {  	_ =	sfence  }
0xb6: {  	s30 =	sld [smem:$0x0];
	_ =	sdelay $0x2  }
0xb7: {  	s31 =	sshll.u32 s1, $0xD;
	s1 =	sshrl.u32 s1, $0x2  }
0xb8: {  	s3 =	sand.u32 $0x4000, s31;
	s1 =	sadd.s32 s1, s30  }
0xb9: {  	s0 =	sor.u32 s3, s0;
	s1 =	sshll.u32 s1, $0x11  }
0xba: {  	s0 =	sor.u32 s1, s0  }
0xbb: {  	s0 =	sadd.s32 $0x8F2B, s0  }
0xbc: {  	[sflag:s0] =	ssyncadd.remote.s32 $0x1  }
0xbd: {  	_ =	sfence.sel $0xFFFF  }
0xbe: {  	[dreg:$0x0] =	wrdreg $0xFFFFFFFF;
	(pc) =	sbr.abs _section_cstart, $3  }
0xbf: {  	[dreg:$0x1] =	wrdreg $0xFFFFFFFF  }
0xc0: {  	_ =	task.clear_ibuf [dreg:s6], $0x2FFFF;
	_ =	strace $0x9FFFFFFF  }
0xc1: {  	(tm) =	ssettm $0x7FFFFFFF  }
tec
execute0_lowered:
.L_overlay_start_1:
0x0: {  	(tag) =	ssettag $0x1  }
0x1: {  	s1 =	srdreg.scid  }
0x2: {  	s0 =	stileid.u32;
	s4 =	rddreg [dreg:$0x0];
	s2 =	simm.s32 $0x0  }
0x3: {  	s12 =	simm.s32 $0x1900;
	s13 =	simm.s32 $0x3900;
	s14 =	simm.s32 $0x1  }
0x4: {  	s15 =	simm.s32 $0x40;
	s16 =	simm.s32 $0x2;
	s17 =	simm.s32 $0x3  }
0x5: {  	s18 =	simm.s32 $0x4;
	s3 =	sand.u32 $0x1, s1;
	s1 =	rddreg [dreg:$0x1]  }
0x6: {  	s19 =	simm.s32 $0x0;
	s29 =	sshll.u32 s0, $0x1;
	[smem:$0x7FF] =	sst s2  }
0x7: {  	s8 =	sshll.u32 s0, $0x3;
	s10 =	sadd.s32 $0x257400, s4;
	s5 =	sor.u32 s3, s29  }
0x8: {  	_ =	strace $0x80000047;
	s6 =	smul.u32 $0x320, s5;
	s5 =	sand.u32 $0xF, s5  }
0x9: {  	s7 =	ssub.s32 $0x2, s3;
	s3 =	sadd.s32 $0x193E00, s4;
	s5 =	smul.u32 $0xC8000, s5  }
0xa: {  	s8 =	sand.u32 $0x40, s8;
	s9 =	sshrl.u32 s7, $0x1;
	s6 =	sadd.s32 s6, s4  }
0xb: {  	s7 =	ssub.s32 s7, s9;
	s8 =	sor.u32 s8, s5;
	s4 =	sadd.s32 $0xD400, s6  }
0xc: {  	s5 =	smax.u32 s7, $0x1;
	s30 =	sshrl.u32 s8, $0x3;
	s31 =	sadd.s32 $0xC4000, s8  }
0xd: {  	s8 =	sor.u32 $0x4000, s8;
	s6 =	sadd.s32 s30, s10;
	s9 =	sshrl.u32 s31, $0x3  }
0xe: {  	s11 =	sshrl.u32 s8, $0x3;
	s7 =	sadd.s32 $0x18000, s6;
	s8 =	sadd.s32 s10, s9  }
0xf: {  	s9 =	sadd.s32 s11, s10;
	s10 =	simm.s32 $0x5;
	s11 =	simm.s32 $0x80  }
.LBB2_1:
0x10: {  	[tilespmem:s2], [sflag:$0x5] =	stream.linear.gather [hbm4b:s4+s2], $0x1900, $0x38;
	[tilespmem:$0x5900] =	vst v63  }
0x11: {  	_ =	swait.ge [sflag:s10], $0x1900  }
0x12: {  	[sflag:s10] =	ssyncset.done $0x0  }
0x13: {  	[sflag:s10] =	ssyncadd.s32 $0xFFFFE700  }
0x14: {  	[tilespmem:s12], [sflag:$0x1] =	stream.indirect.gather [hbm4b:s3+s11], $0x40, s2, s11, $0xb8;
	[tilespmem:$0x5900] =	vst v63  }
0x15: {  	_ = 	snop  }
0x16: {  	[tilespmem:s13], [sflag:$0x2] =	stream.indirect.gather [hbm4b:s3+s11], $0x40, s11, s11, $0xb8;
	[tilespmem:$0x5900] =	vst v63  }
0x17: {  	_ =	swait.ge [sflag:s14], $0x2000  }
0x18: {  	[sflag:s14] =	ssyncset.done $0x0  }
0x19: {  	s20 =	sadd.s32 $0x0, s6;
	[sflag:s14] =	ssyncadd.s32 $0xFFFFE000  }
0x1a: {  	[hbm4b:s20+s15] =	stream.strided.scatter [tilespmem:s12], [sflag:$0x3], $0x2000, s11, s15, $0x38;
	[tilespmem:$0x5900] =	vst v63  }
0x1b: {  	_ =	swait.ge [sflag:s16], $0x2000  }
0x1c: {  	[sflag:s16] =	ssyncset.done $0x0  }
0x1d: {  	s30 =	sadd.s32 $0x0, s9;
	[sflag:s16] =	ssyncadd.s32 $0xFFFFE000  }
0x1e: {  	[hbm4b:s30+s15] =	stream.strided.scatter [tilespmem:s13], [sflag:$0x4], $0x2000, s11, s15, $0x38;
	[tilespmem:$0x5900] =	vst v63  }
0x1f: {  	_ =	swait.ge [sflag:s17], $0x2000  }
0x20: {  	[sflag:s17] =	ssyncset.done $0x0  }
0x21: {  	s31 =	simm.s32 $0x100;
	[sflag:s17] =	ssyncadd.s32 $0xFFFFE000  }
0x22: {  	[tilespmem:s12], [sflag:$0x1] =	stream.indirect.gather [hbm4b:s3+s11], $0x40, s31, s11, $0xb8;
	[tilespmem:$0x5900] =	vst v63  }
0x23: {  	_ =	swait.ge [sflag:s18], $0x2000  }
0x24: {  	s21 =	simm.s32 $0x1000;
	[sflag:s18] =	ssyncset.done $0x0  }
0x25: {  	s22 =	simm.s32 $0x280;
	s20 =	simm.s32 $0x180;
	[sflag:s18] =	ssyncadd.s32 $0xFFFFE000  }
.LBB2_2:
0x26: {  	[tilespmem:s13], [sflag:$0x2] =	stream.indirect.gather [hbm4b:s3+s11], $0x40, s20, s11, $0xb8;
	[tilespmem:$0x5900] =	vst v63  }
0x27: {  	s23 =	smov.u32 s21;
	s20 =	smov.u32 s22  }
0x28: {  	p0 =	sne.s32 s21, $0x17000;
	s21 =	sadd.s32 $0x1000, s21;
	_ =	swait.ge [sflag:s14], $0x2000  }
0x29: {  	[sflag:s14] =	ssyncset.done $0x0  }
0x2a: {  	s24 =	sadd.s32 s23, s6;
	[sflag:s14] =	ssyncadd.s32 $0xFFFFE000  }
0x2b: {  	[hbm4b:s24+s15] =	stream.strided.scatter [tilespmem:s12], [sflag:$0x3], $0x2000, s11, s15, $0x38;
	[tilespmem:$0x5900] =	vst v63  }
0x2c: {  	_ =	swait.ge [sflag:s16], $0x2000  }
0x2d: {  	[sflag:s16] =	ssyncset.done $0x0  }
0x2e: {  	s23 =	sadd.s32 s23, s9;
	[sflag:s16] =	ssyncadd.s32 $0xFFFFE000  }
0x2f: {  	[hbm4b:s23+s15] =	stream.strided.scatter [tilespmem:s13], [sflag:$0x4], $0x2000, s11, s15, $0x38;
	[tilespmem:$0x5900] =	vst v63  }
0x30: {  	_ =	swait.ge [sflag:s17], $0x2000  }
0x31: {  	[sflag:s17] =	ssyncset.done $0x0  }
.Ltmp0:
0x32: {  	s23 =	sadd.s32 $0xFFFFFF80, s22;
	[sflag:s17] =	ssyncadd.s32 $0xFFFFE000;
	(pc) =	sbr.rel @p0 .LBB2_2-.Ltmp0, $4  }
0x33: {  	[tilespmem:s12], [sflag:$0x1] =	stream.indirect.gather [hbm4b:s3+s11], $0x40, s23, s11, $0xb8;
	[tilespmem:$0x5900] =	vst v63  }
0x34: {  	_ =	swait.ge [sflag:s18], $0x2000  }
0x35: {  	[sflag:s18] =	ssyncset.done $0x0  }
0x36: {  	s22 =	sadd.s32 $0x100, s22;
	[sflag:s18] =	ssyncadd.s32 $0xFFFFE000  }
0x37: {  	[tilespmem:s13], [sflag:$0x2] =	stream.indirect.gather [hbm4b:s3+s11], $0x40, s20, s11, $0xb8;
	[tilespmem:$0x5900] =	vst v63  }
0x38: {  	_ =	swait.ge [sflag:s14], $0x2000  }
0x39: {  	[sflag:s14] =	ssyncset.done $0x0  }
0x3a: {  	[sflag:s14] =	ssyncadd.s32 $0xFFFFE000  }
0x3b: {  	[hbm4b:s7+s15] =	stream.strided.scatter [tilespmem:s12], [sflag:$0x3], $0x2000, s11, s15, $0x38;
	[tilespmem:$0x5900] =	vst v63  }
0x3c: {  	_ =	swait.ge [sflag:s16], $0x2000  }
0x3d: {  	[sflag:s16] =	ssyncset.done $0x0  }
0x3e: {  	s19 =	sadd.s32 $0x1, s19;
	[sflag:s16] =	ssyncadd.s32 $0xFFFFE000  }
0x3f: {  	[hbm4b:s8+s15] =	stream.strided.scatter [tilespmem:s13], [sflag:$0x4], $0x2000, s11, s15, $0x38;
	[tilespmem:$0x5900] =	vst v63  }
0x40: {  	p0 =	sne.s32 s19, s5;
	_ =	swait.ge [sflag:s17], $0x2000  }
.Ltmp1:
0x41: {  	[sflag:s17] =	ssyncset.done $0x0;
	(pc) =	sbr.rel @p0 .LBB2_1-.Ltmp1, $4  }
0x42: {  	[sflag:s17] =	ssyncadd.s32 $0xFFFFE000  }
0x43: {  	_ =	swait.ge [sflag:s18], $0x2000  }
0x44: {  	[sflag:s18] =	ssyncset.done $0x0  }
0x45: {  	[sflag:s18] =	ssyncadd.s32 $0xFFFFE000  }
0x46: {  	_ =	sfence.sel $0x180000  }
0x47: {  	[bflag:$0x0] =	sbarrier.arrive $0xFFFF  }
0x48: {  	p0 =	sne.s32 s0, $0x0;
	_ =	strace $0x90000047  }
0x49: {  	s0 =	sadd.s32 @!p0 $0x100000, s1;
	[bflag:$0x2] =	sbarrier.arrive $0xFFFF  }
0x4a: {  	[sflag:s0] =	ssyncadd.tile.s32 @!p0 $0x1;
	_ =	shalt  }
.Lfunc_end2:
_tile_overlayer_lowered:
.L_overlay_start_2:
0x4b: {  	(tag) =	ssettag $0x2  }
0x4c: {  	s0 =	rddreg [dreg:$0x0];
	s2 =	stileid.u32  }
0x4d: {  	s1 =	rddreg [dreg:$0x1];
	p0 =	sne.s32 s2, $0x0  }
0x4e: {  	s3 =	rddreg [dreg:$0x2];
	[bflag:$0x3] =	sbarrier.arrive $0xFFFF;
	s2 =	simm.s32 @!p0 $0x1C05  }
0x4f: {  	[timem:s3], [sflag:s2] =	dma.local @!p0 [hbm:s0], s1  }
0x50: {  	s0 =	simm.s32 @!p0 $0x5  }
0x51: {  	_ =	swait.ge @!p0 [sflag:s0], s1  }
0x52: {  	s1 =	ssub.s32 @!p0 $0x0, s1;
	[sflag:s0] =	ssyncset.done @!p0 $0x0  }
0x53: {  	[sflag:s0] =	ssyncadd.s32 @!p0 s1  }
0x54: {  	[bflag:$0x3] =	sbarrier.arrive $0xFFFF  }
0x55: {  	_ =	shalt  }

</sc_bundles>
